<compile_context>
chip_gen: v7x
topology: tpu7x:2x2x1
jax: 0.10.2.dev20260603
libtpu: 0.0.44.dev20260713+nightly
codegen_flags: <defaults>
</compile_context>

<pallas_src>
import dataclasses
import math

import jax
import jax.numpy as jnp
from jax import lax
from jax.experimental import pallas as pl
from jax.experimental.pallas import tpu as pltpu
from jax.experimental.pallas import tpu_sc as plsc

N_NODES = 50000
NB = 16
H = 64
OUT = 128

NCH = 2
E_PAD = 819200
E_CH = E_PAD // NCH
ECT = E_CH // 16
GW = 6400
SK = 256
SKJ = SK // 128
BE = 2048
N_OUT = 51200
N_ACC = N_OUT
BN = 2048

_C0 = 1.0 / math.sqrt(4 * math.pi)
_C1 = math.sqrt(3 / (4 * math.pi))
_C2 = math.sqrt(15 / (4 * math.pi))
_C3 = math.sqrt(5 / (16 * math.pi))
_C4 = math.sqrt(15 / (16 * math.pi))


def _sc_compiler_params():
    cp = pltpu.CompilerParams(use_tc_tiling_on_sc=False)
    if "needs_layout_passes" in pltpu.CompilerParams.__dataclass_fields__:
        cp = dataclasses.replace(cp, needs_layout_passes=False)
    return cp


def _gather_windows(base, src_hbm, dst_hbm, idx_s, idx_d, comps):

    @pl.loop(0, ECT, step=GW)
    def _window(off):
        o = pl.multiple_of(base + off, GW)
        pltpu.sync_copy(src_hbm.at[pl.ds(o, GW)], idx_s)
        pltpu.sync_copy(dst_hbm.at[pl.ds(o, GW)], idx_d)

        @pl.loop(0, GW, step=16)
        def _grp(g):
            isv = idx_s[pl.ds(g, 16)]
            idv = idx_d[pl.ds(g, 16)]
            for tab, ow, _ in comps:
                ow[pl.ds(g, 16)] = (plsc.load_gather(tab, [idv])
                                    - plsc.load_gather(tab, [isv]))

        for _, ow, out_hbm in comps:
            pltpu.sync_copy(ow, out_hbm.at[pl.ds(o, GW)])


def _sc_gather_body(px_hbm, py_hbm, pz_hbm, src_hbm, dst_hbm,
                    rx_hbm, ry_hbm, rz_hbm,
                    tab0, tab1, idx_s, idx_d, o0, o1):
    c = lax.axis_index("c")
    s = lax.axis_index("s")
    base = s * ECT

    @pl.when(c == 0)
    def _():
        pltpu.sync_copy(px_hbm, tab0)
        pltpu.sync_copy(py_hbm, tab1)
        _gather_windows(base, src_hbm, dst_hbm, idx_s, idx_d,
                        [(tab0, o0, rx_hbm), (tab1, o1, ry_hbm)])

    @pl.when(c == 1)
    def _():
        pltpu.sync_copy(pz_hbm, tab0)
        _gather_windows(base, src_hbm, dst_hbm, idx_s, idx_d,
                        [(tab0, o0, rz_hbm)])


def _sc_scatter_body(pf_hbm, srcs_hbm, zero_hbm, agg_hbm, acc,
                     idx0, idx1, pfb0, pfb1, si0, sp0, si1, sp1):
    c = lax.axis_index("c")
    s = lax.axis_index("s")
    zrows = N_ACC // 16
    zoff = pl.multiple_of(s * zrows, 8)
    pltpu.sync_copy(zero_hbm.at[pl.ds(zoff, zrows)],
                    acc.at[pl.ds(zoff, zrows)])
    plsc.subcore_barrier()

    base = s * ECT

    def start(off, idxb, pfb, semi, semp):
        o = pl.multiple_of(off, SK)
        pltpu.async_copy(
            srcs_hbm.at[pl.ds(pl.multiple_of(o // 128, SKJ), SKJ)],
            idxb, semi)
        pltpu.async_copy(pf_hbm.at[c].at[pl.ds(o, SK)], pfb, semp)

    def wait(idxb, pfb, semi, semp):
        pltpu.make_async_copy(srcs_hbm.at[pl.ds(0, SKJ)], idxb, semi).wait()
        pltpu.make_async_copy(pf_hbm.at[c].at[pl.ds(0, SK)], pfb, semp).wait()

    def scatter(idxb, pfb):
        for j in range(SKJ):
            pltpu.sync_copy(pfb.at[pl.ds(j * 128, 128)],
                            acc.at[idxb.at[j]], add=True)

    start(base, idx0, pfb0, si0, sp0)

    @pl.loop(0, ECT, step=2 * SK)
    def _pair(off):
        o = base + off
        start(o + SK, idx1, pfb1, si1, sp1)
        wait(idx0, pfb0, si0, sp0)
        scatter(idx0, pfb0)

        @pl.when(off + 2 * SK < ECT)
        def _():
            start(o + 2 * SK, idx0, pfb0, si0, sp0)

        wait(idx1, pfb1, si1, sp1)
        scatter(idx1, pfb1)

    plsc.subcore_barrier()
    orows = N_OUT // 16
    ooff = pl.multiple_of(s * orows, 8)
    pltpu.sync_copy(acc.at[pl.ds(ooff, orows)],
                    agg_hbm.at[c].at[pl.ds(ooff, orows)])


def _silu(x):
    return x * (1.0 / (1.0 + jnp.exp(-x)))


def _geom(rx, ry, rz, cen, wid):
    d2 = rx * rx + ry * ry + rz * rz
    d = jnp.sqrt(d2)
    dc = jnp.maximum(d, 1e-6)
    inv = 1.0 / dc
    ux, uy, uz = rx * inv, ry * inv, rz * inv
    one = jnp.ones_like(ux)
    rbf = jnp.exp(-jnp.abs(wid) * (dc - cen) ** 2)
    return jnp.concatenate([
        rbf,
        _C0 * one,
        _C1 * uy,
        _C1 * uz,
        _C1 * ux,
        _C2 * ux * uy,
        _C2 * uy * uz,
        _C3 * (2.0 * uz * uz - ux * ux - uy * uy),
        _C2 * ux * uz,
        _C4 * (ux * ux - uy * uy),
    ], axis=0).astype(jnp.bfloat16)


def _hidden(rx, ry, rz, cen, wid, wf, bf):
    d2 = rx * rx + ry * ry + rz * rz
    d = jnp.sqrt(d2)
    dc = jnp.maximum(d, 1e-6)
    inv = 1.0 / dc
    ux, uy, uz = rx * inv, ry * inv, rz * inv
    one = jnp.ones_like(ux)
    rbf = jnp.exp(-jnp.abs(wid) * (dc - cen) ** 2)
    g = jnp.concatenate([
        rbf,
        _C0 * one,
        _C1 * uy,
        _C1 * uz,
        _C1 * ux,
        _C2 * ux * uy,
        _C2 * uy * uz,
        _C3 * (2.0 * uz * uz - ux * ux - uy * uy),
        _C2 * ux * uz,
        _C4 * (ux * ux - uy * uy),
    ], axis=0).astype(jnp.bfloat16)
    h = jnp.dot(wf, g, preferred_element_type=jnp.float32) + bf
    return _silu(h)


def _dotT(a, b):
    return jax.lax.dot_general(a, b, (((0,), (0,)), ((), ())),
                               preferred_element_type=jnp.float32)


def _tc_edge_body(rx_ref, ry_ref, rz_ref, cen_ref, wid_ref,
                  wf1_ref, b1f_ref, w2_ref, b2_ref, out_ref):
    rx = rx_ref[...].reshape(1, BE)
    ry = ry_ref[...].reshape(1, BE)
    rz = rz_ref[...].reshape(1, BE)
    g = _geom(rx, ry, rz, cen_ref[...], wid_ref[...])
    gT = g.T
    h1 = _silu(jnp.dot(gT, wf1_ref[...].T,
                       preferred_element_type=jnp.float32) + b1f_ref[...].T)
    pf = jnp.dot(h1.astype(jnp.bfloat16), w2_ref[...],
                 preferred_element_type=jnp.float32)
    pf = pf + b2_ref[...]
    q = BE // 4
    out_ref[0] = jnp.concatenate(
        [pf[k * q:(k + 1) * q, :32] for k in range(4)], axis=1)
    out_ref[1] = jnp.concatenate(
        [pf[k * q:(k + 1) * q, 32:] for k in range(4)], axis=1)


def _tc_node_body(posT_ref, zinc_ref, cen_ref, wid_ref,
                  wfz_ref, bzf_ref, agga_ref, aggb_ref, wn0_ref, wn1_ref,
                  wn2_ref, bn_ref, g_ref, b_ref, out_ref):
    p = posT_ref[...] - zinc_ref[...]
    zn = _hidden(p[0:1], p[1:2], p[2:3], cen_ref[...], wid_ref[...],
                 wfz_ref[...], bzf_ref[...])
    def unpack(ref, half):
        return jnp.concatenate(
            [ref[half][:, 32 * k:32 * (k + 1)] for k in range(4)], axis=0)

    a0 = unpack(agga_ref, 0) + unpack(aggb_ref, 0)
    a1 = unpack(agga_ref, 1) + unpack(aggb_ref, 1)
    h = (jnp.dot(a0, wn0_ref[...], preferred_element_type=jnp.float32)
         + jnp.dot(a1, wn1_ref[...], preferred_element_type=jnp.float32)
         + _dotT(zn, wn2_ref[...])
         + bn_ref[...])
    m = jnp.mean(h, axis=-1, keepdims=True)
    hc = h - m
    v = jnp.mean(hc * hc, axis=-1, keepdims=True)
    y = hc / jnp.sqrt(v + 1e-5) * g_ref[...] + b_ref[...]
    out_ref[...] = _silu(y)


def _full(shape):
    return pl.BlockSpec(shape, lambda i: tuple(0 for _ in shape))


def kernel(pos, zinc_pos, edge_index, rbf_centers, rbf_widths, sh_w, sh_b,
           w1, b1, w2, b2, wz, bz, wn, bn, gamma, beta):
    E = edge_index.shape[1]
    pad = E_PAD - E
    src = edge_index[0].astype(jnp.int32)
    dst = edge_index[1].astype(jnp.int32)
    src_g = jnp.concatenate([src, jnp.zeros((pad,), jnp.int32)])
    dst_g = jnp.concatenate([dst, jnp.zeros((pad,), jnp.int32)])
    dummy = N_NODES + (jnp.arange(pad, dtype=jnp.int32) % 1024)
    src_s = (jnp.concatenate([src, dummy])
             .reshape(E_PAD // BE, 4, BE // 4)
             .swapaxes(1, 2)
             .reshape(-1, 128))
    pos_x = pos[:, 0]
    pos_y = pos[:, 1]
    pos_z = pos[:, 2]
    posT = jnp.pad(pos.T, ((0, 0), (0, N_OUT - N_NODES)))
    posTp = (posT.reshape(3, N_OUT // BN, BN // 4, 4)
             .swapaxes(2, 3)
             .reshape(3, N_OUT))

    cen = rbf_centers.reshape(NB, 1)
    wid = rbf_widths.reshape(NB, 1)
    bf16 = jnp.bfloat16
    wf1 = jnp.concatenate([w1[:NB], sh_w @ w1[NB:]], axis=0).T.astype(bf16)
    b1f = (b1 + sh_b @ w1[NB:]).reshape(H, 1)
    wfz = jnp.concatenate([wz[:NB], sh_w @ wz[NB:]], axis=0).T.astype(bf16)
    bzf = (bz + sh_b @ wz[NB:]).reshape(H, 1)
    w2b = w2.astype(bf16)
    b2r = b2.reshape(1, H)
    wn0 = wn[:32]
    wn1 = wn[32:64]
    wn2 = wn[64:]
    bnr = bn.reshape(1, OUT)
    gr = gamma.reshape(1, OUT)
    br = beta.reshape(1, OUT)
    zinc_col = zinc_pos.reshape(3, 1)
    zeros_acc = jnp.zeros((N_ACC, 32), jnp.float32)

    mesh = plsc.VectorSubcoreMesh(core_axis_name="c", subcore_axis_name="s")
    cp = _sc_compiler_params()

    def sc_gather(src_c, dst_c):
        return pl.kernel(
            _sc_gather_body,
            out_type=[jax.ShapeDtypeStruct((E_CH,), jnp.float32)] * 3,
            mesh=mesh,
            compiler_params=cp,
            scratch_types=[
                pltpu.VMEM((N_NODES,), jnp.float32),
                pltpu.VMEM((N_NODES,), jnp.float32),
                pltpu.VMEM((GW,), jnp.int32),
                pltpu.VMEM((GW,), jnp.int32),
                pltpu.VMEM((GW,), jnp.float32),
                pltpu.VMEM((GW,), jnp.float32),
            ],
        )(pos_x, pos_y, pos_z, src_c, dst_c)

    nbe = E_CH // BE

    def tc_edge(rx, ry, rz):
        rx3 = rx.reshape(nbe, 1, BE)
        ry3 = ry.reshape(nbe, 1, BE)
        rz3 = rz.reshape(nbe, 1, BE)
        return pl.pallas_call(
            _tc_edge_body,
            grid=(nbe,),
            in_specs=[
                pl.BlockSpec((1, 1, BE), lambda i: (i, 0, 0)),
                pl.BlockSpec((1, 1, BE), lambda i: (i, 0, 0)),
                pl.BlockSpec((1, 1, BE), lambda i: (i, 0, 0)),
                _full((NB, 1)),
                _full((NB, 1)),
                _full((H, NB + 9)),
                _full((H, 1)),
                _full((H, H)),
                _full((1, H)),
            ],
            out_specs=pl.BlockSpec((2, BE // 4, 128), lambda i: (0, i, 0)),
            out_shape=jax.ShapeDtypeStruct((2, E_CH // 4, 128), jnp.float32),
            compiler_params=pltpu.CompilerParams(
                fuse_transposed_lhs_in_matmul=True),
        )(rx3, ry3, rz3, cen, wid, wf1, b1f, w2b, b2r)

    def sc_scatter(pf4, srcs_c):
        pf3 = pf4.reshape(2, E_CH, 32)
        return pl.kernel(
            _sc_scatter_body,
            out_type=jax.ShapeDtypeStruct((2, N_OUT, 32), jnp.float32),
            mesh=mesh,
            compiler_params=cp,
            scratch_types=[
                pltpu.VMEM_SHARED((N_ACC, 32), jnp.float32),
                pltpu.VMEM((SKJ, 128), jnp.int32),
                pltpu.VMEM((SKJ, 128), jnp.int32),
                pltpu.VMEM((SK, 32), jnp.float32),
                pltpu.VMEM((SK, 32), jnp.float32),
                pltpu.SemaphoreType.DMA,
                pltpu.SemaphoreType.DMA,
                pltpu.SemaphoreType.DMA,
                pltpu.SemaphoreType.DMA,
            ],
        )(pf3, srcs_c, zeros_acc)

    rows_ch = E_CH // 128
    aggs = []
    rs = [sc_gather(src_g[c * E_CH:(c + 1) * E_CH],
                    dst_g[c * E_CH:(c + 1) * E_CH]) for c in range(NCH)]
    pfs = [tc_edge(*rs[c]) for c in range(NCH)]
    for c in range(NCH):
        aggs.append(sc_scatter(pfs[c], src_s[c * rows_ch:(c + 1) * rows_ch]))

    agg4a = aggs[0].reshape(2, N_OUT // 4, 128)
    agg4b = aggs[1].reshape(2, N_OUT // 4, 128)

    out_pad = pl.pallas_call(
        _tc_node_body,
        grid=(N_OUT // BN,),
        in_specs=[
            pl.BlockSpec((3, BN), lambda i: (0, i)),
            _full((3, 1)),
            _full((NB, 1)),
            _full((NB, 1)),
            _full((H, NB + 9)),
            _full((H, 1)),
            pl.BlockSpec((2, BN // 4, 128), lambda i: (0, i, 0)),
            pl.BlockSpec((2, BN // 4, 128), lambda i: (0, i, 0)),
            _full((32, OUT)),
            _full((32, OUT)),
            _full((H, OUT)),
            _full((1, OUT)),
            _full((1, OUT)),
            _full((1, OUT)),
        ],
        out_specs=pl.BlockSpec((BN, OUT), lambda i: (i, 0)),
        out_shape=jax.ShapeDtypeStruct((N_OUT, OUT), jnp.float32),
        compiler_params=pltpu.CompilerParams(
            fuse_transposed_lhs_in_matmul=True),
    )(posTp, zinc_col, cen, wid, wfz, bzf, agg4a, agg4b,
      wn0, wn1, wn2, bnr, gr, br)

    out = (out_pad.reshape(N_OUT // BN, 4, BN // 4, OUT)
           .swapaxes(1, 2)
           .reshape(N_OUT, OUT))
    return out[:N_NODES]

# --- scband reference (transcript-rebuilt; emitter-appended) ---
"""Pipeline reference for scband-mmatrix-layer-16887811407943 (READ-ONLY COPY).

The authoritative reference and input builder live on the scoring server;
editing this copy changes nothing except your own understanding.
"""

import math
import jax, jax.numpy as jnp
import numpy as np

N_NODES = 50000
N_EDGES = 800000
NB = 16
H = 64
OUT = 128


def _silu(x):
    return x * jax.nn.sigmoid(x)


def _sh(vec):
    x, y, z = vec[:, 0], vec[:, 1], vec[:, 2]
    c0 = 1.0 / math.sqrt(4 * math.pi)
    c1 = math.sqrt(3 / (4 * math.pi))
    c2 = math.sqrt(15 / (4 * math.pi))
    c3 = math.sqrt(5 / (16 * math.pi))
    c4 = math.sqrt(15 / (16 * math.pi))
    return jnp.stack([
        jnp.ones_like(x) * c0,
        c1 * y,
        c1 * z,
        c1 * x,
        c2 * x * y,
        c2 * y * z,
        c3 * (2 * z ** 2 - x ** 2 - y ** 2),
        c2 * x * z,
        c4 * (x ** 2 - y ** 2),
    ], axis=-1)


def _rbf(d, centers, widths):
    return jnp.exp(-jnp.abs(widths) * (d[..., None] - centers) ** 2)


def _layernorm(x, g, b, eps=1e-5):
    m = jnp.mean(x, axis=-1, keepdims=True)
    v = jnp.var(x, axis=-1, keepdims=True)
    return (x - m) / jnp.sqrt(v + eps) * g + b


def setup_inputs(seed: int = 0) -> dict:
    key = jax.random.key(seed)
    ks = [jax.random.fold_in(key, i) for i in range(16)]
    pos = jax.random.normal(ks[0], (N_NODES, 3), dtype=jnp.float32)
    zinc_pos = jax.random.normal(ks[1], (3,), dtype=jnp.float32)
    edge_index = jax.random.randint(ks[2], (2, N_EDGES), 0, N_NODES, dtype=jnp.int64 if jax.config.jax_enable_x64 else jnp.int32)
    rbf_centers = jnp.linspace(0.5, 8.0, NB, dtype=jnp.float32)
    rbf_widths = jnp.ones((NB,), dtype=jnp.float32) * 0.5
    sh_w = jax.random.normal(ks[3], (9, NB), dtype=jnp.float32) * (1.0 / math.sqrt(9))
    sh_b = jnp.zeros((NB,), dtype=jnp.float32)
    w1 = jax.random.normal(ks[4], (2 * NB, H), dtype=jnp.float32) * (1.0 / math.sqrt(2 * NB))
    b1 = jnp.zeros((H,), dtype=jnp.float32)
    w2 = jax.random.normal(ks[5], (H, H), dtype=jnp.float32) * (1.0 / math.sqrt(H))
    b2 = jnp.zeros((H,), dtype=jnp.float32)
    wz = jax.random.normal(ks[6], (2 * NB, H), dtype=jnp.float32) * (1.0 / math.sqrt(2 * NB))
    bz = jnp.zeros((H,), dtype=jnp.float32)
    wn = jax.random.normal(ks[7], (2 * H, OUT), dtype=jnp.float32) * (1.0 / math.sqrt(2 * H))
    bn = jnp.zeros((OUT,), dtype=jnp.float32)
    gamma = jnp.ones((OUT,), dtype=jnp.float32)
    beta = jnp.zeros((OUT,), dtype=jnp.float32)
    return {
        'pos': pos, 'zinc_pos': zinc_pos, 'edge_index': edge_index,
        'rbf_centers': rbf_centers, 'rbf_widths': rbf_widths,
        'sh_w': sh_w, 'sh_b': sh_b,
        'w1': w1, 'b1': b1, 'w2': w2, 'b2': b2,
        'wz': wz, 'bz': bz, 'wn': wn, 'bn': bn,
        'gamma': gamma, 'beta': beta,
    }


def reference(pos, zinc_pos, edge_index, rbf_centers, rbf_widths, sh_w, sh_b, w1, b1, w2, b2, wz, bz, wn, bn, gamma, beta):
    src = edge_index[0]
    dst = edge_index[1]
    N = pos.shape[0]
    r_ij = pos[dst] - pos[src]
    d_ij = jnp.clip(jnp.sqrt(jnp.sum(r_ij ** 2, axis=-1)), 1e-6, None)
    u_ij = r_ij / d_ij[:, None]
    feat = jnp.concatenate([_rbf(d_ij, rbf_centers, rbf_widths), _sh(u_ij) @ sh_w + sh_b], axis=-1)
    pf = _silu(feat @ w1 + b1) @ w2 + b2
    agg = jax.ops.segment_sum(pf, src, num_segments=N)
    r_izn = pos - zinc_pos[None, :]
    d_izn = jnp.clip(jnp.sqrt(jnp.sum(r_izn ** 2, axis=-1)), 1e-6, None)
    u_izn = r_izn / d_izn[:, None]
    feat_zn = jnp.concatenate([_rbf(d_izn, rbf_centers, rbf_widths), _sh(u_izn) @ sh_w + sh_b], axis=-1)
    zn_f = _silu(feat_zn @ wz + bz)
    h = jnp.concatenate([agg, zn_f], axis=-1) @ wn + bn
    return _silu(_layernorm(h, gamma, beta))

if __name__ == "__main__":
    import jax
    _d = setup_inputs()
    print(jax.jit(kernel)(*tuple(_d.values())))

</pallas_src>

<mosaic_0001>
#map = affine_map<(d0, d1) -> (0)>
module attributes {stable_mosaic.version = 14 : i64} {
  func.func @_sc_gather_body(%arg0: i32, %arg1: i32, %arg2: memref<50000xf32, #tpu.memory_space<hbm>>, %arg3: memref<50000xf32, #tpu.memory_space<hbm>>, %arg4: memref<50000xf32, #tpu.memory_space<hbm>>, %arg5: memref<409600xi32, #tpu.memory_space<hbm>>, %arg6: memref<409600xi32, #tpu.memory_space<hbm>>, %arg7: memref<409600xf32, #tpu.memory_space<hbm>>, %arg8: memref<409600xf32, #tpu.memory_space<hbm>>, %arg9: memref<409600xf32, #tpu.memory_space<hbm>>, %arg10: memref<50000xf32, #tpu.memory_space<vmem>>, %arg11: memref<50000xf32, #tpu.memory_space<vmem>>, %arg12: memref<6400xi32, #tpu.memory_space<vmem>>, %arg13: memref<6400xi32, #tpu.memory_space<vmem>>, %arg14: memref<6400xf32, #tpu.memory_space<vmem>>, %arg15: memref<6400xf32, #tpu.memory_space<vmem>>) attributes {dimension_semantics = [#tpu.dimension_semantics<core_parallel>, #tpu.dimension_semantics<subcore_parallel>], iteration_bounds = array<i64: 2, 16>, scalar_prefetch = 0 : i64, scratch_operands = 6 : i64, tpu.core_type = #tpu.core_type<sc_vector_subcore>, window_params = [{transform_indices = #map}, {transform_indices = #map}, {transform_indices = #map}, {transform_indices = #map}, {transform_indices = #map}, {transform_indices = #map}, {transform_indices = #map}, {transform_indices = #map}]} {
    %mul3A = arith.constant 25600 : i32
    %mul3A_0 = arith.muli %arg1, %mul3A : i32
    %eq3A = arith.constant 0 : i32
    %eq3A_1 = arith.cmpi eq, %arg0, %eq3A : i32
    %convert_element_type3A = arith.extui %eq3A_1 : i1 to i32
    %cond3A = arith.constant 0 : i32
    %cond3A_2 = arith.cmpi ne, %convert_element_type3A, %cond3A : i32
    scf.if %cond3A_2 {
      "tpu.region"() ({
        %run_scoped3A = tpu.sem_alloc : memref<!tpu.dma_semaphore, #tpu.memory_space<semaphore_mem>>
        tpu.enqueue_dma source(%arg2 : memref<50000xf32, #tpu.memory_space<hbm>>) target(%arg10 : memref<50000xf32, #tpu.memory_space<vmem>>) target_semaphore(%run_scoped3A : memref<!tpu.dma_semaphore, #tpu.memory_space<semaphore_mem>>)
        tpu.wait_dma2 semaphore(%run_scoped3A : memref<!tpu.dma_semaphore, #tpu.memory_space<semaphore_mem>>) src(%arg2 : memref<50000xf32, #tpu.memory_space<hbm>>) dst(%arg10 : memref<50000xf32, #tpu.memory_space<vmem>>)
        tpu.yield
      }) : () -> ()
      "tpu.region"() ({
        %run_scoped3A = tpu.sem_alloc : memref<!tpu.dma_semaphore, #tpu.memory_space<semaphore_mem>>
        tpu.enqueue_dma source(%arg3 : memref<50000xf32, #tpu.memory_space<hbm>>) target(%arg11 : memref<50000xf32, #tpu.memory_space<vmem>>) target_semaphore(%run_scoped3A : memref<!tpu.dma_semaphore, #tpu.memory_space<semaphore_mem>>)
        tpu.wait_dma2 semaphore(%run_scoped3A : memref<!tpu.dma_semaphore, #tpu.memory_space<semaphore_mem>>) src(%arg3 : memref<50000xf32, #tpu.memory_space<hbm>>) dst(%arg11 : memref<50000xf32, #tpu.memory_space<vmem>>)
        tpu.yield
      }) : () -> ()
      %scan3A = arith.constant 0 : i32
      %scan3A_8 = arith.constant 4 : i32
      %scan3A_9 = arith.addi %scan3A, %scan3A_8 : i32
      %scan3A_10 = arith.constant 1 : i32
      scf.for %scan3A_12 = %scan3A to %scan3A_9 step %scan3A_10  : i32 {
        %mul3A_13 = arith.constant 6400 : i32
        %mul3A_14 = arith.muli %scan3A_12, %mul3A_13 : i32
        %add3A = arith.constant 0 : i32
        %add3A_15 = arith.addi %add3A, %mul3A_14 : i32
        %add3A_16 = arith.addi %mul3A_0, %add3A_15 : i32
        %multiple_of3A = tpu.assume_multiple %add3A_16, 6400 : i32
        "tpu.region"() ({
          %run_scoped3A = tpu.sem_alloc : memref<!tpu.dma_semaphore, #tpu.memory_space<semaphore_mem>>
          %dma_start3A = tpu.memref_slice %arg5[%multiple_of3A] : memref<409600xi32, #tpu.memory_space<hbm>> -> memref<6400xi32, #tpu.memory_space<hbm>>
          %dma_start3A_22 = tpu.memref_slice %arg5[%multiple_of3A] : memref<409600xi32, #tpu.memory_space<hbm>> -> memref<6400xi32, #tpu.memory_space<hbm>>
          tpu.enqueue_dma source(%dma_start3A_22 : memref<6400xi32, #tpu.memory_space<hbm>>) target(%arg12 : memref<6400xi32, #tpu.memory_space<vmem>>) target_semaphore(%run_scoped3A : memref<!tpu.dma_semaphore, #tpu.memory_space<semaphore_mem>>)
          %dma_wait3A = tpu.memref_slice %arg5[%multiple_of3A] : memref<409600xi32, #tpu.memory_space<hbm>> -> memref<6400xi32, #tpu.memory_space<hbm>>
          %dma_wait3A_23 = tpu.memref_slice %arg5[%multiple_of3A] : memref<409600xi32, #tpu.memory_space<hbm>> -> memref<6400xi32, #tpu.memory_space<hbm>>
          tpu.wait_dma2 semaphore(%run_scoped3A : memref<!tpu.dma_semaphore, #tpu.memory_space<semaphore_mem>>) src(%dma_wait3A_23 : memref<6400xi32, #tpu.memory_space<hbm>>) dst(%arg12 : memref<6400xi32, #tpu.memory_space<vmem>>)
          tpu.yield
        }) : () -> ()
        "tpu.region"() ({
          %run_scoped3A = tpu.sem_alloc : memref<!tpu.dma_semaphore, #tpu.memory_space<semaphore_mem>>
          %dma_start3A = tpu.memref_slice %arg6[%multiple_of3A] : memref<409600xi32, #tpu.memory_space<hbm>> -> memref<6400xi32, #tpu.memory_space<hbm>>
          %dma_start3A_22 = tpu.memref_slice %arg6[%multiple_of3A] : memref<409600xi32, #tpu.memory_space<hbm>> -> memref<6400xi32, #tpu.memory_space<hbm>>
          tpu.enqueue_dma source(%dma_start3A_22 : memref<6400xi32, #tpu.memory_space<hbm>>) target(%arg13 : memref<6400xi32, #tpu.memory_space<vmem>>) target_semaphore(%run_scoped3A : memref<!tpu.dma_semaphore, #tpu.memory_space<semaphore_mem>>)
          %dma_wait3A = tpu.memref_slice %arg6[%multiple_of3A] : memref<409600xi32, #tpu.memory_space<hbm>> -> memref<6400xi32, #tpu.memory_space<hbm>>
          %dma_wait3A_23 = tpu.memref_slice %arg6[%multiple_of3A] : memref<409600xi32, #tpu.memory_space<hbm>> -> memref<6400xi32, #tpu.memory_space<hbm>>
          tpu.wait_dma2 semaphore(%run_scoped3A : memref<!tpu.dma_semaphore, #tpu.memory_space<semaphore_mem>>) src(%dma_wait3A_23 : memref<6400xi32, #tpu.memory_space<hbm>>) dst(%arg13 : memref<6400xi32, #tpu.memory_space<vmem>>)
          tpu.yield
        }) : () -> ()
        %scan3A_17 = arith.constant 0 : i32
        %scan3A_18 = arith.constant 400 : i32
        %scan3A_19 = arith.addi %scan3A_17, %scan3A_18 : i32
        %scan3A_20 = arith.constant 1 : i32
        scf.for %scan3A_22 = %scan3A_17 to %scan3A_19 step %scan3A_20  : i32 {
          %mul3A_23 = arith.constant 16 : i32
          %mul3A_24 = arith.muli %scan3A_22, %mul3A_23 : i32
          %add3A_25 = arith.constant 0 : i32
          %add3A_26 = arith.addi %add3A_25, %mul3A_24 : i32
          %get3A = arith.index_cast %add3A_26 : i32 to index
          %get3A_27 = tpu.vector_load %arg12[%get3A] {strides = array<i32>} : memref<6400xi32, #tpu.memory_space<vmem>>, vector<16xi32>,
          %get3A_28 = arith.index_cast %add3A_26 : i32 to index
          %get3A_29 = tpu.vector_load %arg13[%get3A_28] {strides = array<i32>} : memref<6400xi32, #tpu.memory_space<vmem>>, vector<16xi32>,
          %gather3A = tpu.vector_load_idx %arg10[%get3A_29] : memref<50000xf32, #tpu.memory_space<vmem>>[vector<16xi32>], vector<16xf32>,
          %gather3A_30 = tpu.vector_load_idx %arg10[%get3A_27] : memref<50000xf32, #tpu.memory_space<vmem>>[vector<16xi32>], vector<16xf32>,
          %sub3A = arith.subf %gather3A, %gather3A_30 : vector<16xf32>
          %swap3A = arith.index_cast %add3A_26 : i32 to index
          %swap3A_31 = tpu.vector_load %arg14[%swap3A] {strides = array<i32>} : memref<6400xf32, #tpu.memory_space<vmem>>, vector<16xf32>,
          tpu.vector_store %arg14[%swap3A], %sub3A {strides = array<i32>} : memref<6400xf32, #tpu.memory_space<vmem>>, vector<16xf32>,
          %gather3A_32 = tpu.vector_load_idx %arg11[%get3A_29] : memref<50000xf32, #tpu.memory_space<vmem>>[vector<16xi32>], vector<16xf32>,
          %gather3A_33 = tpu.vector_load_idx %arg11[%get3A_27] : memref<50000xf32, #tpu.memory_space<vmem>>[vector<16xi32>], vector<16xf32>,
          %sub3A_34 = arith.subf %gather3A_32, %gather3A_33 : vector<16xf32>
          %swap3A_35 = arith.index_cast %add3A_26 : i32 to index
          %swap3A_36 = tpu.vector_load %arg15[%swap3A_35] {strides = array<i32>} : memref<6400xf32, #tpu.memory_space<vmem>>, vector<16xf32>,
          tpu.vector_store %arg15[%swap3A_35], %sub3A_34 {strides = array<i32>} : memref<6400xf32, #tpu.memory_space<vmem>>, vector<16xf32>,
        }
        %scan3A_21 = arith.constant 400 : i32
        "tpu.region"() ({
          %run_scoped3A = tpu.sem_alloc : memref<!tpu.dma_semaphore, #tpu.memory_space<semaphore_mem>>
          %dma_start3A = tpu.memref_slice %arg7[%multiple_of3A] : memref<409600xf32, #tpu.memory_space<hbm>> -> memref<6400xf32, #tpu.memory_space<hbm>>
          %dma_start3A_22 = tpu.memref_slice %arg7[%multiple_of3A] : memref<409600xf32, #tpu.memory_space<hbm>> -> memref<6400xf32, #tpu.memory_space<hbm>>
          tpu.enqueue_dma source(%arg14 : memref<6400xf32, #tpu.memory_space<vmem>>) target(%dma_start3A_22 : memref<6400xf32, #tpu.memory_space<hbm>>) target_semaphore(%run_scoped3A : memref<!tpu.dma_semaphore, #tpu.memory_space<semaphore_mem>>)
          %dma_wait3A = tpu.memref_slice %arg7[%multiple_of3A] : memref<409600xf32, #tpu.memory_space<hbm>> -> memref<6400xf32, #tpu.memory_space<hbm>>
          %dma_wait3A_23 = tpu.memref_slice %arg7[%multiple_of3A] : memref<409600xf32, #tpu.memory_space<hbm>> -> memref<6400xf32, #tpu.memory_space<hbm>>
          tpu.wait_dma2 semaphore(%run_scoped3A : memref<!tpu.dma_semaphore, #tpu.memory_space<semaphore_mem>>) src(%arg14 : memref<6400xf32, #tpu.memory_space<vmem>>) dst(%dma_wait3A_23 : memref<6400xf32, #tpu.memory_space<hbm>>)
          tpu.yield
        }) : () -> ()
        "tpu.region"() ({
          %run_scoped3A = tpu.sem_alloc : memref<!tpu.dma_semaphore, #tpu.memory_space<semaphore_mem>>
          %dma_start3A = tpu.memref_slice %arg8[%multiple_of3A] : memref<409600xf32, #tpu.memory_space<hbm>> -> memref<6400xf32, #tpu.memory_space<hbm>>
          %dma_start3A_22 = tpu.memref_slice %arg8[%multiple_of3A] : memref<409600xf32, #tpu.memory_space<hbm>> -> memref<6400xf32, #tpu.memory_space<hbm>>
          tpu.enqueue_dma source(%arg15 : memref<6400xf32, #tpu.memory_space<vmem>>) target(%dma_start3A_22 : memref<6400xf32, #tpu.memory_space<hbm>>) target_semaphore(%run_scoped3A : memref<!tpu.dma_semaphore, #tpu.memory_space<semaphore_mem>>)
          %dma_wait3A = tpu.memref_slice %arg8[%multiple_of3A] : memref<409600xf32, #tpu.memory_space<hbm>> -> memref<6400xf32, #tpu.memory_space<hbm>>
          %dma_wait3A_23 = tpu.memref_slice %arg8[%multiple_of3A] : memref<409600xf32, #tpu.memory_space<hbm>> -> memref<6400xf32, #tpu.memory_space<hbm>>
          tpu.wait_dma2 semaphore(%run_scoped3A : memref<!tpu.dma_semaphore, #tpu.memory_space<semaphore_mem>>) src(%arg15 : memref<6400xf32, #tpu.memory_space<vmem>>) dst(%dma_wait3A_23 : memref<6400xf32, #tpu.memory_space<hbm>>)
          tpu.yield
        }) : () -> ()
      }
      %scan3A_11 = arith.constant 4 : i32
    } else {
    }
    %eq3A_3 = arith.constant 1 : i32
    %eq3A_4 = arith.cmpi eq, %arg0, %eq3A_3 : i32
    %convert_element_type3A_5 = arith.extui %eq3A_4 : i1 to i32
    %cond3A_6 = arith.constant 0 : i32
    %cond3A_7 = arith.cmpi ne, %convert_element_type3A_5, %cond3A_6 : i32
    scf.if %cond3A_7 {
      "tpu.region"() ({
        %run_scoped3A = tpu.sem_alloc : memref<!tpu.dma_semaphore, #tpu.memory_space<semaphore_mem>>
        tpu.enqueue_dma source(%arg4 : memref<50000xf32, #tpu.memory_space<hbm>>) target(%arg10 : memref<50000xf32, #tpu.memory_space<vmem>>) target_semaphore(%run_scoped3A : memref<!tpu.dma_semaphore, #tpu.memory_space<semaphore_mem>>)
        tpu.wait_dma2 semaphore(%run_scoped3A : memref<!tpu.dma_semaphore, #tpu.memory_space<semaphore_mem>>) src(%arg4 : memref<50000xf32, #tpu.memory_space<hbm>>) dst(%arg10 : memref<50000xf32, #tpu.memory_space<vmem>>)
        tpu.yield
      }) : () -> ()
      %scan3A = arith.constant 0 : i32
      %scan3A_8 = arith.constant 4 : i32
      %scan3A_9 = arith.addi %scan3A, %scan3A_8 : i32
      %scan3A_10 = arith.constant 1 : i32
      scf.for %scan3A_12 = %scan3A to %scan3A_9 step %scan3A_10  : i32 {
        %mul3A_13 = arith.constant 6400 : i32
        %mul3A_14 = arith.muli %scan3A_12, %mul3A_13 : i32
        %add3A = arith.constant 0 : i32
        %add3A_15 = arith.addi %add3A, %mul3A_14 : i32
        %add3A_16 = arith.addi %mul3A_0, %add3A_15 : i32
        %multiple_of3A = tpu.assume_multiple %add3A_16, 6400 : i32
        "tpu.region"() ({
          %run_scoped3A = tpu.sem_alloc : memref<!tpu.dma_semaphore, #tpu.memory_space<semaphore_mem>>
          %dma_start3A = tpu.memref_slice %arg5[%multiple_of3A] : memref<409600xi32, #tpu.memory_space<hbm>> -> memref<6400xi32, #tpu.memory_space<hbm>>
          %dma_start3A_22 = tpu.memref_slice %arg5[%multiple_of3A] : memref<409600xi32, #tpu.memory_space<hbm>> -> memref<6400xi32, #tpu.memory_space<hbm>>
          tpu.enqueue_dma source(%dma_start3A_22 : memref<6400xi32, #tpu.memory_space<hbm>>) target(%arg12 : memref<6400xi32, #tpu.memory_space<vmem>>) target_semaphore(%run_scoped3A : memref<!tpu.dma_semaphore, #tpu.memory_space<semaphore_mem>>)
          %dma_wait3A = tpu.memref_slice %arg5[%multiple_of3A] : memref<409600xi32, #tpu.memory_space<hbm>> -> memref<6400xi32, #tpu.memory_space<hbm>>
          %dma_wait3A_23 = tpu.memref_slice %arg5[%multiple_of3A] : memref<409600xi32, #tpu.memory_space<hbm>> -> memref<6400xi32, #tpu.memory_space<hbm>>
          tpu.wait_dma2 semaphore(%run_scoped3A : memref<!tpu.dma_semaphore, #tpu.memory_space<semaphore_mem>>) src(%dma_wait3A_23 : memref<6400xi32, #tpu.memory_space<hbm>>) dst(%arg12 : memref<6400xi32, #tpu.memory_space<vmem>>)
          tpu.yield
        }) : () -> ()
        "tpu.region"() ({
          %run_scoped3A = tpu.sem_alloc : memref<!tpu.dma_semaphore, #tpu.memory_space<semaphore_mem>>
          %dma_start3A = tpu.memref_slice %arg6[%multiple_of3A] : memref<409600xi32, #tpu.memory_space<hbm>> -> memref<6400xi32, #tpu.memory_space<hbm>>
          %dma_start3A_22 = tpu.memref_slice %arg6[%multiple_of3A] : memref<409600xi32, #tpu.memory_space<hbm>> -> memref<6400xi32, #tpu.memory_space<hbm>>
          tpu.enqueue_dma source(%dma_start3A_22 : memref<6400xi32, #tpu.memory_space<hbm>>) target(%arg13 : memref<6400xi32, #tpu.memory_space<vmem>>) target_semaphore(%run_scoped3A : memref<!tpu.dma_semaphore, #tpu.memory_space<semaphore_mem>>)
          %dma_wait3A = tpu.memref_slice %arg6[%multiple_of3A] : memref<409600xi32, #tpu.memory_space<hbm>> -> memref<6400xi32, #tpu.memory_space<hbm>>
          %dma_wait3A_23 = tpu.memref_slice %arg6[%multiple_of3A] : memref<409600xi32, #tpu.memory_space<hbm>> -> memref<6400xi32, #tpu.memory_space<hbm>>
          tpu.wait_dma2 semaphore(%run_scoped3A : memref<!tpu.dma_semaphore, #tpu.memory_space<semaphore_mem>>) src(%dma_wait3A_23 : memref<6400xi32, #tpu.memory_space<hbm>>) dst(%arg13 : memref<6400xi32, #tpu.memory_space<vmem>>)
          tpu.yield
        }) : () -> ()
        %scan3A_17 = arith.constant 0 : i32
        %scan3A_18 = arith.constant 400 : i32
        %scan3A_19 = arith.addi %scan3A_17, %scan3A_18 : i32
        %scan3A_20 = arith.constant 1 : i32
        scf.for %scan3A_22 = %scan3A_17 to %scan3A_19 step %scan3A_20  : i32 {
          %mul3A_23 = arith.constant 16 : i32
          %mul3A_24 = arith.muli %scan3A_22, %mul3A_23 : i32
          %add3A_25 = arith.constant 0 : i32
          %add3A_26 = arith.addi %add3A_25, %mul3A_24 : i32
          %get3A = arith.index_cast %add3A_26 : i32 to index
          %get3A_27 = tpu.vector_load %arg12[%get3A] {strides = array<i32>} : memref<6400xi32, #tpu.memory_space<vmem>>, vector<16xi32>,
          %get3A_28 = arith.index_cast %add3A_26 : i32 to index
          %get3A_29 = tpu.vector_load %arg13[%get3A_28] {strides = array<i32>} : memref<6400xi32, #tpu.memory_space<vmem>>, vector<16xi32>,
          %gather3A = tpu.vector_load_idx %arg10[%get3A_29] : memref<50000xf32, #tpu.memory_space<vmem>>[vector<16xi32>], vector<16xf32>,
          %gather3A_30 = tpu.vector_load_idx %arg10[%get3A_27] : memref<50000xf32, #tpu.memory_space<vmem>>[vector<16xi32>], vector<16xf32>,
          %sub3A = arith.subf %gather3A, %gather3A_30 : vector<16xf32>
          %swap3A = arith.index_cast %add3A_26 : i32 to index
          %swap3A_31 = tpu.vector_load %arg14[%swap3A] {strides = array<i32>} : memref<6400xf32, #tpu.memory_space<vmem>>, vector<16xf32>,
          tpu.vector_store %arg14[%swap3A], %sub3A {strides = array<i32>} : memref<6400xf32, #tpu.memory_space<vmem>>, vector<16xf32>,
        }
        %scan3A_21 = arith.constant 400 : i32
        "tpu.region"() ({
          %run_scoped3A = tpu.sem_alloc : memref<!tpu.dma_semaphore, #tpu.memory_space<semaphore_mem>>
          %dma_start3A = tpu.memref_slice %arg9[%multiple_of3A] : memref<409600xf32, #tpu.memory_space<hbm>> -> memref<6400xf32, #tpu.memory_space<hbm>>
          %dma_start3A_22 = tpu.memref_slice %arg9[%multiple_of3A] : memref<409600xf32, #tpu.memory_space<hbm>> -> memref<6400xf32, #tpu.memory_space<hbm>>
          tpu.enqueue_dma source(%arg14 : memref<6400xf32, #tpu.memory_space<vmem>>) target(%dma_start3A_22 : memref<6400xf32, #tpu.memory_space<hbm>>) target_semaphore(%run_scoped3A : memref<!tpu.dma_semaphore, #tpu.memory_space<semaphore_mem>>)
          %dma_wait3A = tpu.memref_slice %arg9[%multiple_of3A] : memref<409600xf32, #tpu.memory_space<hbm>> -> memref<6400xf32, #tpu.memory_space<hbm>>
          %dma_wait3A_23 = tpu.memref_slice %arg9[%multiple_of3A] : memref<409600xf32, #tpu.memory_space<hbm>> -> memref<6400xf32, #tpu.memory_space<hbm>>
          tpu.wait_dma2 semaphore(%run_scoped3A : memref<!tpu.dma_semaphore, #tpu.memory_space<semaphore_mem>>) src(%arg14 : memref<6400xf32, #tpu.memory_space<vmem>>) dst(%dma_wait3A_23 : memref<6400xf32, #tpu.memory_space<hbm>>)
          tpu.yield
        }) : () -> ()
      }
      %scan3A_11 = arith.constant 4 : i32
    } else {
    }
    return
  }
}

#map = affine_map<(d0, d1) -> (0)>
module attributes {stable_mosaic.version = 14 : i64} {
  func.func @_sc_gather_body(%arg0: i32, %arg1: i32, %arg2: memref<50000xf32, #tpu.memory_space<hbm>>, %arg3: memref<50000xf32, #tpu.memory_space<hbm>>, %arg4: memref<50000xf32, #tpu.memory_space<hbm>>, %arg5: memref<409600xi32, #tpu.memory_space<hbm>>, %arg6: memref<409600xi32, #tpu.memory_space<hbm>>, %arg7: memref<409600xf32, #tpu.memory_space<hbm>>, %arg8: memref<409600xf32, #tpu.memory_space<hbm>>, %arg9: memref<409600xf32, #tpu.memory_space<hbm>>, %arg10: memref<50000xf32, #tpu.memory_space<vmem>>, %arg11: memref<50000xf32, #tpu.memory_space<vmem>>, %arg12: memref<6400xi32, #tpu.memory_space<vmem>>, %arg13: memref<6400xi32, #tpu.memory_space<vmem>>, %arg14: memref<6400xf32, #tpu.memory_space<vmem>>, %arg15: memref<6400xf32, #tpu.memory_space<vmem>>) attributes {dimension_semantics = [#tpu.dimension_semantics<core_parallel>, #tpu.dimension_semantics<subcore_parallel>], iteration_bounds = array<i64: 2, 16>, scalar_prefetch = 0 : i64, scratch_operands = 6 : i64, tpu.core_type = #tpu.core_type<sc_vector_subcore>, window_params = [{transform_indices = #map}, {transform_indices = #map}, {transform_indices = #map}, {transform_indices = #map}, {transform_indices = #map}, {transform_indices = #map}, {transform_indices = #map}, {transform_indices = #map}]} {
    %mul3A = arith.constant 25600 : i32
    %mul3A_0 = arith.muli %arg1, %mul3A : i32
    %eq3A = arith.constant 0 : i32
    %eq3A_1 = arith.cmpi eq, %arg0, %eq3A : i32
    %convert_element_type3A = arith.extui %eq3A_1 : i1 to i32
    %cond3A = arith.constant 0 : i32
    %cond3A_2 = arith.cmpi ne, %convert_element_type3A, %cond3A : i32
    scf.if %cond3A_2 {
      "tpu.region"() ({
        %run_scoped3A = tpu.sem_alloc : memref<!tpu.dma_semaphore, #tpu.memory_space<semaphore_mem>>
        tpu.enqueue_dma source(%arg2 : memref<50000xf32, #tpu.memory_space<hbm>>) target(%arg10 : memref<50000xf32, #tpu.memory_space<vmem>>) target_semaphore(%run_scoped3A : memref<!tpu.dma_semaphore, #tpu.memory_space<semaphore_mem>>)
        tpu.wait_dma2 semaphore(%run_scoped3A : memref<!tpu.dma_semaphore, #tpu.memory_space<semaphore_mem>>) src(%arg2 : memref<50000xf32, #tpu.memory_space<hbm>>) dst(%arg10 : memref<50000xf32, #tpu.memory_space<vmem>>)
        tpu.yield
      }) : () -> ()
      "tpu.region"() ({
        %run_scoped3A = tpu.sem_alloc : memref<!tpu.dma_semaphore, #tpu.memory_space<semaphore_mem>>
        tpu.enqueue_dma source(%arg3 : memref<50000xf32, #tpu.memory_space<hbm>>) target(%arg11 : memref<50000xf32, #tpu.memory_space<vmem>>) target_semaphore(%run_scoped3A : memref<!tpu.dma_semaphore, #tpu.memory_space<semaphore_mem>>)
        tpu.wait_dma2 semaphore(%run_scoped3A : memref<!tpu.dma_semaphore, #tpu.memory_space<semaphore_mem>>) src(%arg3 : memref<50000xf32, #tpu.memory_space<hbm>>) dst(%arg11 : memref<50000xf32, #tpu.memory_space<vmem>>)
        tpu.yield
      }) : () -> ()
      %scan3A = arith.constant 0 : i32
      %scan3A_8 = arith.constant 4 : i32
      %scan3A_9 = arith.addi %scan3A, %scan3A_8 : i32
      %scan3A_10 = arith.constant 1 : i32
      scf.for %scan3A_12 = %scan3A to %scan3A_9 step %scan3A_10  : i32 {
        %mul3A_13 = arith.constant 6400 : i32
        %mul3A_14 = arith.muli %scan3A_12, %mul3A_13 : i32
        %add3A = arith.constant 0 : i32
        %add3A_15 = arith.addi %add3A, %mul3A_14 : i32
        %add3A_16 = arith.addi %mul3A_0, %add3A_15 : i32
        %multiple_of3A = tpu.assume_multiple %add3A_16, 6400 : i32
        "tpu.region"() ({
          %run_scoped3A = tpu.sem_alloc : memref<!tpu.dma_semaphore, #tpu.memory_space<semaphore_mem>>
          %dma_start3A = tpu.memref_slice %arg5[%multiple_of3A] : memref<409600xi32, #tpu.memory_space<hbm>> -> memref<6400xi32, #tpu.memory_space<hbm>>
          %dma_start3A_22 = tpu.memref_slice %arg5[%multiple_of3A] : memref<409600xi32, #tpu.memory_space<hbm>> -> memref<6400xi32, #tpu.memory_space<hbm>>
          tpu.enqueue_dma source(%dma_start3A_22 : memref<6400xi32, #tpu.memory_space<hbm>>) target(%arg12 : memref<6400xi32, #tpu.memory_space<vmem>>) target_semaphore(%run_scoped3A : memref<!tpu.dma_semaphore, #tpu.memory_space<semaphore_mem>>)
          %dma_wait3A = tpu.memref_slice %arg5[%multiple_of3A] : memref<409600xi32, #tpu.memory_space<hbm>> -> memref<6400xi32, #tpu.memory_space<hbm>>
          %dma_wait3A_23 = tpu.memref_slice %arg5[%multiple_of3A] : memref<409600xi32, #tpu.memory_space<hbm>> -> memref<6400xi32, #tpu.memory_space<hbm>>
          tpu.wait_dma2 semaphore(%run_scoped3A : memref<!tpu.dma_semaphore, #tpu.memory_space<semaphore_mem>>) src(%dma_wait3A_23 : memref<6400xi32, #tpu.memory_space<hbm>>) dst(%arg12 : memref<6400xi32, #tpu.memory_space<vmem>>)
          tpu.yield
        }) : () -> ()
        "tpu.region"() ({
          %run_scoped3A = tpu.sem_alloc : memref<!tpu.dma_semaphore, #tpu.memory_space<semaphore_mem>>
          %dma_start3A = tpu.memref_slice %arg6[%multiple_of3A] : memref<409600xi32, #tpu.memory_space<hbm>> -> memref<6400xi32, #tpu.memory_space<hbm>>
          %dma_start3A_22 = tpu.memref_slice %arg6[%multiple_of3A] : memref<409600xi32, #tpu.memory_space<hbm>> -> memref<6400xi32, #tpu.memory_space<hbm>>
          tpu.enqueue_dma source(%dma_start3A_22 : memref<6400xi32, #tpu.memory_space<hbm>>) target(%arg13 : memref<6400xi32, #tpu.memory_space<vmem>>) target_semaphore(%run_scoped3A : memref<!tpu.dma_semaphore, #tpu.memory_space<semaphore_mem>>)
          %dma_wait3A = tpu.memref_slice %arg6[%multiple_of3A] : memref<409600xi32, #tpu.memory_space<hbm>> -> memref<6400xi32, #tpu.memory_space<hbm>>
          %dma_wait3A_23 = tpu.memref_slice %arg6[%multiple_of3A] : memref<409600xi32, #tpu.memory_space<hbm>> -> memref<6400xi32, #tpu.memory_space<hbm>>
          tpu.wait_dma2 semaphore(%run_scoped3A : memref<!tpu.dma_semaphore, #tpu.memory_space<semaphore_mem>>) src(%dma_wait3A_23 : memref<6400xi32, #tpu.memory_space<hbm>>) dst(%arg13 : memref<6400xi32, #tpu.memory_space<vmem>>)
          tpu.yield
        }) : () -> ()
        %scan3A_17 = arith.constant 0 : i32
        %scan3A_18 = arith.constant 400 : i32
        %scan3A_19 = arith.addi %scan3A_17, %scan3A_18 : i32
        %scan3A_20 = arith.constant 1 : i32
        scf.for %scan3A_22 = %scan3A_17 to %scan3A_19 step %scan3A_20  : i32 {
          %mul3A_23 = arith.constant 16 : i32
          %mul3A_24 = arith.muli %scan3A_22, %mul3A_23 : i32
          %add3A_25 = arith.constant 0 : i32
          %add3A_26 = arith.addi %add3A_25, %mul3A_24 : i32
          %get3A = arith.index_cast %add3A_26 : i32 to index
          %get3A_27 = tpu.vector_load %arg12[%get3A] {strides = array<i32>} : memref<6400xi32, #tpu.memory_space<vmem>>, vector<16xi32>,
          %get3A_28 = arith.index_cast %add3A_26 : i32 to index
          %get3A_29 = tpu.vector_load %arg13[%get3A_28] {strides = array<i32>} : memref<6400xi32, #tpu.memory_space<vmem>>, vector<16xi32>,
          %gather3A = tpu.vector_load_idx %arg10[%get3A_29] : memref<50000xf32, #tpu.memory_space<vmem>>[vector<16xi32>], vector<16xf32>,
          %gather3A_30 = tpu.vector_load_idx %arg10[%get3A_27] : memref<50000xf32, #tpu.memory_space<vmem>>[vector<16xi32>], vector<16xf32>,
          %sub3A = arith.subf %gather3A, %gather3A_30 : vector<16xf32>
          %swap3A = arith.index_cast %add3A_26 : i32 to index
          %swap3A_31 = tpu.vector_load %arg14[%swap3A] {strides = array<i32>} : memref<6400xf32, #tpu.memory_space<vmem>>, vector<16xf32>,
          tpu.vector_store %arg14[%swap3A], %sub3A {strides = array<i32>} : memref<6400xf32, #tpu.memory_space<vmem>>, vector<16xf32>,
          %gather3A_32 = tpu.vector_load_idx %arg11[%get3A_29] : memref<50000xf32, #tpu.memory_space<vmem>>[vector<16xi32>], vector<16xf32>,
          %gather3A_33 = tpu.vector_load_idx %arg11[%get3A_27] : memref<50000xf32, #tpu.memory_space<vmem>>[vector<16xi32>], vector<16xf32>,
          %sub3A_34 = arith.subf %gather3A_32, %gather3A_33 : vector<16xf32>
          %swap3A_35 = arith.index_cast %add3A_26 : i32 to index
          %swap3A_36 = tpu.vector_load %arg15[%swap3A_35] {strides = array<i32>} : memref<6400xf32, #tpu.memory_space<vmem>>, vector<16xf32>,
          tpu.vector_store %arg15[%swap3A_35], %sub3A_34 {strides = array<i32>} : memref<6400xf32, #tpu.memory_space<vmem>>, vector<16xf32>,
        }
        %scan3A_21 = arith.constant 400 : i32
        "tpu.region"() ({
          %run_scoped3A = tpu.sem_alloc : memref<!tpu.dma_semaphore, #tpu.memory_space<semaphore_mem>>
          %dma_start3A = tpu.memref_slice %arg7[%multiple_of3A] : memref<409600xf32, #tpu.memory_space<hbm>> -> memref<6400xf32, #tpu.memory_space<hbm>>
          %dma_start3A_22 = tpu.memref_slice %arg7[%multiple_of3A] : memref<409600xf32, #tpu.memory_space<hbm>> -> memref<6400xf32, #tpu.memory_space<hbm>>
          tpu.enqueue_dma source(%arg14 : memref<6400xf32, #tpu.memory_space<vmem>>) target(%dma_start3A_22 : memref<6400xf32, #tpu.memory_space<hbm>>) target_semaphore(%run_scoped3A : memref<!tpu.dma_semaphore, #tpu.memory_space<semaphore_mem>>)
          %dma_wait3A = tpu.memref_slice %arg7[%multiple_of3A] : memref<409600xf32, #tpu.memory_space<hbm>> -> memref<6400xf32, #tpu.memory_space<hbm>>
          %dma_wait3A_23 = tpu.memref_slice %arg7[%multiple_of3A] : memref<409600xf32, #tpu.memory_space<hbm>> -> memref<6400xf32, #tpu.memory_space<hbm>>
          tpu.wait_dma2 semaphore(%run_scoped3A : memref<!tpu.dma_semaphore, #tpu.memory_space<semaphore_mem>>) src(%arg14 : memref<6400xf32, #tpu.memory_space<vmem>>) dst(%dma_wait3A_23 : memref<6400xf32, #tpu.memory_space<hbm>>)
          tpu.yield
        }) : () -> ()
        "tpu.region"() ({
          %run_scoped3A = tpu.sem_alloc : memref<!tpu.dma_semaphore, #tpu.memory_space<semaphore_mem>>
          %dma_start3A = tpu.memref_slice %arg8[%multiple_of3A] : memref<409600xf32, #tpu.memory_space<hbm>> -> memref<6400xf32, #tpu.memory_space<hbm>>
          %dma_start3A_22 = tpu.memref_slice %arg8[%multiple_of3A] : memref<409600xf32, #tpu.memory_space<hbm>> -> memref<6400xf32, #tpu.memory_space<hbm>>
          tpu.enqueue_dma source(%arg15 : memref<6400xf32, #tpu.memory_space<vmem>>) target(%dma_start3A_22 : memref<6400xf32, #tpu.memory_space<hbm>>) target_semaphore(%run_scoped3A : memref<!tpu.dma_semaphore, #tpu.memory_space<semaphore_mem>>)
          %dma_wait3A = tpu.memref_slice %arg8[%multiple_of3A] : memref<409600xf32, #tpu.memory_space<hbm>> -> memref<6400xf32, #tpu.memory_space<hbm>>
          %dma_wait3A_23 = tpu.memref_slice %arg8[%multiple_of3A] : memref<409600xf32, #tpu.memory_space<hbm>> -> memref<6400xf32, #tpu.memory_space<hbm>>
          tpu.wait_dma2 semaphore(%run_scoped3A : memref<!tpu.dma_semaphore, #tpu.memory_space<semaphore_mem>>) src(%arg15 : memref<6400xf32, #tpu.memory_space<vmem>>) dst(%dma_wait3A_23 : memref<6400xf32, #tpu.memory_space<hbm>>)
          tpu.yield
        }) : () -> ()
      }
      %scan3A_11 = arith.constant 4 : i32
    } else {
    }
    %eq3A_3 = arith.constant 1 : i32
    %eq3A_4 = arith.cmpi eq, %arg0, %eq3A_3 : i32
    %convert_element_type3A_5 = arith.extui %eq3A_4 : i1 to i32
    %cond3A_6 = arith.constant 0 : i32
    %cond3A_7 = arith.cmpi ne, %convert_element_type3A_5, %cond3A_6 : i32
    scf.if %cond3A_7 {
      "tpu.region"() ({
        %run_scoped3A = tpu.sem_alloc : memref<!tpu.dma_semaphore, #tpu.memory_space<semaphore_mem>>
        tpu.enqueue_dma source(%arg4 : memref<50000xf32, #tpu.memory_space<hbm>>) target(%arg10 : memref<50000xf32, #tpu.memory_space<vmem>>) target_semaphore(%run_scoped3A : memref<!tpu.dma_semaphore, #tpu.memory_space<semaphore_mem>>)
        tpu.wait_dma2 semaphore(%run_scoped3A : memref<!tpu.dma_semaphore, #tpu.memory_space<semaphore_mem>>) src(%arg4 : memref<50000xf32, #tpu.memory_space<hbm>>) dst(%arg10 : memref<50000xf32, #tpu.memory_space<vmem>>)
        tpu.yield
      }) : () -> ()
      %scan3A = arith.constant 0 : i32
      %scan3A_8 = arith.constant 4 : i32
      %scan3A_9 = arith.addi %scan3A, %scan3A_8 : i32
      %scan3A_10 = arith.constant 1 : i32
      scf.for %scan3A_12 = %scan3A to %scan3A_9 step %scan3A_10  : i32 {
        %mul3A_13 = arith.constant 6400 : i32
        %mul3A_14 = arith.muli %scan3A_12, %mul3A_13 : i32
        %add3A = arith.constant 0 : i32
        %add3A_15 = arith.addi %add3A, %mul3A_14 : i32
        %add3A_16 = arith.addi %mul3A_0, %add3A_15 : i32
        %multiple_of3A = tpu.assume_multiple %add3A_16, 6400 : i32
        "tpu.region"() ({
          %run_scoped3A = tpu.sem_alloc : memref<!tpu.dma_semaphore, #tpu.memory_space<semaphore_mem>>
          %dma_start3A = tpu.memref_slice %arg5[%multiple_of3A] : memref<409600xi32, #tpu.memory_space<hbm>> -> memref<6400xi32, #tpu.memory_space<hbm>>
          %dma_start3A_22 = tpu.memref_slice %arg5[%multiple_of3A] : memref<409600xi32, #tpu.memory_space<hbm>> -> memref<6400xi32, #tpu.memory_space<hbm>>
          tpu.enqueue_dma source(%dma_start3A_22 : memref<6400xi32, #tpu.memory_space<hbm>>) target(%arg12 : memref<6400xi32, #tpu.memory_space<vmem>>) target_semaphore(%run_scoped3A : memref<!tpu.dma_semaphore, #tpu.memory_space<semaphore_mem>>)
          %dma_wait3A = tpu.memref_slice %arg5[%multiple_of3A] : memref<409600xi32, #tpu.memory_space<hbm>> -> memref<6400xi32, #tpu.memory_space<hbm>>
          %dma_wait3A_23 = tpu.memref_slice %arg5[%multiple_of3A] : memref<409600xi32, #tpu.memory_space<hbm>> -> memref<6400xi32, #tpu.memory_space<hbm>>
          tpu.wait_dma2 semaphore(%run_scoped3A : memref<!tpu.dma_semaphore, #tpu.memory_space<semaphore_mem>>) src(%dma_wait3A_23 : memref<6400xi32, #tpu.memory_space<hbm>>) dst(%arg12 : memref<6400xi32, #tpu.memory_space<vmem>>)
          tpu.yield
        }) : () -> ()
        "tpu.region"() ({
          %run_scoped3A = tpu.sem_alloc : memref<!tpu.dma_semaphore, #tpu.memory_space<semaphore_mem>>
          %dma_start3A = tpu.memref_slice %arg6[%multiple_of3A] : memref<409600xi32, #tpu.memory_space<hbm>> -> memref<6400xi32, #tpu.memory_space<hbm>>
          %dma_start3A_22 = tpu.memref_slice %arg6[%multiple_of3A] : memref<409600xi32, #tpu.memory_space<hbm>> -> memref<6400xi32, #tpu.memory_space<hbm>>
          tpu.enqueue_dma source(%dma_start3A_22 : memref<6400xi32, #tpu.memory_space<hbm>>) target(%arg13 : memref<6400xi32, #tpu.memory_space<vmem>>) target_semaphore(%run_scoped3A : memref<!tpu.dma_semaphore, #tpu.memory_space<semaphore_mem>>)
          %dma_wait3A = tpu.memref_slice %arg6[%multiple_of3A] : memref<409600xi32, #tpu.memory_space<hbm>> -> memref<6400xi32, #tpu.memory_space<hbm>>
          %dma_wait3A_23 = tpu.memref_slice %arg6[%multiple_of3A] : memref<409600xi32, #tpu.memory_space<hbm>> -> memref<6400xi32, #tpu.memory_space<hbm>>
          tpu.wait_dma2 semaphore(%run_scoped3A : memref<!tpu.dma_semaphore, #tpu.memory_space<semaphore_mem>>) src(%dma_wait3A_23 : memref<6400xi32, #tpu.memory_space<hbm>>) dst(%arg13 : memref<6400xi32, #tpu.memory_space<vmem>>)
          tpu.yield
        }) : () -> ()
        %scan3A_17 = arith.constant 0 : i32
        %scan3A_18 = arith.constant 400 : i32
        %scan3A_19 = arith.addi %scan3A_17, %scan3A_18 : i32
        %scan3A_20 = arith.constant 1 : i32
        scf.for %scan3A_22 = %scan3A_17 to %scan3A_19 step %scan3A_20  : i32 {
          %mul3A_23 = arith.constant 16 : i32
          %mul3A_24 = arith.muli %scan3A_22, %mul3A_23 : i32
          %add3A_25 = arith.constant 0 : i32
          %add3A_26 = arith.addi %add3A_25, %mul3A_24 : i32
          %get3A = arith.index_cast %add3A_26 : i32 to index
          %get3A_27 = tpu.vector_load %arg12[%get3A] {strides = array<i32>} : memref<6400xi32, #tpu.memory_space<vmem>>, vector<16xi32>,
          %get3A_28 = arith.index_cast %add3A_26 : i32 to index
          %get3A_29 = tpu.vector_load %arg13[%get3A_28] {strides = array<i32>} : memref<6400xi32, #tpu.memory_space<vmem>>, vector<16xi32>,
          %gather3A = tpu.vector_load_idx %arg10[%get3A_29] : memref<50000xf32, #tpu.memory_space<vmem>>[vector<16xi32>], vector<16xf32>,
          %gather3A_30 = tpu.vector_load_idx %arg10[%get3A_27] : memref<50000xf32, #tpu.memory_space<vmem>>[vector<16xi32>], vector<16xf32>,
          %sub3A = arith.subf %gather3A, %gather3A_30 : vector<16xf32>
          %swap3A = arith.index_cast %add3A_26 : i32 to index
          %swap3A_31 = tpu.vector_load %arg14[%swap3A] {strides = array<i32>} : memref<6400xf32, #tpu.memory_space<vmem>>, vector<16xf32>,
          tpu.vector_store %arg14[%swap3A], %sub3A {strides = array<i32>} : memref<6400xf32, #tpu.memory_space<vmem>>, vector<16xf32>,
        }
        %scan3A_21 = arith.constant 400 : i32
        "tpu.region"() ({
          %run_scoped3A = tpu.sem_alloc : memref<!tpu.dma_semaphore, #tpu.memory_space<semaphore_mem>>
          %dma_start3A = tpu.memref_slice %arg9[%multiple_of3A] : memref<409600xf32, #tpu.memory_space<hbm>> -> memref<6400xf32, #tpu.memory_space<hbm>>
          %dma_start3A_22 = tpu.memref_slice %arg9[%multiple_of3A] : memref<409600xf32, #tpu.memory_space<hbm>> -> memref<6400xf32, #tpu.memory_space<hbm>>
          tpu.enqueue_dma source(%arg14 : memref<6400xf32, #tpu.memory_space<vmem>>) target(%dma_start3A_22 : memref<6400xf32, #tpu.memory_space<hbm>>) target_semaphore(%run_scoped3A : memref<!tpu.dma_semaphore, #tpu.memory_space<semaphore_mem>>)
          %dma_wait3A = tpu.memref_slice %arg9[%multiple_of3A] : memref<409600xf32, #tpu.memory_space<hbm>> -> memref<6400xf32, #tpu.memory_space<hbm>>
          %dma_wait3A_23 = tpu.memref_slice %arg9[%multiple_of3A] : memref<409600xf32, #tpu.memory_space<hbm>> -> memref<6400xf32, #tpu.memory_space<hbm>>
          tpu.wait_dma2 semaphore(%run_scoped3A : memref<!tpu.dma_semaphore, #tpu.memory_space<semaphore_mem>>) src(%arg14 : memref<6400xf32, #tpu.memory_space<vmem>>) dst(%dma_wait3A_23 : memref<6400xf32, #tpu.memory_space<hbm>>)
          tpu.yield
        }) : () -> ()
      }
      %scan3A_11 = arith.constant 4 : i32
    } else {
    }
    return
  }
}

#map = affine_map<(d0, d1) -> (0, 0, 0)>
#map1 = affine_map<(d0, d1) -> (0, 0)>
module attributes {stable_mosaic.version = 14 : i64} {
  func.func @_sc_scatter_body(%arg0: i32, %arg1: i32, %arg2: memref<2x409600x32xf32, #tpu.memory_space<hbm>>, %arg3: memref<3200x128xi32, #tpu.memory_space<hbm>>, %arg4: memref<51200x32xf32, #tpu.memory_space<hbm>>, %arg5: memref<2x51200x32xf32, #tpu.memory_space<hbm>>, %arg6: memref<51200x32xf32, #tpu.memory_space<vmem_shared>>, %arg7: memref<2x128xi32, #tpu.memory_space<vmem>>, %arg8: memref<2x128xi32, #tpu.memory_space<vmem>>, %arg9: memref<256x32xf32, #tpu.memory_space<vmem>>, %arg10: memref<256x32xf32, #tpu.memory_space<vmem>>, %arg11: memref<!tpu.dma_semaphore, #tpu.memory_space<semaphore_mem>>, %arg12: memref<!tpu.dma_semaphore, #tpu.memory_space<semaphore_mem>>, %arg13: memref<!tpu.dma_semaphore, #tpu.memory_space<semaphore_mem>>, %arg14: memref<!tpu.dma_semaphore, #tpu.memory_space<semaphore_mem>>) attributes {dimension_semantics = [#tpu.dimension_semantics<core_parallel>, #tpu.dimension_semantics<subcore_parallel>], iteration_bounds = array<i64: 2, 16>, scalar_prefetch = 0 : i64, scratch_operands = 9 : i64, tpu.core_type = #tpu.core_type<sc_vector_subcore>, window_params = [{transform_indices = #map}, {transform_indices = #map1}, {transform_indices = #map1}, {transform_indices = #map}]} {
    %mul3A = arith.constant 3200 : i32
    %mul3A_0 = arith.muli %arg1, %mul3A : i32
    %multiple_of3A = tpu.assume_multiple %mul3A_0, 8 : i32
    "tpu.region"() ({
      %run_scoped3A = tpu.sem_alloc : memref<!tpu.dma_semaphore, #tpu.memory_space<semaphore_mem>>
      %dma_start3A_44 = arith.constant 0 : i32
      %dma_start3A_45 = tpu.memref_slice %arg6[%multiple_of3A, %dma_start3A_44] : memref<51200x32xf32, #tpu.memory_space<vmem_shared>> -> memref<3200x32xf32, #tpu.memory_space<vmem_shared>>
      %dma_start3A_46 = arith.constant 0 : i32
      %dma_start3A_47 = tpu.memref_slice %arg4[%multiple_of3A, %dma_start3A_46] : memref<51200x32xf32, #tpu.memory_space<hbm>> -> memref<3200x32xf32, #tpu.memory_space<hbm>>
      tpu.enqueue_dma source(%dma_start3A_47 : memref<3200x32xf32, #tpu.memory_space<hbm>>) target(%dma_start3A_45 : memref<3200x32xf32, #tpu.memory_space<vmem_shared>>) target_semaphore(%run_scoped3A : memref<!tpu.dma_semaphore, #tpu.memory_space<semaphore_mem>>)
      %dma_wait3A = arith.constant 0 : i32
      %dma_wait3A_48 = tpu.memref_slice %arg6[%multiple_of3A, %dma_wait3A] : memref<51200x32xf32, #tpu.memory_space<vmem_shared>> -> memref<3200x32xf32, #tpu.memory_space<vmem_shared>>
      %dma_wait3A_49 = arith.constant 0 : i32
      %dma_wait3A_50 = tpu.memref_slice %arg4[%multiple_of3A, %dma_wait3A_49] : memref<51200x32xf32, #tpu.memory_space<hbm>> -> memref<3200x32xf32, #tpu.memory_space<hbm>>
      tpu.wait_dma2 semaphore(%run_scoped3A : memref<!tpu.dma_semaphore, #tpu.memory_space<semaphore_mem>>) src(%dma_wait3A_50 : memref<3200x32xf32, #tpu.memory_space<hbm>>) dst(%dma_wait3A_48 : memref<3200x32xf32, #tpu.memory_space<vmem_shared>>)
      tpu.yield
    }) : () -> ()
    %barrier3A = arith.constant 0 : index
    tpu.barrier barrier_id(%barrier3A)
    %mul3A_1 = arith.constant 25600 : i32
    %mul3A_2 = arith.muli %arg1, %mul3A_1 : i32
    %multiple_of3A_3 = tpu.assume_multiple %mul3A_2, 256 : i32
    %jit3A = arith.constant 128 : i32
    %div3A = arith.divsi %multiple_of3A_3, %jit3A : i32
    %sign3A = arith.constant 0 : i32
    %sign3A_4 = arith.cmpi sgt, %multiple_of3A_3, %sign3A : i32
    %sign3A_5 = arith.extui %sign3A_4 : i1 to i32
    %sign3A_6 = arith.constant 0 : i32
    %sign3A_7 = arith.cmpi slt, %multiple_of3A_3, %sign3A_6 : i32
    %sign3A_8 = arith.extui %sign3A_7 : i1 to i32
    %sign3A_9 = arith.subi %sign3A_5, %sign3A_8 : i32
    %sign3A_10 = arith.constant 0 : i32
    %sign3A_11 = arith.cmpi sgt, %jit3A, %sign3A_10 : i32
    %sign3A_12 = arith.extui %sign3A_11 : i1 to i32
    %sign3A_13 = arith.constant 0 : i32
    %sign3A_14 = arith.cmpi slt, %jit3A, %sign3A_13 : i32
    %sign3A_15 = arith.extui %sign3A_14 : i1 to i32
    %sign3A_16 = arith.subi %sign3A_12, %sign3A_15 : i32
    %ne3A = arith.cmpi ne, %sign3A_9, %sign3A_16 : i32
    %rem3A = arith.remsi %multiple_of3A_3, %jit3A : i32
    %ne3A_17 = arith.constant 0 : i32
    %ne3A_18 = arith.cmpi ne, %rem3A, %ne3A_17 : i32
    %and3A = arith.andi %ne3A, %ne3A_18 : i1
    %sub3A = arith.constant 1 : i32
    %sub3A_19 = arith.subi %div3A, %sub3A : i32
    %select_n3A = arith.select %and3A, %sub3A_19, %div3A : i32
    %multiple_of3A_20 = tpu.assume_multiple %select_n3A, 2 : i32
    %dma_start3A = arith.constant 0 : i32
    %dma_start3A_21 = tpu.memref_slice %arg3[%multiple_of3A_20, %dma_start3A] : memref<3200x128xi32, #tpu.memory_space<hbm>> -> memref<2x128xi32, #tpu.memory_space<hbm>>
    %dma_start3A_22 = arith.constant 0 : i32
    %dma_start3A_23 = tpu.memref_slice %arg3[%multiple_of3A_20, %dma_start3A_22] : memref<3200x128xi32, #tpu.memory_space<hbm>> -> memref<2x128xi32, #tpu.memory_space<hbm>>
    tpu.enqueue_dma source(%dma_start3A_23 : memref<2x128xi32, #tpu.memory_space<hbm>>) target(%arg7 : memref<2x128xi32, #tpu.memory_space<vmem>>) target_semaphore(%arg11 : memref<!tpu.dma_semaphore, #tpu.memory_space<semaphore_mem>>)
    %dma_start3A_24 = arith.constant 0 : i32
    %dma_start3A_25 = arith.constant 0 : i32
    %dma_start3A_26 = tpu.memref_slice %arg2[%arg0, %dma_start3A_24, %dma_start3A_25] : memref<2x409600x32xf32, #tpu.memory_space<hbm>> -> memref<1x409600x32xf32, #tpu.memory_space<hbm>>
    %dma_start3A_27 = tpu.memref_squeeze %dma_start3A_26 : memref<1x409600x32xf32, #tpu.memory_space<hbm>> -> memref<409600x32xf32, #tpu.memory_space<hbm>>
    %dma_start3A_28 = arith.constant 0 : i32
    %dma_start3A_29 = tpu.memref_slice %dma_start3A_27[%multiple_of3A_3, %dma_start3A_28] : memref<409600x32xf32, #tpu.memory_space<hbm>> -> memref<256x32xf32, #tpu.memory_space<hbm>>
    %dma_start3A_30 = arith.constant 0 : i32
    %dma_start3A_31 = arith.constant 0 : i32
    %dma_start3A_32 = tpu.memref_slice %arg2[%arg0, %dma_start3A_30, %dma_start3A_31] : memref<2x409600x32xf32, #tpu.memory_space<hbm>> -> memref<1x409600x32xf32, #tpu.memory_space<hbm>>
    %dma_start3A_33 = tpu.memref_squeeze %dma_start3A_32 : memref<1x409600x32xf32, #tpu.memory_space<hbm>> -> memref<409600x32xf32, #tpu.memory_space<hbm>>
    %dma_start3A_34 = arith.constant 0 : i32
    %dma_start3A_35 = tpu.memref_slice %dma_start3A_33[%multiple_of3A_3, %dma_start3A_34] : memref<409600x32xf32, #tpu.memory_space<hbm>> -> memref<256x32xf32, #tpu.memory_space<hbm>>
    tpu.enqueue_dma source(%dma_start3A_35 : memref<256x32xf32, #tpu.memory_space<hbm>>) target(%arg9 : memref<256x32xf32, #tpu.memory_space<vmem>>) target_semaphore(%arg12 : memref<!tpu.dma_semaphore, #tpu.memory_space<semaphore_mem>>)
    %scan3A = arith.constant 0 : i32
    %scan3A_36 = arith.constant 50 : i32
    %scan3A_37 = arith.addi %scan3A, %scan3A_36 : i32
    %scan3A_38 = arith.constant 1 : i32
    scf.for %scan3A_44 = %scan3A to %scan3A_37 step %scan3A_38  : i32 {
      %mul3A_45 = arith.constant 512 : i32
      %mul3A_46 = arith.muli %scan3A_44, %mul3A_45 : i32
      %add3A = arith.constant 0 : i32
      %add3A_47 = arith.addi %add3A, %mul3A_46 : i32
      %add3A_48 = arith.addi %mul3A_2, %add3A_47 : i32
      %add3A_49 = arith.constant 256 : i32
      %add3A_50 = arith.addi %add3A_48, %add3A_49 : i32
      %multiple_of3A_51 = tpu.assume_multiple %add3A_50, 256 : i32
      %jit3A_52 = arith.constant 128 : i32
      %div3A_53 = arith.divsi %multiple_of3A_51, %jit3A_52 : i32
      %sign3A_54 = arith.constant 0 : i32
      %sign3A_55 = arith.cmpi sgt, %multiple_of3A_51, %sign3A_54 : i32
      %sign3A_56 = arith.extui %sign3A_55 : i1 to i32
      %sign3A_57 = arith.constant 0 : i32
      %sign3A_58 = arith.cmpi slt, %multiple_of3A_51, %sign3A_57 : i32
      %sign3A_59 = arith.extui %sign3A_58 : i1 to i32
      %sign3A_60 = arith.subi %sign3A_56, %sign3A_59 : i32
      %sign3A_61 = arith.constant 0 : i32
      %sign3A_62 = arith.cmpi sgt, %jit3A_52, %sign3A_61 : i32
      %sign3A_63 = arith.extui %sign3A_62 : i1 to i32
      %sign3A_64 = arith.constant 0 : i32
      %sign3A_65 = arith.cmpi slt, %jit3A_52, %sign3A_64 : i32
      %sign3A_66 = arith.extui %sign3A_65 : i1 to i32
      %sign3A_67 = arith.subi %sign3A_63, %sign3A_66 : i32
      %ne3A_68 = arith.cmpi ne, %sign3A_60, %sign3A_67 : i32
      %rem3A_69 = arith.remsi %multiple_of3A_51, %jit3A_52 : i32
      %ne3A_70 = arith.constant 0 : i32
      %ne3A_71 = arith.cmpi ne, %rem3A_69, %ne3A_70 : i32
      %and3A_72 = arith.andi %ne3A_68, %ne3A_71 : i1
      %sub3A_73 = arith.constant 1 : i32
      %sub3A_74 = arith.subi %div3A_53, %sub3A_73 : i32
      %select_n3A_75 = arith.select %and3A_72, %sub3A_74, %div3A_53 : i32
      %multiple_of3A_76 = tpu.assume_multiple %select_n3A_75, 2 : i32
      %dma_start3A_77 = arith.constant 0 : i32
      %dma_start3A_78 = tpu.memref_slice %arg3[%multiple_of3A_76, %dma_start3A_77] : memref<3200x128xi32, #tpu.memory_space<hbm>> -> memref<2x128xi32, #tpu.memory_space<hbm>>
      %dma_start3A_79 = arith.constant 0 : i32
      %dma_start3A_80 = tpu.memref_slice %arg3[%multiple_of3A_76, %dma_start3A_79] : memref<3200x128xi32, #tpu.memory_space<hbm>> -> memref<2x128xi32, #tpu.memory_space<hbm>>
      tpu.enqueue_dma source(%dma_start3A_80 : memref<2x128xi32, #tpu.memory_space<hbm>>) target(%arg8 : memref<2x128xi32, #tpu.memory_space<vmem>>) target_semaphore(%arg13 : memref<!tpu.dma_semaphore, #tpu.memory_space<semaphore_mem>>)
      %dma_start3A_81 = arith.constant 0 : i32
      %dma_start3A_82 = arith.constant 0 : i32
      %dma_start3A_83 = tpu.memref_slice %arg2[%arg0, %dma_start3A_81, %dma_start3A_82] : memref<2x409600x32xf32, #tpu.memory_space<hbm>> -> memref<1x409600x32xf32, #tpu.memory_space<hbm>>
      %dma_start3A_84 = tpu.memref_squeeze %dma_start3A_83 : memref<1x409600x32xf32, #tpu.memory_space<hbm>> -> memref<409600x32xf32, #tpu.memory_space<hbm>>
      %dma_start3A_85 = arith.constant 0 : i32
      %dma_start3A_86 = tpu.memref_slice %dma_start3A_84[%multiple_of3A_51, %dma_start3A_85] : memref<409600x32xf32, #tpu.memory_space<hbm>> -> memref<256x32xf32, #tpu.memory_space<hbm>>
      %dma_start3A_87 = arith.constant 0 : i32
      %dma_start3A_88 = arith.constant 0 : i32
      %dma_start3A_89 = tpu.memref_slice %arg2[%arg0, %dma_start3A_87, %dma_start3A_88] : memref<2x409600x32xf32, #tpu.memory_space<hbm>> -> memref<1x409600x32xf32, #tpu.memory_space<hbm>>
      %dma_start3A_90 = tpu.memref_squeeze %dma_start3A_89 : memref<1x409600x32xf32, #tpu.memory_space<hbm>> -> memref<409600x32xf32, #tpu.memory_space<hbm>>
      %dma_start3A_91 = arith.constant 0 : i32
      %dma_start3A_92 = tpu.memref_slice %dma_start3A_90[%multiple_of3A_51, %dma_start3A_91] : memref<409600x32xf32, #tpu.memory_space<hbm>> -> memref<256x32xf32, #tpu.memory_space<hbm>>
      tpu.enqueue_dma source(%dma_start3A_92 : memref<256x32xf32, #tpu.memory_space<hbm>>) target(%arg10 : memref<256x32xf32, #tpu.memory_space<vmem>>) target_semaphore(%arg14 : memref<!tpu.dma_semaphore, #tpu.memory_space<semaphore_mem>>)
      %dma_wait3A = arith.constant 0 : i32
      %dma_wait3A_93 = arith.constant 0 : i32
      %dma_wait3A_94 = tpu.memref_slice %arg3[%dma_wait3A, %dma_wait3A_93] : memref<3200x128xi32, #tpu.memory_space<hbm>> -> memref<2x128xi32, #tpu.memory_space<hbm>>
      %dma_wait3A_95 = arith.constant 0 : i32
      %dma_wait3A_96 = arith.constant 0 : i32
      %dma_wait3A_97 = tpu.memref_slice %arg3[%dma_wait3A_95, %dma_wait3A_96] : memref<3200x128xi32, #tpu.memory_space<hbm>> -> memref<2x128xi32, #tpu.memory_space<hbm>>
      tpu.wait_dma2 semaphore(%arg11 : memref<!tpu.dma_semaphore, #tpu.memory_space<semaphore_mem>>) src(%dma_wait3A_97 : memref<2x128xi32, #tpu.memory_space<hbm>>) dst(%arg7 : memref<2x128xi32, #tpu.memory_space<vmem>>)
      %dma_wait3A_98 = arith.constant 0 : i32
      %dma_wait3A_99 = arith.constant 0 : i32
      %dma_wait3A_100 = tpu.memref_slice %arg2[%arg0, %dma_wait3A_98, %dma_wait3A_99] : memref<2x409600x32xf32, #tpu.memory_space<hbm>> -> memref<1x409600x32xf32, #tpu.memory_space<hbm>>
      %dma_wait3A_101 = tpu.memref_squeeze %dma_wait3A_100 : memref<1x409600x32xf32, #tpu.memory_space<hbm>> -> memref<409600x32xf32, #tpu.memory_space<hbm>>
      %dma_wait3A_102 = arith.constant 0 : i32
      %dma_wait3A_103 = arith.constant 0 : i32
      %dma_wait3A_104 = tpu.memref_slice %dma_wait3A_101[%dma_wait3A_102, %dma_wait3A_103] : memref<409600x32xf32, #tpu.memory_space<hbm>> -> memref<256x32xf32, #tpu.memory_space<hbm>>
      %dma_wait3A_105 = arith.constant 0 : i32
      %dma_wait3A_106 = arith.constant 0 : i32
      %dma_wait3A_107 = tpu.memref_slice %arg2[%arg0, %dma_wait3A_105, %dma_wait3A_106] : memref<2x409600x32xf32, #tpu.memory_space<hbm>> -> memref<1x409600x32xf32, #tpu.memory_space<hbm>>
      %dma_wait3A_108 = tpu.memref_squeeze %dma_wait3A_107 : memref<1x409600x32xf32, #tpu.memory_space<hbm>> -> memref<409600x32xf32, #tpu.memory_space<hbm>>
      %dma_wait3A_109 = arith.constant 0 : i32
      %dma_wait3A_110 = arith.constant 0 : i32
      %dma_wait3A_111 = tpu.memref_slice %dma_wait3A_108[%dma_wait3A_109, %dma_wait3A_110] : memref<409600x32xf32, #tpu.memory_space<hbm>> -> memref<256x32xf32, #tpu.memory_space<hbm>>
      tpu.wait_dma2 semaphore(%arg12 : memref<!tpu.dma_semaphore, #tpu.memory_space<semaphore_mem>>) src(%dma_wait3A_111 : memref<256x32xf32, #tpu.memory_space<hbm>>) dst(%arg9 : memref<256x32xf32, #tpu.memory_space<vmem>>)
      %run_scoped3A = arith.constant 0 : i32
      "tpu.region"() ({
        %run_scoped3A_139 = tpu.sem_alloc : memref<!tpu.dma_semaphore, #tpu.memory_space<semaphore_mem>>
        %dma_start3A_140 = arith.constant 0 : i32
        %dma_start3A_141 = arith.constant 0 : i32
        %dma_start3A_142 = tpu.memref_slice %arg9[%dma_start3A_140, %dma_start3A_141] : memref<256x32xf32, #tpu.memory_space<vmem>> -> memref<128x32xf32, #tpu.memory_space<vmem>>
        %dma_start3A_143 = arith.constant 0 : i32
        %dma_start3A_144 = tpu.memref_slice %arg7[%run_scoped3A, %dma_start3A_143] : memref<2x128xi32, #tpu.memory_space<vmem>> -> memref<1x128xi32, #tpu.memory_space<vmem>>
        %dma_start3A_145 = tpu.memref_squeeze %dma_start3A_144 : memref<1x128xi32, #tpu.memory_space<vmem>> -> memref<128xi32, #tpu.memory_space<vmem>>
        %dma_start3A_146 = arith.constant 0 : i32
        %dma_start3A_147 = arith.constant 0 : i32
        %dma_start3A_148 = tpu.memref_slice %arg6[%dma_start3A_146, %dma_start3A_147] : memref<51200x32xf32, #tpu.memory_space<vmem_shared>> -> memref<51200x32xf32, #tpu.memory_space<vmem_shared>>
        tpu.enqueue_indirect_dma source(%dma_start3A_142 : memref<128x32xf32, #tpu.memory_space<vmem>>) target(%dma_start3A_148 : memref<51200x32xf32, #tpu.memory_space<vmem_shared>>) offsets(%dma_start3A_145 : memref<128xi32, #tpu.memory_space<vmem>>) semaphore(%run_scoped3A_139 : memref<!tpu.dma_semaphore, #tpu.memory_space<semaphore_mem>>) {add = true}
        %dma_wait3A_149 = arith.constant 0 : i32
        %dma_wait3A_150 = arith.constant 0 : i32
        %dma_wait3A_151 = tpu.memref_slice %arg9[%dma_wait3A_149, %dma_wait3A_150] : memref<256x32xf32, #tpu.memory_space<vmem>> -> memref<128x32xf32, #tpu.memory_space<vmem>>
        %dma_wait3A_152 = arith.constant 0 : i32
        %dma_wait3A_153 = tpu.memref_slice %arg7[%run_scoped3A, %dma_wait3A_152] : memref<2x128xi32, #tpu.memory_space<vmem>> -> memref<1x128xi32, #tpu.memory_space<vmem>>
        %dma_wait3A_154 = tpu.memref_squeeze %dma_wait3A_153 : memref<1x128xi32, #tpu.memory_space<vmem>> -> memref<128xi32, #tpu.memory_space<vmem>>
        %dma_wait3A_155 = arith.constant 0 : i32
        %dma_wait3A_156 = arith.constant 0 : i32
        %dma_wait3A_157 = tpu.memref_slice %arg6[%dma_wait3A_155, %dma_wait3A_156] : memref<51200x32xf32, #tpu.memory_space<vmem_shared>> -> memref<51200x32xf32, #tpu.memory_space<vmem_shared>>
        tpu.wait_indirect_dma semaphore(%run_scoped3A_139 : memref<!tpu.dma_semaphore, #tpu.memory_space<semaphore_mem>>) src(%dma_wait3A_151 : memref<128x32xf32, #tpu.memory_space<vmem>>) dst(%dma_wait3A_157 : memref<51200x32xf32, #tpu.memory_space<vmem_shared>>)
        tpu.yield
      }) : () -> ()
      %run_scoped3A_112 = arith.constant 1 : i32
      "tpu.region"() ({
        %run_scoped3A_139 = tpu.sem_alloc : memref<!tpu.dma_semaphore, #tpu.memory_space<semaphore_mem>>
        %dma_start3A_140 = arith.constant 128 : i32
        %dma_start3A_141 = arith.constant 0 : i32
        %dma_start3A_142 = tpu.memref_slice %arg9[%dma_start3A_140, %dma_start3A_141] : memref<256x32xf32, #tpu.memory_space<vmem>> -> memref<128x32xf32, #tpu.memory_space<vmem>>
        %dma_start3A_143 = arith.constant 0 : i32
        %dma_start3A_144 = tpu.memref_slice %arg7[%run_scoped3A_112, %dma_start3A_143] : memref<2x128xi32, #tpu.memory_space<vmem>> -> memref<1x128xi32, #tpu.memory_space<vmem>>
        %dma_start3A_145 = tpu.memref_squeeze %dma_start3A_144 : memref<1x128xi32, #tpu.memory_space<vmem>> -> memref<128xi32, #tpu.memory_space<vmem>>
        %dma_start3A_146 = arith.constant 0 : i32
        %dma_start3A_147 = arith.constant 0 : i32
        %dma_start3A_148 = tpu.memref_slice %arg6[%dma_start3A_146, %dma_start3A_147] : memref<51200x32xf32, #tpu.memory_space<vmem_shared>> -> memref<51200x32xf32, #tpu.memory_space<vmem_shared>>
        tpu.enqueue_indirect_dma source(%dma_start3A_142 : memref<128x32xf32, #tpu.memory_space<vmem>>) target(%dma_start3A_148 : memref<51200x32xf32, #tpu.memory_space<vmem_shared>>) offsets(%dma_start3A_145 : memref<128xi32, #tpu.memory_space<vmem>>) semaphore(%run_scoped3A_139 : memref<!tpu.dma_semaphore, #tpu.memory_space<semaphore_mem>>) {add = true}
        %dma_wait3A_149 = arith.constant 128 : i32
        %dma_wait3A_150 = arith.constant 0 : i32
        %dma_wait3A_151 = tpu.memref_slice %arg9[%dma_wait3A_149, %dma_wait3A_150] : memref<256x32xf32, #tpu.memory_space<vmem>> -> memref<128x32xf32, #tpu.memory_space<vmem>>
        %dma_wait3A_152 = arith.constant 0 : i32
        %dma_wait3A_153 = tpu.memref_slice %arg7[%run_scoped3A_112, %dma_wait3A_152] : memref<2x128xi32, #tpu.memory_space<vmem>> -> memref<1x128xi32, #tpu.memory_space<vmem>>
        %dma_wait3A_154 = tpu.memref_squeeze %dma_wait3A_153 : memref<1x128xi32, #tpu.memory_space<vmem>> -> memref<128xi32, #tpu.memory_space<vmem>>
        %dma_wait3A_155 = arith.constant 0 : i32
        %dma_wait3A_156 = arith.constant 0 : i32
        %dma_wait3A_157 = tpu.memref_slice %arg6[%dma_wait3A_155, %dma_wait3A_156] : memref<51200x32xf32, #tpu.memory_space<vmem_shared>> -> memref<51200x32xf32, #tpu.memory_space<vmem_shared>>
        tpu.wait_indirect_dma semaphore(%run_scoped3A_139 : memref<!tpu.dma_semaphore, #tpu.memory_space<semaphore_mem>>) src(%dma_wait3A_151 : memref<128x32xf32, #tpu.memory_space<vmem>>) dst(%dma_wait3A_157 : memref<51200x32xf32, #tpu.memory_space<vmem_shared>>)
        tpu.yield
      }) : () -> ()
      %add3A_113 = arith.constant 512 : i32
      %add3A_114 = arith.addi %add3A_47, %add3A_113 : i32
      %lt3A = arith.constant 25600 : i32
      %lt3A_115 = arith.cmpi slt, %add3A_114, %lt3A : i32
      %convert_element_type3A = arith.extui %lt3A_115 : i1 to i32
      %cond3A = arith.constant 0 : i32
      %cond3A_116 = arith.cmpi ne, %convert_element_type3A, %cond3A : i32
      scf.if %cond3A_116 {
        %add3A_139 = arith.constant 512 : i32
        %add3A_140 = arith.addi %add3A_48, %add3A_139 : i32
        %multiple_of3A_141 = tpu.assume_multiple %add3A_140, 256 : i32
        %jit3A_142 = arith.constant 128 : i32
        %div3A_143 = arith.divsi %multiple_of3A_141, %jit3A_142 : i32
        %sign3A_144 = arith.constant 0 : i32
        %sign3A_145 = arith.cmpi sgt, %multiple_of3A_141, %sign3A_144 : i32
        %sign3A_146 = arith.extui %sign3A_145 : i1 to i32
        %sign3A_147 = arith.constant 0 : i32
        %sign3A_148 = arith.cmpi slt, %multiple_of3A_141, %sign3A_147 : i32
        %sign3A_149 = arith.extui %sign3A_148 : i1 to i32
        %sign3A_150 = arith.subi %sign3A_146, %sign3A_149 : i32
        %sign3A_151 = arith.constant 0 : i32
        %sign3A_152 = arith.cmpi sgt, %jit3A_142, %sign3A_151 : i32
        %sign3A_153 = arith.extui %sign3A_152 : i1 to i32
        %sign3A_154 = arith.constant 0 : i32
        %sign3A_155 = arith.cmpi slt, %jit3A_142, %sign3A_154 : i32
        %sign3A_156 = arith.extui %sign3A_155 : i1 to i32
        %sign3A_157 = arith.subi %sign3A_153, %sign3A_156 : i32
        %ne3A_158 = arith.cmpi ne, %sign3A_150, %sign3A_157 : i32
        %rem3A_159 = arith.remsi %multiple_of3A_141, %jit3A_142 : i32
        %ne3A_160 = arith.constant 0 : i32
        %ne3A_161 = arith.cmpi ne, %rem3A_159, %ne3A_160 : i32
        %and3A_162 = arith.andi %ne3A_158, %ne3A_161 : i1
        %sub3A_163 = arith.constant 1 : i32
        %sub3A_164 = arith.subi %div3A_143, %sub3A_163 : i32
        %select_n3A_165 = arith.select %and3A_162, %sub3A_164, %div3A_143 : i32
        %multiple_of3A_166 = tpu.assume_multiple %select_n3A_165, 2 : i32
        %dma_start3A_167 = arith.constant 0 : i32
        %dma_start3A_168 = tpu.memref_slice %arg3[%multiple_of3A_166, %dma_start3A_167] : memref<3200x128xi32, #tpu.memory_space<hbm>> -> memref<2x128xi32, #tpu.memory_space<hbm>>
        %dma_start3A_169 = arith.constant 0 : i32
        %dma_start3A_170 = tpu.memref_slice %arg3[%multiple_of3A_166, %dma_start3A_169] : memref<3200x128xi32, #tpu.memory_space<hbm>> -> memref<2x128xi32, #tpu.memory_space<hbm>>
        tpu.enqueue_dma source(%dma_start3A_170 : memref<2x128xi32, #tpu.memory_space<hbm>>) target(%arg7 : memref<2x128xi32, #tpu.memory_space<vmem>>) target_semaphore(%arg11 : memref<!tpu.dma_semaphore, #tpu.memory_space<semaphore_mem>>)
        %dma_start3A_171 = arith.constant 0 : i32
        %dma_start3A_172 = arith.constant 0 : i32
        %dma_start3A_173 = tpu.memref_slice %arg2[%arg0, %dma_start3A_171, %dma_start3A_172] : memref<2x409600x32xf32, #tpu.memory_space<hbm>> -> memref<1x409600x32xf32, #tpu.memory_space<hbm>>
        %dma_start3A_174 = tpu.memref_squeeze %dma_start3A_173 : memref<1x409600x32xf32, #tpu.memory_space<hbm>> -> memref<409600x32xf32, #tpu.memory_space<hbm>>
        %dma_start3A_175 = arith.constant 0 : i32
        %dma_start3A_176 = tpu.memref_slice %dma_start3A_174[%multiple_of3A_141, %dma_start3A_175] : memref<409600x32xf32, #tpu.memory_space<hbm>> -> memref<256x32xf32, #tpu.memory_space<hbm>>
        %dma_start3A_177 = arith.constant 0 : i32
        %dma_start3A_178 = arith.constant 0 : i32
        %dma_start3A_179 = tpu.memref_slice %arg2[%arg0, %dma_start3A_177, %dma_start3A_178] : memref<2x409600x32xf32, #tpu.memory_space<hbm>> -> memref<1x409600x32xf32, #tpu.memory_space<hbm>>
        %dma_start3A_180 = tpu.memref_squeeze %dma_start3A_179 : memref<1x409600x32xf32, #tpu.memory_space<hbm>> -> memref<409600x32xf32, #tpu.memory_space<hbm>>
        %dma_start3A_181 = arith.constant 0 : i32
        %dma_start3A_182 = tpu.memref_slice %dma_start3A_180[%multiple_of3A_141, %dma_start3A_181] : memref<409600x32xf32, #tpu.memory_space<hbm>> -> memref<256x32xf32, #tpu.memory_space<hbm>>
        tpu.enqueue_dma source(%dma_start3A_182 : memref<256x32xf32, #tpu.memory_space<hbm>>) target(%arg9 : memref<256x32xf32, #tpu.memory_space<vmem>>) target_semaphore(%arg12 : memref<!tpu.dma_semaphore, #tpu.memory_space<semaphore_mem>>)
      } else {
      }
      %dma_wait3A_117 = arith.constant 0 : i32
      %dma_wait3A_118 = arith.constant 0 : i32
      %dma_wait3A_119 = tpu.memref_slice %arg3[%dma_wait3A_117, %dma_wait3A_118] : memref<3200x128xi32, #tpu.memory_space<hbm>> -> memref<2x128xi32, #tpu.memory_space<hbm>>
      %dma_wait3A_120 = arith.constant 0 : i32
      %dma_wait3A_121 = arith.constant 0 : i32
      %dma_wait3A_122 = tpu.memref_slice %arg3[%dma_wait3A_120, %dma_wait3A_121] : memref<3200x128xi32, #tpu.memory_space<hbm>> -> memref<2x128xi32, #tpu.memory_space<hbm>>
      tpu.wait_dma2 semaphore(%arg13 : memref<!tpu.dma_semaphore, #tpu.memory_space<semaphore_mem>>) src(%dma_wait3A_122 : memref<2x128xi32, #tpu.memory_space<hbm>>) dst(%arg8 : memref<2x128xi32, #tpu.memory_space<vmem>>)
      %dma_wait3A_123 = arith.constant 0 : i32
      %dma_wait3A_124 = arith.constant 0 : i32
      %dma_wait3A_125 = tpu.memref_slice %arg2[%arg0, %dma_wait3A_123, %dma_wait3A_124] : memref<2x409600x32xf32, #tpu.memory_space<hbm>> -> memref<1x409600x32xf32, #tpu.memory_space<hbm>>
      %dma_wait3A_126 = tpu.memref_squeeze %dma_wait3A_125 : memref<1x409600x32xf32, #tpu.memory_space<hbm>> -> memref<409600x32xf32, #tpu.memory_space<hbm>>
      %dma_wait3A_127 = arith.constant 0 : i32
      %dma_wait3A_128 = arith.constant 0 : i32
      %dma_wait3A_129 = tpu.memref_slice %dma_wait3A_126[%dma_wait3A_127, %dma_wait3A_128] : memref<409600x32xf32, #tpu.memory_space<hbm>> -> memref<256x32xf32, #tpu.memory_space<hbm>>
      %dma_wait3A_130 = arith.constant 0 : i32
      %dma_wait3A_131 = arith.constant 0 : i32
      %dma_wait3A_132 = tpu.memref_slice %arg2[%arg0, %dma_wait3A_130, %dma_wait3A_131] : memref<2x409600x32xf32, #tpu.memory_space<hbm>> -> memref<1x409600x32xf32, #tpu.memory_space<hbm>>
      %dma_wait3A_133 = tpu.memref_squeeze %dma_wait3A_132 : memref<1x409600x32xf32, #tpu.memory_space<hbm>> -> memref<409600x32xf32, #tpu.memory_space<hbm>>
      %dma_wait3A_134 = arith.constant 0 : i32
      %dma_wait3A_135 = arith.constant 0 : i32
      %dma_wait3A_136 = tpu.memref_slice %dma_wait3A_133[%dma_wait3A_134, %dma_wait3A_135] : memref<409600x32xf32, #tpu.memory_space<hbm>> -> memref<256x32xf32, #tpu.memory_space<hbm>>
      tpu.wait_dma2 semaphore(%arg14 : memref<!tpu.dma_semaphore, #tpu.memory_space<semaphore_mem>>) src(%dma_wait3A_136 : memref<256x32xf32, #tpu.memory_space<hbm>>) dst(%arg10 : memref<256x32xf32, #tpu.memory_space<vmem>>)
      %run_scoped3A_137 = arith.constant 0 : i32
      "tpu.region"() ({
        %run_scoped3A_139 = tpu.sem_alloc : memref<!tpu.dma_semaphore, #tpu.memory_space<semaphore_mem>>
        %dma_start3A_140 = arith.constant 0 : i32
        %dma_start3A_141 = arith.constant 0 : i32
        %dma_start3A_142 = tpu.memref_slice %arg10[%dma_start3A_140, %dma_start3A_141] : memref<256x32xf32, #tpu.memory_space<vmem>> -> memref<128x32xf32, #tpu.memory_space<vmem>>
        %dma_start3A_143 = arith.constant 0 : i32
        %dma_start3A_144 = tpu.memref_slice %arg8[%run_scoped3A_137, %dma_start3A_143] : memref<2x128xi32, #tpu.memory_space<vmem>> -> memref<1x128xi32, #tpu.memory_space<vmem>>
        %dma_start3A_145 = tpu.memref_squeeze %dma_start3A_144 : memref<1x128xi32, #tpu.memory_space<vmem>> -> memref<128xi32, #tpu.memory_space<vmem>>
        %dma_start3A_146 = arith.constant 0 : i32
        %dma_start3A_147 = arith.constant 0 : i32
        %dma_start3A_148 = tpu.memref_slice %arg6[%dma_start3A_146, %dma_start3A_147] : memref<51200x32xf32, #tpu.memory_space<vmem_shared>> -> memref<51200x32xf32, #tpu.memory_space<vmem_shared>>
        tpu.enqueue_indirect_dma source(%dma_start3A_142 : memref<128x32xf32, #tpu.memory_space<vmem>>) target(%dma_start3A_148 : memref<51200x32xf32, #tpu.memory_space<vmem_shared>>) offsets(%dma_start3A_145 : memref<128xi32, #tpu.memory_space<vmem>>) semaphore(%run_scoped3A_139 : memref<!tpu.dma_semaphore, #tpu.memory_space<semaphore_mem>>) {add = true}
        %dma_wait3A_149 = arith.constant 0 : i32
        %dma_wait3A_150 = arith.constant 0 : i32
        %dma_wait3A_151 = tpu.memref_slice %arg10[%dma_wait3A_149, %dma_wait3A_150] : memref<256x32xf32, #tpu.memory_space<vmem>> -> memref<128x32xf32, #tpu.memory_space<vmem>>
        %dma_wait3A_152 = arith.constant 0 : i32
        %dma_wait3A_153 = tpu.memref_slice %arg8[%run_scoped3A_137, %dma_wait3A_152] : memref<2x128xi32, #tpu.memory_space<vmem>> -> memref<1x128xi32, #tpu.memory_space<vmem>>
        %dma_wait3A_154 = tpu.memref_squeeze %dma_wait3A_153 : memref<1x128xi32, #tpu.memory_space<vmem>> -> memref<128xi32, #tpu.memory_space<vmem>>
        %dma_wait3A_155 = arith.constant 0 : i32
        %dma_wait3A_156 = arith.constant 0 : i32
        %dma_wait3A_157 = tpu.memref_slice %arg6[%dma_wait3A_155, %dma_wait3A_156] : memref<51200x32xf32, #tpu.memory_space<vmem_shared>> -> memref<51200x32xf32, #tpu.memory_space<vmem_shared>>
        tpu.wait_indirect_dma semaphore(%run_scoped3A_139 : memref<!tpu.dma_semaphore, #tpu.memory_space<semaphore_mem>>) src(%dma_wait3A_151 : memref<128x32xf32, #tpu.memory_space<vmem>>) dst(%dma_wait3A_157 : memref<51200x32xf32, #tpu.memory_space<vmem_shared>>)
        tpu.yield
      }) : () -> ()
      %run_scoped3A_138 = arith.constant 1 : i32
      "tpu.region"() ({
        %run_scoped3A_139 = tpu.sem_alloc : memref<!tpu.dma_semaphore, #tpu.memory_space<semaphore_mem>>
        %dma_start3A_140 = arith.constant 128 : i32
        %dma_start3A_141 = arith.constant 0 : i32
        %dma_start3A_142 = tpu.memref_slice %arg10[%dma_start3A_140, %dma_start3A_141] : memref<256x32xf32, #tpu.memory_space<vmem>> -> memref<128x32xf32, #tpu.memory_space<vmem>>
        %dma_start3A_143 = arith.constant 0 : i32
        %dma_start3A_144 = tpu.memref_slice %arg8[%run_scoped3A_138, %dma_start3A_143] : memref<2x128xi32, #tpu.memory_space<vmem>> -> memref<1x128xi32, #tpu.memory_space<vmem>>
        %dma_start3A_145 = tpu.memref_squeeze %dma_start3A_144 : memref<1x128xi32, #tpu.memory_space<vmem>> -> memref<128xi32, #tpu.memory_space<vmem>>
        %dma_start3A_146 = arith.constant 0 : i32
        %dma_start3A_147 = arith.constant 0 : i32
        %dma_start3A_148 = tpu.memref_slice %arg6[%dma_start3A_146, %dma_start3A_147] : memref<51200x32xf32, #tpu.memory_space<vmem_shared>> -> memref<51200x32xf32, #tpu.memory_space<vmem_shared>>
        tpu.enqueue_indirect_dma source(%dma_start3A_142 : memref<128x32xf32, #tpu.memory_space<vmem>>) target(%dma_start3A_148 : memref<51200x32xf32, #tpu.memory_space<vmem_shared>>) offsets(%dma_start3A_145 : memref<128xi32, #tpu.memory_space<vmem>>) semaphore(%run_scoped3A_139 : memref<!tpu.dma_semaphore, #tpu.memory_space<semaphore_mem>>) {add = true}
        %dma_wait3A_149 = arith.constant 128 : i32
        %dma_wait3A_150 = arith.constant 0 : i32
        %dma_wait3A_151 = tpu.memref_slice %arg10[%dma_wait3A_149, %dma_wait3A_150] : memref<256x32xf32, #tpu.memory_space<vmem>> -> memref<128x32xf32, #tpu.memory_space<vmem>>
        %dma_wait3A_152 = arith.constant 0 : i32
        %dma_wait3A_153 = tpu.memref_slice %arg8[%run_scoped3A_138, %dma_wait3A_152] : memref<2x128xi32, #tpu.memory_space<vmem>> -> memref<1x128xi32, #tpu.memory_space<vmem>>
        %dma_wait3A_154 = tpu.memref_squeeze %dma_wait3A_153 : memref<1x128xi32, #tpu.memory_space<vmem>> -> memref<128xi32, #tpu.memory_space<vmem>>
        %dma_wait3A_155 = arith.constant 0 : i32
        %dma_wait3A_156 = arith.constant 0 : i32
        %dma_wait3A_157 = tpu.memref_slice %arg6[%dma_wait3A_155, %dma_wait3A_156] : memref<51200x32xf32, #tpu.memory_space<vmem_shared>> -> memref<51200x32xf32, #tpu.memory_space<vmem_shared>>
        tpu.wait_indirect_dma semaphore(%run_scoped3A_139 : memref<!tpu.dma_semaphore, #tpu.memory_space<semaphore_mem>>) src(%dma_wait3A_151 : memref<128x32xf32, #tpu.memory_space<vmem>>) dst(%dma_wait3A_157 : memref<51200x32xf32, #tpu.memory_space<vmem_shared>>)
        tpu.yield
      }) : () -> ()
    }
    %scan3A_39 = arith.constant 50 : i32
    %barrier3A_40 = arith.constant 0 : index
    tpu.barrier barrier_id(%barrier3A_40)
    %mul3A_41 = arith.constant 3200 : i32
    %mul3A_42 = arith.muli %arg1, %mul3A_41 : i32
    %multiple_of3A_43 = tpu.assume_multiple %mul3A_42, 8 : i32
    "tpu.region"() ({
      %run_scoped3A = tpu.sem_alloc : memref<!tpu.dma_semaphore, #tpu.memory_space<semaphore_mem>>
      %dma_start3A_44 = arith.constant 0 : i32
      %dma_start3A_45 = arith.constant 0 : i32
      %dma_start3A_46 = tpu.memref_slice %arg5[%arg0, %dma_start3A_44, %dma_start3A_45] : memref<2x51200x32xf32, #tpu.memory_space<hbm>> -> memref<1x51200x32xf32, #tpu.memory_space<hbm>>
      %dma_start3A_47 = tpu.memref_squeeze %dma_start3A_46 : memref<1x51200x32xf32, #tpu.memory_space<hbm>> -> memref<51200x32xf32, #tpu.memory_space<hbm>>
      %dma_start3A_48 = arith.constant 0 : i32
      %dma_start3A_49 = tpu.memref_slice %dma_start3A_47[%multiple_of3A_43, %dma_start3A_48] : memref<51200x32xf32, #tpu.memory_space<hbm>> -> memref<3200x32xf32, #tpu.memory_space<hbm>>
      %dma_start3A_50 = arith.constant 0 : i32
      %dma_start3A_51 = tpu.memref_slice %arg6[%multiple_of3A_43, %dma_start3A_50] : memref<51200x32xf32, #tpu.memory_space<vmem_shared>> -> memref<3200x32xf32, #tpu.memory_space<vmem_shared>>
      tpu.enqueue_dma source(%dma_start3A_51 : memref<3200x32xf32, #tpu.memory_space<vmem_shared>>) target(%dma_start3A_49 : memref<3200x32xf32, #tpu.memory_space<hbm>>) target_semaphore(%run_scoped3A : memref<!tpu.dma_semaphore, #tpu.memory_space<semaphore_mem>>)
      %dma_wait3A = arith.constant 0 : i32
      %dma_wait3A_52 = arith.constant 0 : i32
      %dma_wait3A_53 = tpu.memref_slice %arg5[%arg0, %dma_wait3A, %dma_wait3A_52] : memref<2x51200x32xf32, #tpu.memory_space<hbm>> -> memref<1x51200x32xf32, #tpu.memory_space<hbm>>
      %dma_wait3A_54 = tpu.memref_squeeze %dma_wait3A_53 : memref<1x51200x32xf32, #tpu.memory_space<hbm>> -> memref<51200x32xf32, #tpu.memory_space<hbm>>
      %dma_wait3A_55 = arith.constant 0 : i32
      %dma_wait3A_56 = tpu.memref_slice %dma_wait3A_54[%multiple_of3A_43, %dma_wait3A_55] : memref<51200x32xf32, #tpu.memory_space<hbm>> -> memref<3200x32xf32, #tpu.memory_space<hbm>>
      %dma_wait3A_57 = arith.constant 0 : i32
      %dma_wait3A_58 = tpu.memref_slice %arg6[%multiple_of3A_43, %dma_wait3A_57] : memref<51200x32xf32, #tpu.memory_space<vmem_shared>> -> memref<3200x32xf32, #tpu.memory_space<vmem_shared>>
      tpu.wait_dma2 semaphore(%run_scoped3A : memref<!tpu.dma_semaphore, #tpu.memory_space<semaphore_mem>>) src(%dma_wait3A_58 : memref<3200x32xf32, #tpu.memory_space<vmem_shared>>) dst(%dma_wait3A_56 : memref<3200x32xf32, #tpu.memory_space<hbm>>)
      tpu.yield
    }) : () -> ()
    return
  }
}

#map = affine_map<(d0, d1) -> (0, 0, 0)>
#map1 = affine_map<(d0, d1) -> (0, 0)>
module attributes {stable_mosaic.version = 14 : i64} {
  func.func @_sc_scatter_body(%arg0: i32, %arg1: i32, %arg2: memref<2x409600x32xf32, #tpu.memory_space<hbm>>, %arg3: memref<3200x128xi32, #tpu.memory_space<hbm>>, %arg4: memref<51200x32xf32, #tpu.memory_space<hbm>>, %arg5: memref<2x51200x32xf32, #tpu.memory_space<hbm>>, %arg6: memref<51200x32xf32, #tpu.memory_space<vmem_shared>>, %arg7: memref<2x128xi32, #tpu.memory_space<vmem>>, %arg8: memref<2x128xi32, #tpu.memory_space<vmem>>, %arg9: memref<256x32xf32, #tpu.memory_space<vmem>>, %arg10: memref<256x32xf32, #tpu.memory_space<vmem>>, %arg11: memref<!tpu.dma_semaphore, #tpu.memory_space<semaphore_mem>>, %arg12: memref<!tpu.dma_semaphore, #tpu.memory_space<semaphore_mem>>, %arg13: memref<!tpu.dma_semaphore, #tpu.memory_space<semaphore_mem>>, %arg14: memref<!tpu.dma_semaphore, #tpu.memory_space<semaphore_mem>>) attributes {dimension_semantics = [#tpu.dimension_semantics<core_parallel>, #tpu.dimension_semantics<subcore_parallel>], iteration_bounds = array<i64: 2, 16>, scalar_prefetch = 0 : i64, scratch_operands = 9 : i64, tpu.core_type = #tpu.core_type<sc_vector_subcore>, window_params = [{transform_indices = #map}, {transform_indices = #map1}, {transform_indices = #map1}, {transform_indices = #map}]} {
    %mul3A = arith.constant 3200 : i32
    %mul3A_0 = arith.muli %arg1, %mul3A : i32
    %multiple_of3A = tpu.assume_multiple %mul3A_0, 8 : i32
    "tpu.region"() ({
      %run_scoped3A = tpu.sem_alloc : memref<!tpu.dma_semaphore, #tpu.memory_space<semaphore_mem>>
      %dma_start3A_44 = arith.constant 0 : i32
      %dma_start3A_45 = tpu.memref_slice %arg6[%multiple_of3A, %dma_start3A_44] : memref<51200x32xf32, #tpu.memory_space<vmem_shared>> -> memref<3200x32xf32, #tpu.memory_space<vmem_shared>>
      %dma_start3A_46 = arith.constant 0 : i32
      %dma_start3A_47 = tpu.memref_slice %arg4[%multiple_of3A, %dma_start3A_46] : memref<51200x32xf32, #tpu.memory_space<hbm>> -> memref<3200x32xf32, #tpu.memory_space<hbm>>
      tpu.enqueue_dma source(%dma_start3A_47 : memref<3200x32xf32, #tpu.memory_space<hbm>>) target(%dma_start3A_45 : memref<3200x32xf32, #tpu.memory_space<vmem_shared>>) target_semaphore(%run_scoped3A : memref<!tpu.dma_semaphore, #tpu.memory_space<semaphore_mem>>)
      %dma_wait3A = arith.constant 0 : i32
      %dma_wait3A_48 = tpu.memref_slice %arg6[%multiple_of3A, %dma_wait3A] : memref<51200x32xf32, #tpu.memory_space<vmem_shared>> -> memref<3200x32xf32, #tpu.memory_space<vmem_shared>>
      %dma_wait3A_49 = arith.constant 0 : i32
      %dma_wait3A_50 = tpu.memref_slice %arg4[%multiple_of3A, %dma_wait3A_49] : memref<51200x32xf32, #tpu.memory_space<hbm>> -> memref<3200x32xf32, #tpu.memory_space<hbm>>
      tpu.wait_dma2 semaphore(%run_scoped3A : memref<!tpu.dma_semaphore, #tpu.memory_space<semaphore_mem>>) src(%dma_wait3A_50 : memref<3200x32xf32, #tpu.memory_space<hbm>>) dst(%dma_wait3A_48 : memref<3200x32xf32, #tpu.memory_space<vmem_shared>>)
      tpu.yield
    }) : () -> ()
    %barrier3A = arith.constant 0 : index
    tpu.barrier barrier_id(%barrier3A)
    %mul3A_1 = arith.constant 25600 : i32
    %mul3A_2 = arith.muli %arg1, %mul3A_1 : i32
    %multiple_of3A_3 = tpu.assume_multiple %mul3A_2, 256 : i32
    %jit3A = arith.constant 128 : i32
    %div3A = arith.divsi %multiple_of3A_3, %jit3A : i32
    %sign3A = arith.constant 0 : i32
    %sign3A_4 = arith.cmpi sgt, %multiple_of3A_3, %sign3A : i32
    %sign3A_5 = arith.extui %sign3A_4 : i1 to i32
    %sign3A_6 = arith.constant 0 : i32
    %sign3A_7 = arith.cmpi slt, %multiple_of3A_3, %sign3A_6 : i32
    %sign3A_8 = arith.extui %sign3A_7 : i1 to i32
    %sign3A_9 = arith.subi %sign3A_5, %sign3A_8 : i32
    %sign3A_10 = arith.constant 0 : i32
    %sign3A_11 = arith.cmpi sgt, %jit3A, %sign3A_10 : i32
    %sign3A_12 = arith.extui %sign3A_11 : i1 to i32
    %sign3A_13 = arith.constant 0 : i32
    %sign3A_14 = arith.cmpi slt, %jit3A, %sign3A_13 : i32
    %sign3A_15 = arith.extui %sign3A_14 : i1 to i32
    %sign3A_16 = arith.subi %sign3A_12, %sign3A_15 : i32
    %ne3A = arith.cmpi ne, %sign3A_9, %sign3A_16 : i32
    %rem3A = arith.remsi %multiple_of3A_3, %jit3A : i32
    %ne3A_17 = arith.constant 0 : i32
    %ne3A_18 = arith.cmpi ne, %rem3A, %ne3A_17 : i32
    %and3A = arith.andi %ne3A, %ne3A_18 : i1
    %sub3A = arith.constant 1 : i32
    %sub3A_19 = arith.subi %div3A, %sub3A : i32
    %select_n3A = arith.select %and3A, %sub3A_19, %div3A : i32
    %multiple_of3A_20 = tpu.assume_multiple %select_n3A, 2 : i32
    %dma_start3A = arith.constant 0 : i32
    %dma_start3A_21 = tpu.memref_slice %arg3[%multiple_of3A_20, %dma_start3A] : memref<3200x128xi32, #tpu.memory_space<hbm>> -> memref<2x128xi32, #tpu.memory_space<hbm>>
    %dma_start3A_22 = arith.constant 0 : i32
    %dma_start3A_23 = tpu.memref_slice %arg3[%multiple_of3A_20, %dma_start3A_22] : memref<3200x128xi32, #tpu.memory_space<hbm>> -> memref<2x128xi32, #tpu.memory_space<hbm>>
    tpu.enqueue_dma source(%dma_start3A_23 : memref<2x128xi32, #tpu.memory_space<hbm>>) target(%arg7 : memref<2x128xi32, #tpu.memory_space<vmem>>) target_semaphore(%arg11 : memref<!tpu.dma_semaphore, #tpu.memory_space<semaphore_mem>>)
    %dma_start3A_24 = arith.constant 0 : i32
    %dma_start3A_25 = arith.constant 0 : i32
    %dma_start3A_26 = tpu.memref_slice %arg2[%arg0, %dma_start3A_24, %dma_start3A_25] : memref<2x409600x32xf32, #tpu.memory_space<hbm>> -> memref<1x409600x32xf32, #tpu.memory_space<hbm>>
    %dma_start3A_27 = tpu.memref_squeeze %dma_start3A_26 : memref<1x409600x32xf32, #tpu.memory_space<hbm>> -> memref<409600x32xf32, #tpu.memory_space<hbm>>
    %dma_start3A_28 = arith.constant 0 : i32
    %dma_start3A_29 = tpu.memref_slice %dma_start3A_27[%multiple_of3A_3, %dma_start3A_28] : memref<409600x32xf32, #tpu.memory_space<hbm>> -> memref<256x32xf32, #tpu.memory_space<hbm>>
    %dma_start3A_30 = arith.constant 0 : i32
    %dma_start3A_31 = arith.constant 0 : i32
    %dma_start3A_32 = tpu.memref_slice %arg2[%arg0, %dma_start3A_30, %dma_start3A_31] : memref<2x409600x32xf32, #tpu.memory_space<hbm>> -> memref<1x409600x32xf32, #tpu.memory_space<hbm>>
    %dma_start3A_33 = tpu.memref_squeeze %dma_start3A_32 : memref<1x409600x32xf32, #tpu.memory_space<hbm>> -> memref<409600x32xf32, #tpu.memory_space<hbm>>
    %dma_start3A_34 = arith.constant 0 : i32
    %dma_start3A_35 = tpu.memref_slice %dma_start3A_33[%multiple_of3A_3, %dma_start3A_34] : memref<409600x32xf32, #tpu.memory_space<hbm>> -> memref<256x32xf32, #tpu.memory_space<hbm>>
    tpu.enqueue_dma source(%dma_start3A_35 : memref<256x32xf32, #tpu.memory_space<hbm>>) target(%arg9 : memref<256x32xf32, #tpu.memory_space<vmem>>) target_semaphore(%arg12 : memref<!tpu.dma_semaphore, #tpu.memory_space<semaphore_mem>>)
    %scan3A = arith.constant 0 : i32
    %scan3A_36 = arith.constant 50 : i32
    %scan3A_37 = arith.addi %scan3A, %scan3A_36 : i32
    %scan3A_38 = arith.constant 1 : i32
    scf.for %scan3A_44 = %scan3A to %scan3A_37 step %scan3A_38  : i32 {
      %mul3A_45 = arith.constant 512 : i32
      %mul3A_46 = arith.muli %scan3A_44, %mul3A_45 : i32
      %add3A = arith.constant 0 : i32
      %add3A_47 = arith.addi %add3A, %mul3A_46 : i32
      %add3A_48 = arith.addi %mul3A_2, %add3A_47 : i32
      %add3A_49 = arith.constant 256 : i32
      %add3A_50 = arith.addi %add3A_48, %add3A_49 : i32
      %multiple_of3A_51 = tpu.assume_multiple %add3A_50, 256 : i32
      %jit3A_52 = arith.constant 128 : i32
      %div3A_53 = arith.divsi %multiple_of3A_51, %jit3A_52 : i32
      %sign3A_54 = arith.constant 0 : i32
      %sign3A_55 = arith.cmpi sgt, %multiple_of3A_51, %sign3A_54 : i32
      %sign3A_56 = arith.extui %sign3A_55 : i1 to i32
      %sign3A_57 = arith.constant 0 : i32
      %sign3A_58 = arith.cmpi slt, %multiple_of3A_51, %sign3A_57 : i32
      %sign3A_59 = arith.extui %sign3A_58 : i1 to i32
      %sign3A_60 = arith.subi %sign3A_56, %sign3A_59 : i32
      %sign3A_61 = arith.constant 0 : i32
      %sign3A_62 = arith.cmpi sgt, %jit3A_52, %sign3A_61 : i32
      %sign3A_63 = arith.extui %sign3A_62 : i1 to i32
      %sign3A_64 = arith.constant 0 : i32
      %sign3A_65 = arith.cmpi slt, %jit3A_52, %sign3A_64 : i32
      %sign3A_66 = arith.extui %sign3A_65 : i1 to i32
      %sign3A_67 = arith.subi %sign3A_63, %sign3A_66 : i32
      %ne3A_68 = arith.cmpi ne, %sign3A_60, %sign3A_67 : i32
      %rem3A_69 = arith.remsi %multiple_of3A_51, %jit3A_52 : i32
      %ne3A_70 = arith.constant 0 : i32
      %ne3A_71 = arith.cmpi ne, %rem3A_69, %ne3A_70 : i32
      %and3A_72 = arith.andi %ne3A_68, %ne3A_71 : i1
      %sub3A_73 = arith.constant 1 : i32
      %sub3A_74 = arith.subi %div3A_53, %sub3A_73 : i32
      %select_n3A_75 = arith.select %and3A_72, %sub3A_74, %div3A_53 : i32
      %multiple_of3A_76 = tpu.assume_multiple %select_n3A_75, 2 : i32
      %dma_start3A_77 = arith.constant 0 : i32
      %dma_start3A_78 = tpu.memref_slice %arg3[%multiple_of3A_76, %dma_start3A_77] : memref<3200x128xi32, #tpu.memory_space<hbm>> -> memref<2x128xi32, #tpu.memory_space<hbm>>
      %dma_start3A_79 = arith.constant 0 : i32
      %dma_start3A_80 = tpu.memref_slice %arg3[%multiple_of3A_76, %dma_start3A_79] : memref<3200x128xi32, #tpu.memory_space<hbm>> -> memref<2x128xi32, #tpu.memory_space<hbm>>
      tpu.enqueue_dma source(%dma_start3A_80 : memref<2x128xi32, #tpu.memory_space<hbm>>) target(%arg8 : memref<2x128xi32, #tpu.memory_space<vmem>>) target_semaphore(%arg13 : memref<!tpu.dma_semaphore, #tpu.memory_space<semaphore_mem>>)
      %dma_start3A_81 = arith.constant 0 : i32
      %dma_start3A_82 = arith.constant 0 : i32
      %dma_start3A_83 = tpu.memref_slice %arg2[%arg0, %dma_start3A_81, %dma_start3A_82] : memref<2x409600x32xf32, #tpu.memory_space<hbm>> -> memref<1x409600x32xf32, #tpu.memory_space<hbm>>
      %dma_start3A_84 = tpu.memref_squeeze %dma_start3A_83 : memref<1x409600x32xf32, #tpu.memory_space<hbm>> -> memref<409600x32xf32, #tpu.memory_space<hbm>>
      %dma_start3A_85 = arith.constant 0 : i32
      %dma_start3A_86 = tpu.memref_slice %dma_start3A_84[%multiple_of3A_51, %dma_start3A_85] : memref<409600x32xf32, #tpu.memory_space<hbm>> -> memref<256x32xf32, #tpu.memory_space<hbm>>
      %dma_start3A_87 = arith.constant 0 : i32
      %dma_start3A_88 = arith.constant 0 : i32
      %dma_start3A_89 = tpu.memref_slice %arg2[%arg0, %dma_start3A_87, %dma_start3A_88] : memref<2x409600x32xf32, #tpu.memory_space<hbm>> -> memref<1x409600x32xf32, #tpu.memory_space<hbm>>
      %dma_start3A_90 = tpu.memref_squeeze %dma_start3A_89 : memref<1x409600x32xf32, #tpu.memory_space<hbm>> -> memref<409600x32xf32, #tpu.memory_space<hbm>>
      %dma_start3A_91 = arith.constant 0 : i32
      %dma_start3A_92 = tpu.memref_slice %dma_start3A_90[%multiple_of3A_51, %dma_start3A_91] : memref<409600x32xf32, #tpu.memory_space<hbm>> -> memref<256x32xf32, #tpu.memory_space<hbm>>
      tpu.enqueue_dma source(%dma_start3A_92 : memref<256x32xf32, #tpu.memory_space<hbm>>) target(%arg10 : memref<256x32xf32, #tpu.memory_space<vmem>>) target_semaphore(%arg14 : memref<!tpu.dma_semaphore, #tpu.memory_space<semaphore_mem>>)
      %dma_wait3A = arith.constant 0 : i32
      %dma_wait3A_93 = arith.constant 0 : i32
      %dma_wait3A_94 = tpu.memref_slice %arg3[%dma_wait3A, %dma_wait3A_93] : memref<3200x128xi32, #tpu.memory_space<hbm>> -> memref<2x128xi32, #tpu.memory_space<hbm>>
      %dma_wait3A_95 = arith.constant 0 : i32
      %dma_wait3A_96 = arith.constant 0 : i32
      %dma_wait3A_97 = tpu.memref_slice %arg3[%dma_wait3A_95, %dma_wait3A_96] : memref<3200x128xi32, #tpu.memory_space<hbm>> -> memref<2x128xi32, #tpu.memory_space<hbm>>
      tpu.wait_dma2 semaphore(%arg11 : memref<!tpu.dma_semaphore, #tpu.memory_space<semaphore_mem>>) src(%dma_wait3A_97 : memref<2x128xi32, #tpu.memory_space<hbm>>) dst(%arg7 : memref<2x128xi32, #tpu.memory_space<vmem>>)
      %dma_wait3A_98 = arith.constant 0 : i32
      %dma_wait3A_99 = arith.constant 0 : i32
      %dma_wait3A_100 = tpu.memref_slice %arg2[%arg0, %dma_wait3A_98, %dma_wait3A_99] : memref<2x409600x32xf32, #tpu.memory_space<hbm>> -> memref<1x409600x32xf32, #tpu.memory_space<hbm>>
      %dma_wait3A_101 = tpu.memref_squeeze %dma_wait3A_100 : memref<1x409600x32xf32, #tpu.memory_space<hbm>> -> memref<409600x32xf32, #tpu.memory_space<hbm>>
      %dma_wait3A_102 = arith.constant 0 : i32
      %dma_wait3A_103 = arith.constant 0 : i32
      %dma_wait3A_104 = tpu.memref_slice %dma_wait3A_101[%dma_wait3A_102, %dma_wait3A_103] : memref<409600x32xf32, #tpu.memory_space<hbm>> -> memref<256x32xf32, #tpu.memory_space<hbm>>
      %dma_wait3A_105 = arith.constant 0 : i32
      %dma_wait3A_106 = arith.constant 0 : i32
      %dma_wait3A_107 = tpu.memref_slice %arg2[%arg0, %dma_wait3A_105, %dma_wait3A_106] : memref<2x409600x32xf32, #tpu.memory_space<hbm>> -> memref<1x409600x32xf32, #tpu.memory_space<hbm>>
      %dma_wait3A_108 = tpu.memref_squeeze %dma_wait3A_107 : memref<1x409600x32xf32, #tpu.memory_space<hbm>> -> memref<409600x32xf32, #tpu.memory_space<hbm>>
      %dma_wait3A_109 = arith.constant 0 : i32
      %dma_wait3A_110 = arith.constant 0 : i32
      %dma_wait3A_111 = tpu.memref_slice %dma_wait3A_108[%dma_wait3A_109, %dma_wait3A_110] : memref<409600x32xf32, #tpu.memory_space<hbm>> -> memref<256x32xf32, #tpu.memory_space<hbm>>
      tpu.wait_dma2 semaphore(%arg12 : memref<!tpu.dma_semaphore, #tpu.memory_space<semaphore_mem>>) src(%dma_wait3A_111 : memref<256x32xf32, #tpu.memory_space<hbm>>) dst(%arg9 : memref<256x32xf32, #tpu.memory_space<vmem>>)
      %run_scoped3A = arith.constant 0 : i32
      "tpu.region"() ({
        %run_scoped3A_139 = tpu.sem_alloc : memref<!tpu.dma_semaphore, #tpu.memory_space<semaphore_mem>>
        %dma_start3A_140 = arith.constant 0 : i32
        %dma_start3A_141 = arith.constant 0 : i32
        %dma_start3A_142 = tpu.memref_slice %arg9[%dma_start3A_140, %dma_start3A_141] : memref<256x32xf32, #tpu.memory_space<vmem>> -> memref<128x32xf32, #tpu.memory_space<vmem>>
        %dma_start3A_143 = arith.constant 0 : i32
        %dma_start3A_144 = tpu.memref_slice %arg7[%run_scoped3A, %dma_start3A_143] : memref<2x128xi32, #tpu.memory_space<vmem>> -> memref<1x128xi32, #tpu.memory_space<vmem>>
        %dma_start3A_145 = tpu.memref_squeeze %dma_start3A_144 : memref<1x128xi32, #tpu.memory_space<vmem>> -> memref<128xi32, #tpu.memory_space<vmem>>
        %dma_start3A_146 = arith.constant 0 : i32
        %dma_start3A_147 = arith.constant 0 : i32
        %dma_start3A_148 = tpu.memref_slice %arg6[%dma_start3A_146, %dma_start3A_147] : memref<51200x32xf32, #tpu.memory_space<vmem_shared>> -> memref<51200x32xf32, #tpu.memory_space<vmem_shared>>
        tpu.enqueue_indirect_dma source(%dma_start3A_142 : memref<128x32xf32, #tpu.memory_space<vmem>>) target(%dma_start3A_148 : memref<51200x32xf32, #tpu.memory_space<vmem_shared>>) offsets(%dma_start3A_145 : memref<128xi32, #tpu.memory_space<vmem>>) semaphore(%run_scoped3A_139 : memref<!tpu.dma_semaphore, #tpu.memory_space<semaphore_mem>>) {add = true}
        %dma_wait3A_149 = arith.constant 0 : i32
        %dma_wait3A_150 = arith.constant 0 : i32
        %dma_wait3A_151 = tpu.memref_slice %arg9[%dma_wait3A_149, %dma_wait3A_150] : memref<256x32xf32, #tpu.memory_space<vmem>> -> memref<128x32xf32, #tpu.memory_space<vmem>>
        %dma_wait3A_152 = arith.constant 0 : i32
        %dma_wait3A_153 = tpu.memref_slice %arg7[%run_scoped3A, %dma_wait3A_152] : memref<2x128xi32, #tpu.memory_space<vmem>> -> memref<1x128xi32, #tpu.memory_space<vmem>>
        %dma_wait3A_154 = tpu.memref_squeeze %dma_wait3A_153 : memref<1x128xi32, #tpu.memory_space<vmem>> -> memref<128xi32, #tpu.memory_space<vmem>>
        %dma_wait3A_155 = arith.constant 0 : i32
        %dma_wait3A_156 = arith.constant 0 : i32
        %dma_wait3A_157 = tpu.memref_slice %arg6[%dma_wait3A_155, %dma_wait3A_156] : memref<51200x32xf32, #tpu.memory_space<vmem_shared>> -> memref<51200x32xf32, #tpu.memory_space<vmem_shared>>
        tpu.wait_indirect_dma semaphore(%run_scoped3A_139 : memref<!tpu.dma_semaphore, #tpu.memory_space<semaphore_mem>>) src(%dma_wait3A_151 : memref<128x32xf32, #tpu.memory_space<vmem>>) dst(%dma_wait3A_157 : memref<51200x32xf32, #tpu.memory_space<vmem_shared>>)
        tpu.yield
      }) : () -> ()
      %run_scoped3A_112 = arith.constant 1 : i32
      "tpu.region"() ({
        %run_scoped3A_139 = tpu.sem_alloc : memref<!tpu.dma_semaphore, #tpu.memory_space<semaphore_mem>>
        %dma_start3A_140 = arith.constant 128 : i32
        %dma_start3A_141 = arith.constant 0 : i32
        %dma_start3A_142 = tpu.memref_slice %arg9[%dma_start3A_140, %dma_start3A_141] : memref<256x32xf32, #tpu.memory_space<vmem>> -> memref<128x32xf32, #tpu.memory_space<vmem>>
        %dma_start3A_143 = arith.constant 0 : i32
        %dma_start3A_144 = tpu.memref_slice %arg7[%run_scoped3A_112, %dma_start3A_143] : memref<2x128xi32, #tpu.memory_space<vmem>> -> memref<1x128xi32, #tpu.memory_space<vmem>>
        %dma_start3A_145 = tpu.memref_squeeze %dma_start3A_144 : memref<1x128xi32, #tpu.memory_space<vmem>> -> memref<128xi32, #tpu.memory_space<vmem>>
        %dma_start3A_146 = arith.constant 0 : i32
        %dma_start3A_147 = arith.constant 0 : i32
        %dma_start3A_148 = tpu.memref_slice %arg6[%dma_start3A_146, %dma_start3A_147] : memref<51200x32xf32, #tpu.memory_space<vmem_shared>> -> memref<51200x32xf32, #tpu.memory_space<vmem_shared>>
        tpu.enqueue_indirect_dma source(%dma_start3A_142 : memref<128x32xf32, #tpu.memory_space<vmem>>) target(%dma_start3A_148 : memref<51200x32xf32, #tpu.memory_space<vmem_shared>>) offsets(%dma_start3A_145 : memref<128xi32, #tpu.memory_space<vmem>>) semaphore(%run_scoped3A_139 : memref<!tpu.dma_semaphore, #tpu.memory_space<semaphore_mem>>) {add = true}
        %dma_wait3A_149 = arith.constant 128 : i32
        %dma_wait3A_150 = arith.constant 0 : i32
        %dma_wait3A_151 = tpu.memref_slice %arg9[%dma_wait3A_149, %dma_wait3A_150] : memref<256x32xf32, #tpu.memory_space<vmem>> -> memref<128x32xf32, #tpu.memory_space<vmem>>
        %dma_wait3A_152 = arith.constant 0 : i32
        %dma_wait3A_153 = tpu.memref_slice %arg7[%run_scoped3A_112, %dma_wait3A_152] : memref<2x128xi32, #tpu.memory_space<vmem>> -> memref<1x128xi32, #tpu.memory_space<vmem>>
        %dma_wait3A_154 = tpu.memref_squeeze %dma_wait3A_153 : memref<1x128xi32, #tpu.memory_space<vmem>> -> memref<128xi32, #tpu.memory_space<vmem>>
        %dma_wait3A_155 = arith.constant 0 : i32
        %dma_wait3A_156 = arith.constant 0 : i32
        %dma_wait3A_157 = tpu.memref_slice %arg6[%dma_wait3A_155, %dma_wait3A_156] : memref<51200x32xf32, #tpu.memory_space<vmem_shared>> -> memref<51200x32xf32, #tpu.memory_space<vmem_shared>>
        tpu.wait_indirect_dma semaphore(%run_scoped3A_139 : memref<!tpu.dma_semaphore, #tpu.memory_space<semaphore_mem>>) src(%dma_wait3A_151 : memref<128x32xf32, #tpu.memory_space<vmem>>) dst(%dma_wait3A_157 : memref<51200x32xf32, #tpu.memory_space<vmem_shared>>)
        tpu.yield
      }) : () -> ()
      %add3A_113 = arith.constant 512 : i32
      %add3A_114 = arith.addi %add3A_47, %add3A_113 : i32
      %lt3A = arith.constant 25600 : i32
      %lt3A_115 = arith.cmpi slt, %add3A_114, %lt3A : i32
      %convert_element_type3A = arith.extui %lt3A_115 : i1 to i32
      %cond3A = arith.constant 0 : i32
      %cond3A_116 = arith.cmpi ne, %convert_element_type3A, %cond3A : i32
      scf.if %cond3A_116 {
        %add3A_139 = arith.constant 512 : i32
        %add3A_140 = arith.addi %add3A_48, %add3A_139 : i32
        %multiple_of3A_141 = tpu.assume_multiple %add3A_140, 256 : i32
        %jit3A_142 = arith.constant 128 : i32
        %div3A_143 = arith.divsi %multiple_of3A_141, %jit3A_142 : i32
        %sign3A_144 = arith.constant 0 : i32
        %sign3A_145 = arith.cmpi sgt, %multiple_of3A_141, %sign3A_144 : i32
        %sign3A_146 = arith.extui %sign3A_145 : i1 to i32
        %sign3A_147 = arith.constant 0 : i32
        %sign3A_148 = arith.cmpi slt, %multiple_of3A_141, %sign3A_147 : i32
        %sign3A_149 = arith.extui %sign3A_148 : i1 to i32
        %sign3A_150 = arith.subi %sign3A_146, %sign3A_149 : i32
        %sign3A_151 = arith.constant 0 : i32
        %sign3A_152 = arith.cmpi sgt, %jit3A_142, %sign3A_151 : i32
        %sign3A_153 = arith.extui %sign3A_152 : i1 to i32
        %sign3A_154 = arith.constant 0 : i32
        %sign3A_155 = arith.cmpi slt, %jit3A_142, %sign3A_154 : i32
        %sign3A_156 = arith.extui %sign3A_155 : i1 to i32
        %sign3A_157 = arith.subi %sign3A_153, %sign3A_156 : i32
        %ne3A_158 = arith.cmpi ne, %sign3A_150, %sign3A_157 : i32
        %rem3A_159 = arith.remsi %multiple_of3A_141, %jit3A_142 : i32
        %ne3A_160 = arith.constant 0 : i32
        %ne3A_161 = arith.cmpi ne, %rem3A_159, %ne3A_160 : i32
        %and3A_162 = arith.andi %ne3A_158, %ne3A_161 : i1
        %sub3A_163 = arith.constant 1 : i32
        %sub3A_164 = arith.subi %div3A_143, %sub3A_163 : i32
        %select_n3A_165 = arith.select %and3A_162, %sub3A_164, %div3A_143 : i32
        %multiple_of3A_166 = tpu.assume_multiple %select_n3A_165, 2 : i32
        %dma_start3A_167 = arith.constant 0 : i32
        %dma_start3A_168 = tpu.memref_slice %arg3[%multiple_of3A_166, %dma_start3A_167] : memref<3200x128xi32, #tpu.memory_space<hbm>> -> memref<2x128xi32, #tpu.memory_space<hbm>>
        %dma_start3A_169 = arith.constant 0 : i32
        %dma_start3A_170 = tpu.memref_slice %arg3[%multiple_of3A_166, %dma_start3A_169] : memref<3200x128xi32, #tpu.memory_space<hbm>> -> memref<2x128xi32, #tpu.memory_space<hbm>>
        tpu.enqueue_dma source(%dma_start3A_170 : memref<2x128xi32, #tpu.memory_space<hbm>>) target(%arg7 : memref<2x128xi32, #tpu.memory_space<vmem>>) target_semaphore(%arg11 : memref<!tpu.dma_semaphore, #tpu.memory_space<semaphore_mem>>)
        %dma_start3A_171 = arith.constant 0 : i32
        %dma_start3A_172 = arith.constant 0 : i32
        %dma_start3A_173 = tpu.memref_slice %arg2[%arg0, %dma_start3A_171, %dma_start3A_172] : memref<2x409600x32xf32, #tpu.memory_space<hbm>> -> memref<1x409600x32xf32, #tpu.memory_space<hbm>>
        %dma_start3A_174 = tpu.memref_squeeze %dma_start3A_173 : memref<1x409600x32xf32, #tpu.memory_space<hbm>> -> memref<409600x32xf32, #tpu.memory_space<hbm>>
        %dma_start3A_175 = arith.constant 0 : i32
        %dma_start3A_176 = tpu.memref_slice %dma_start3A_174[%multiple_of3A_141, %dma_start3A_175] : memref<409600x32xf32, #tpu.memory_space<hbm>> -> memref<256x32xf32, #tpu.memory_space<hbm>>
        %dma_start3A_177 = arith.constant 0 : i32
        %dma_start3A_178 = arith.constant 0 : i32
        %dma_start3A_179 = tpu.memref_slice %arg2[%arg0, %dma_start3A_177, %dma_start3A_178] : memref<2x409600x32xf32, #tpu.memory_space<hbm>> -> memref<1x409600x32xf32, #tpu.memory_space<hbm>>
        %dma_start3A_180 = tpu.memref_squeeze %dma_start3A_179 : memref<1x409600x32xf32, #tpu.memory_space<hbm>> -> memref<409600x32xf32, #tpu.memory_space<hbm>>
        %dma_start3A_181 = arith.constant 0 : i32
        %dma_start3A_182 = tpu.memref_slice %dma_start3A_180[%multiple_of3A_141, %dma_start3A_181] : memref<409600x32xf32, #tpu.memory_space<hbm>> -> memref<256x32xf32, #tpu.memory_space<hbm>>
        tpu.enqueue_dma source(%dma_start3A_182 : memref<256x32xf32, #tpu.memory_space<hbm>>) target(%arg9 : memref<256x32xf32, #tpu.memory_space<vmem>>) target_semaphore(%arg12 : memref<!tpu.dma_semaphore, #tpu.memory_space<semaphore_mem>>)
      } else {
      }
      %dma_wait3A_117 = arith.constant 0 : i32
      %dma_wait3A_118 = arith.constant 0 : i32
      %dma_wait3A_119 = tpu.memref_slice %arg3[%dma_wait3A_117, %dma_wait3A_118] : memref<3200x128xi32, #tpu.memory_space<hbm>> -> memref<2x128xi32, #tpu.memory_space<hbm>>
      %dma_wait3A_120 = arith.constant 0 : i32
      %dma_wait3A_121 = arith.constant 0 : i32
      %dma_wait3A_122 = tpu.memref_slice %arg3[%dma_wait3A_120, %dma_wait3A_121] : memref<3200x128xi32, #tpu.memory_space<hbm>> -> memref<2x128xi32, #tpu.memory_space<hbm>>
      tpu.wait_dma2 semaphore(%arg13 : memref<!tpu.dma_semaphore, #tpu.memory_space<semaphore_mem>>) src(%dma_wait3A_122 : memref<2x128xi32, #tpu.memory_space<hbm>>) dst(%arg8 : memref<2x128xi32, #tpu.memory_space<vmem>>)
      %dma_wait3A_123 = arith.constant 0 : i32
      %dma_wait3A_124 = arith.constant 0 : i32
      %dma_wait3A_125 = tpu.memref_slice %arg2[%arg0, %dma_wait3A_123, %dma_wait3A_124] : memref<2x409600x32xf32, #tpu.memory_space<hbm>> -> memref<1x409600x32xf32, #tpu.memory_space<hbm>>
      %dma_wait3A_126 = tpu.memref_squeeze %dma_wait3A_125 : memref<1x409600x32xf32, #tpu.memory_space<hbm>> -> memref<409600x32xf32, #tpu.memory_space<hbm>>
      %dma_wait3A_127 = arith.constant 0 : i32
      %dma_wait3A_128 = arith.constant 0 : i32
      %dma_wait3A_129 = tpu.memref_slice %dma_wait3A_126[%dma_wait3A_127, %dma_wait3A_128] : memref<409600x32xf32, #tpu.memory_space<hbm>> -> memref<256x32xf32, #tpu.memory_space<hbm>>
      %dma_wait3A_130 = arith.constant 0 : i32
      %dma_wait3A_131 = arith.constant 0 : i32
      %dma_wait3A_132 = tpu.memref_slice %arg2[%arg0, %dma_wait3A_130, %dma_wait3A_131] : memref<2x409600x32xf32, #tpu.memory_space<hbm>> -> memref<1x409600x32xf32, #tpu.memory_space<hbm>>
      %dma_wait3A_133 = tpu.memref_squeeze %dma_wait3A_132 : memref<1x409600x32xf32, #tpu.memory_space<hbm>> -> memref<409600x32xf32, #tpu.memory_space<hbm>>
      %dma_wait3A_134 = arith.constant 0 : i32
      %dma_wait3A_135 = arith.constant 0 : i32
      %dma_wait3A_136 = tpu.memref_slice %dma_wait3A_133[%dma_wait3A_134, %dma_wait3A_135] : memref<409600x32xf32, #tpu.memory_space<hbm>> -> memref<256x32xf32, #tpu.memory_space<hbm>>
      tpu.wait_dma2 semaphore(%arg14 : memref<!tpu.dma_semaphore, #tpu.memory_space<semaphore_mem>>) src(%dma_wait3A_136 : memref<256x32xf32, #tpu.memory_space<hbm>>) dst(%arg10 : memref<256x32xf32, #tpu.memory_space<vmem>>)
      %run_scoped3A_137 = arith.constant 0 : i32
      "tpu.region"() ({
        %run_scoped3A_139 = tpu.sem_alloc : memref<!tpu.dma_semaphore, #tpu.memory_space<semaphore_mem>>
        %dma_start3A_140 = arith.constant 0 : i32
        %dma_start3A_141 = arith.constant 0 : i32
        %dma_start3A_142 = tpu.memref_slice %arg10[%dma_start3A_140, %dma_start3A_141] : memref<256x32xf32, #tpu.memory_space<vmem>> -> memref<128x32xf32, #tpu.memory_space<vmem>>
        %dma_start3A_143 = arith.constant 0 : i32
        %dma_start3A_144 = tpu.memref_slice %arg8[%run_scoped3A_137, %dma_start3A_143] : memref<2x128xi32, #tpu.memory_space<vmem>> -> memref<1x128xi32, #tpu.memory_space<vmem>>
        %dma_start3A_145 = tpu.memref_squeeze %dma_start3A_144 : memref<1x128xi32, #tpu.memory_space<vmem>> -> memref<128xi32, #tpu.memory_space<vmem>>
        %dma_start3A_146 = arith.constant 0 : i32
        %dma_start3A_147 = arith.constant 0 : i32
        %dma_start3A_148 = tpu.memref_slice %arg6[%dma_start3A_146, %dma_start3A_147] : memref<51200x32xf32, #tpu.memory_space<vmem_shared>> -> memref<51200x32xf32, #tpu.memory_space<vmem_shared>>
        tpu.enqueue_indirect_dma source(%dma_start3A_142 : memref<128x32xf32, #tpu.memory_space<vmem>>) target(%dma_start3A_148 : memref<51200x32xf32, #tpu.memory_space<vmem_shared>>) offsets(%dma_start3A_145 : memref<128xi32, #tpu.memory_space<vmem>>) semaphore(%run_scoped3A_139 : memref<!tpu.dma_semaphore, #tpu.memory_space<semaphore_mem>>) {add = true}
        %dma_wait3A_149 = arith.constant 0 : i32
        %dma_wait3A_150 = arith.constant 0 : i32
        %dma_wait3A_151 = tpu.memref_slice %arg10[%dma_wait3A_149, %dma_wait3A_150] : memref<256x32xf32, #tpu.memory_space<vmem>> -> memref<128x32xf32, #tpu.memory_space<vmem>>
        %dma_wait3A_152 = arith.constant 0 : i32
        %dma_wait3A_153 = tpu.memref_slice %arg8[%run_scoped3A_137, %dma_wait3A_152] : memref<2x128xi32, #tpu.memory_space<vmem>> -> memref<1x128xi32, #tpu.memory_space<vmem>>
        %dma_wait3A_154 = tpu.memref_squeeze %dma_wait3A_153 : memref<1x128xi32, #tpu.memory_space<vmem>> -> memref<128xi32, #tpu.memory_space<vmem>>
        %dma_wait3A_155 = arith.constant 0 : i32
        %dma_wait3A_156 = arith.constant 0 : i32
        %dma_wait3A_157 = tpu.memref_slice %arg6[%dma_wait3A_155, %dma_wait3A_156] : memref<51200x32xf32, #tpu.memory_space<vmem_shared>> -> memref<51200x32xf32, #tpu.memory_space<vmem_shared>>
        tpu.wait_indirect_dma semaphore(%run_scoped3A_139 : memref<!tpu.dma_semaphore, #tpu.memory_space<semaphore_mem>>) src(%dma_wait3A_151 : memref<128x32xf32, #tpu.memory_space<vmem>>) dst(%dma_wait3A_157 : memref<51200x32xf32, #tpu.memory_space<vmem_shared>>)
        tpu.yield
      }) : () -> ()
      %run_scoped3A_138 = arith.constant 1 : i32
      "tpu.region"() ({
        %run_scoped3A_139 = tpu.sem_alloc : memref<!tpu.dma_semaphore, #tpu.memory_space<semaphore_mem>>
        %dma_start3A_140 = arith.constant 128 : i32
        %dma_start3A_141 = arith.constant 0 : i32
        %dma_start3A_142 = tpu.memref_slice %arg10[%dma_start3A_140, %dma_start3A_141] : memref<256x32xf32, #tpu.memory_space<vmem>> -> memref<128x32xf32, #tpu.memory_space<vmem>>
        %dma_start3A_143 = arith.constant 0 : i32
        %dma_start3A_144 = tpu.memref_slice %arg8[%run_scoped3A_138, %dma_start3A_143] : memref<2x128xi32, #tpu.memory_space<vmem>> -> memref<1x128xi32, #tpu.memory_space<vmem>>
        %dma_start3A_145 = tpu.memref_squeeze %dma_start3A_144 : memref<1x128xi32, #tpu.memory_space<vmem>> -> memref<128xi32, #tpu.memory_space<vmem>>
        %dma_start3A_146 = arith.constant 0 : i32
        %dma_start3A_147 = arith.constant 0 : i32
        %dma_start3A_148 = tpu.memref_slice %arg6[%dma_start3A_146, %dma_start3A_147] : memref<51200x32xf32, #tpu.memory_space<vmem_shared>> -> memref<51200x32xf32, #tpu.memory_space<vmem_shared>>
        tpu.enqueue_indirect_dma source(%dma_start3A_142 : memref<128x32xf32, #tpu.memory_space<vmem>>) target(%dma_start3A_148 : memref<51200x32xf32, #tpu.memory_space<vmem_shared>>) offsets(%dma_start3A_145 : memref<128xi32, #tpu.memory_space<vmem>>) semaphore(%run_scoped3A_139 : memref<!tpu.dma_semaphore, #tpu.memory_space<semaphore_mem>>) {add = true}
        %dma_wait3A_149 = arith.constant 128 : i32
        %dma_wait3A_150 = arith.constant 0 : i32
        %dma_wait3A_151 = tpu.memref_slice %arg10[%dma_wait3A_149, %dma_wait3A_150] : memref<256x32xf32, #tpu.memory_space<vmem>> -> memref<128x32xf32, #tpu.memory_space<vmem>>
        %dma_wait3A_152 = arith.constant 0 : i32
        %dma_wait3A_153 = tpu.memref_slice %arg8[%run_scoped3A_138, %dma_wait3A_152] : memref<2x128xi32, #tpu.memory_space<vmem>> -> memref<1x128xi32, #tpu.memory_space<vmem>>
        %dma_wait3A_154 = tpu.memref_squeeze %dma_wait3A_153 : memref<1x128xi32, #tpu.memory_space<vmem>> -> memref<128xi32, #tpu.memory_space<vmem>>
        %dma_wait3A_155 = arith.constant 0 : i32
        %dma_wait3A_156 = arith.constant 0 : i32
        %dma_wait3A_157 = tpu.memref_slice %arg6[%dma_wait3A_155, %dma_wait3A_156] : memref<51200x32xf32, #tpu.memory_space<vmem_shared>> -> memref<51200x32xf32, #tpu.memory_space<vmem_shared>>
        tpu.wait_indirect_dma semaphore(%run_scoped3A_139 : memref<!tpu.dma_semaphore, #tpu.memory_space<semaphore_mem>>) src(%dma_wait3A_151 : memref<128x32xf32, #tpu.memory_space<vmem>>) dst(%dma_wait3A_157 : memref<51200x32xf32, #tpu.memory_space<vmem_shared>>)
        tpu.yield
      }) : () -> ()
    }
    %scan3A_39 = arith.constant 50 : i32
    %barrier3A_40 = arith.constant 0 : index
    tpu.barrier barrier_id(%barrier3A_40)
    %mul3A_41 = arith.constant 3200 : i32
    %mul3A_42 = arith.muli %arg1, %mul3A_41 : i32
    %multiple_of3A_43 = tpu.assume_multiple %mul3A_42, 8 : i32
    "tpu.region"() ({
      %run_scoped3A = tpu.sem_alloc : memref<!tpu.dma_semaphore, #tpu.memory_space<semaphore_mem>>
      %dma_start3A_44 = arith.constant 0 : i32
      %dma_start3A_45 = arith.constant 0 : i32
      %dma_start3A_46 = tpu.memref_slice %arg5[%arg0, %dma_start3A_44, %dma_start3A_45] : memref<2x51200x32xf32, #tpu.memory_space<hbm>> -> memref<1x51200x32xf32, #tpu.memory_space<hbm>>
      %dma_start3A_47 = tpu.memref_squeeze %dma_start3A_46 : memref<1x51200x32xf32, #tpu.memory_space<hbm>> -> memref<51200x32xf32, #tpu.memory_space<hbm>>
      %dma_start3A_48 = arith.constant 0 : i32
      %dma_start3A_49 = tpu.memref_slice %dma_start3A_47[%multiple_of3A_43, %dma_start3A_48] : memref<51200x32xf32, #tpu.memory_space<hbm>> -> memref<3200x32xf32, #tpu.memory_space<hbm>>
      %dma_start3A_50 = arith.constant 0 : i32
      %dma_start3A_51 = tpu.memref_slice %arg6[%multiple_of3A_43, %dma_start3A_50] : memref<51200x32xf32, #tpu.memory_space<vmem_shared>> -> memref<3200x32xf32, #tpu.memory_space<vmem_shared>>
      tpu.enqueue_dma source(%dma_start3A_51 : memref<3200x32xf32, #tpu.memory_space<vmem_shared>>) target(%dma_start3A_49 : memref<3200x32xf32, #tpu.memory_space<hbm>>) target_semaphore(%run_scoped3A : memref<!tpu.dma_semaphore, #tpu.memory_space<semaphore_mem>>)
      %dma_wait3A = arith.constant 0 : i32
      %dma_wait3A_52 = arith.constant 0 : i32
      %dma_wait3A_53 = tpu.memref_slice %arg5[%arg0, %dma_wait3A, %dma_wait3A_52] : memref<2x51200x32xf32, #tpu.memory_space<hbm>> -> memref<1x51200x32xf32, #tpu.memory_space<hbm>>
      %dma_wait3A_54 = tpu.memref_squeeze %dma_wait3A_53 : memref<1x51200x32xf32, #tpu.memory_space<hbm>> -> memref<51200x32xf32, #tpu.memory_space<hbm>>
      %dma_wait3A_55 = arith.constant 0 : i32
      %dma_wait3A_56 = tpu.memref_slice %dma_wait3A_54[%multiple_of3A_43, %dma_wait3A_55] : memref<51200x32xf32, #tpu.memory_space<hbm>> -> memref<3200x32xf32, #tpu.memory_space<hbm>>
      %dma_wait3A_57 = arith.constant 0 : i32
      %dma_wait3A_58 = tpu.memref_slice %arg6[%multiple_of3A_43, %dma_wait3A_57] : memref<51200x32xf32, #tpu.memory_space<vmem_shared>> -> memref<3200x32xf32, #tpu.memory_space<vmem_shared>>
      tpu.wait_dma2 semaphore(%run_scoped3A : memref<!tpu.dma_semaphore, #tpu.memory_space<semaphore_mem>>) src(%dma_wait3A_58 : memref<3200x32xf32, #tpu.memory_space<vmem_shared>>) dst(%dma_wait3A_56 : memref<3200x32xf32, #tpu.memory_space<hbm>>)
      tpu.yield
    }) : () -> ()
    return
  }
}

module attributes {stable_mosaic.version = 14 : i64} {
  func.func @_tc_edge_body(%arg0: i32, %arg1: memref<1x1x2048xf32, #tpu.memory_space<vmem>>, %arg2: memref<1x1x2048xf32, #tpu.memory_space<vmem>>, %arg3: memref<1x1x2048xf32, #tpu.memory_space<vmem>>, %arg4: memref<16x1xf32, #tpu.memory_space<vmem>>, %arg5: memref<16x1xf32, #tpu.memory_space<vmem>>, %arg6: memref<64x25xbf16, #tpu.memory_space<vmem>>, %arg7: memref<64x1xf32, #tpu.memory_space<vmem>>, %arg8: memref<64x64xbf16, #tpu.memory_space<vmem>>, %arg9: memref<1x64xf32, #tpu.memory_space<vmem>>, %arg10: memref<2x512x128xf32, #tpu.memory_space<vmem>>) attributes {dimension_semantics = [#tpu.dimension_semantics<arbitrary>], iteration_bounds = array<i64: 200>, scalar_prefetch = 0 : i64, scratch_operands = 0 : i64, tpu.core_type = #tpu.core_type<tc>, window_params = [{transform_indices = @transform_0, window_bounds = array<i64: 1, 1, 2048>}, {transform_indices = @transform_1, window_bounds = array<i64: 1, 1, 2048>}, {transform_indices = @transform_2, window_bounds = array<i64: 1, 1, 2048>}, {pipeline_mode = #tpu.pipeline_mode<synchronous>, transform_indices = @transform_3, window_bounds = array<i64: 16, 1>}, {pipeline_mode = #tpu.pipeline_mode<synchronous>, transform_indices = @transform_4, window_bounds = array<i64: 16, 1>}, {pipeline_mode = #tpu.pipeline_mode<synchronous>, transform_indices = @transform_5, window_bounds = array<i64: 64, 25>}, {pipeline_mode = #tpu.pipeline_mode<synchronous>, transform_indices = @transform_6, window_bounds = array<i64: 64, 1>}, {pipeline_mode = #tpu.pipeline_mode<synchronous>, transform_indices = @transform_7, window_bounds = array<i64: 64, 64>}, {pipeline_mode = #tpu.pipeline_mode<synchronous>, transform_indices = @transform_8, window_bounds = array<i64: 1, 64>}, {transform_indices = @transform_9, window_bounds = array<i64: 2, 512, 128>}]} {
    %get3A = arith.constant 0 : index
    %get3A_0 = arith.constant 0 : index
    %get3A_1 = arith.constant 0 : index
    %get3A_2 = vector.load %arg1[%get3A, %get3A_0, %get3A_1] : memref<1x1x2048xf32, #tpu.memory_space<vmem>>, vector<1x1x2048xf32>
    %reshape3A = vector.shape_cast %get3A_2 : vector<1x1x2048xf32> to vector<1x2048xf32>
    %get3A_3 = arith.constant 0 : index
    %get3A_4 = arith.constant 0 : index
    %get3A_5 = arith.constant 0 : index
    %get3A_6 = vector.load %arg2[%get3A_3, %get3A_4, %get3A_5] : memref<1x1x2048xf32, #tpu.memory_space<vmem>>, vector<1x1x2048xf32>
    %reshape3A_7 = vector.shape_cast %get3A_6 : vector<1x1x2048xf32> to vector<1x2048xf32>
    %get3A_8 = arith.constant 0 : index
    %get3A_9 = arith.constant 0 : index
    %get3A_10 = arith.constant 0 : index
    %get3A_11 = vector.load %arg3[%get3A_8, %get3A_9, %get3A_10] : memref<1x1x2048xf32, #tpu.memory_space<vmem>>, vector<1x1x2048xf32>
    %reshape3A_12 = vector.shape_cast %get3A_11 : vector<1x1x2048xf32> to vector<1x2048xf32>
    %get3A_13 = arith.constant 0 : index
    %get3A_14 = arith.constant 0 : index
    %get3A_15 = vector.load %arg4[%get3A_13, %get3A_14] : memref<16x1xf32, #tpu.memory_space<vmem>>, vector<16x1xf32>
    %get3A_16 = arith.constant 0 : index
    %get3A_17 = arith.constant 0 : index
    %get3A_18 = vector.load %arg5[%get3A_16, %get3A_17] : memref<16x1xf32, #tpu.memory_space<vmem>>, vector<16x1xf32>
    %mul3A = arith.mulf %reshape3A, %reshape3A : vector<1x2048xf32>
    %mul3A_19 = arith.mulf %reshape3A_7, %reshape3A_7 : vector<1x2048xf32>
    %add3A = arith.addf %mul3A, %mul3A_19 : vector<1x2048xf32>
    %mul3A_20 = arith.mulf %reshape3A_12, %reshape3A_12 : vector<1x2048xf32>
    %add3A_21 = arith.addf %add3A, %mul3A_20 : vector<1x2048xf32>
    %sqrt3A = math.sqrt %add3A_21 : vector<1x2048xf32>
    %max3A = arith.constant 9.99999997E-7 : f32
    %max3A_22 = vector.broadcast %max3A : f32 to vector<1x2048xf32>
    %max3A_23 = arith.maximumf %sqrt3A, %max3A_22 : vector<1x2048xf32>
    %div3A = arith.constant 1.000000e+00 : f32
    %div3A_24 = vector.broadcast %div3A : f32 to vector<1x2048xf32>
    %div3A_25 = arith.divf %div3A_24, %max3A_23 : vector<1x2048xf32>
    %mul3A_26 = arith.mulf %reshape3A, %div3A_25 : vector<1x2048xf32>
    %mul3A_27 = arith.mulf %reshape3A_7, %div3A_25 : vector<1x2048xf32>
    %mul3A_28 = arith.mulf %reshape3A_12, %div3A_25 : vector<1x2048xf32>
    %broadcast_in_dim3A = arith.constant 1.000000e+00 : f32
    %broadcast_in_dim3A_29 = vector.broadcast %broadcast_in_dim3A : f32 to vector<1x2048xf32>
    %abs3A = math.absf %get3A_18 : vector<16x1xf32>
    %neg3A = arith.constant 0.000000e+00 : f32
    %neg3A_30 = vector.broadcast %neg3A : f32 to vector<16x1xf32>
    %neg3A_31 = arith.subf %neg3A_30, %abs3A : vector<16x1xf32>
    %sub3A = vector.broadcast %max3A_23 : vector<1x2048xf32> to vector<16x2048xf32>
    %sub3A_32 = vector.broadcast %get3A_15 : vector<16x1xf32> to vector<16x2048xf32>
    %sub3A_33 = arith.subf %sub3A, %sub3A_32 : vector<16x2048xf32>
    %integer_pow3A = arith.mulf %sub3A_33, %sub3A_33 : vector<16x2048xf32>
    %mul3A_34 = vector.broadcast %neg3A_31 : vector<16x1xf32> to vector<16x2048xf32>
    %mul3A_35 = arith.mulf %mul3A_34, %integer_pow3A : vector<16x2048xf32>
    %exp3A = math.exp %mul3A_35 : vector<16x2048xf32>
    %mul3A_36 = arith.constant 0.282094806 : f32
    %mul3A_37 = vector.broadcast %mul3A_36 : f32 to vector<1x2048xf32>
    %mul3A_38 = arith.mulf %mul3A_37, %broadcast_in_dim3A_29 : vector<1x2048xf32>
    %mul3A_39 = arith.constant 0.488602519 : f32
    %mul3A_40 = vector.broadcast %mul3A_39 : f32 to vector<1x2048xf32>
    %mul3A_41 = arith.mulf %mul3A_40, %mul3A_27 : vector<1x2048xf32>
    %mul3A_42 = arith.constant 0.488602519 : f32
    %mul3A_43 = vector.broadcast %mul3A_42 : f32 to vector<1x2048xf32>
    %mul3A_44 = arith.mulf %mul3A_43, %mul3A_28 : vector<1x2048xf32>
    %mul3A_45 = arith.constant 0.488602519 : f32
    %mul3A_46 = vector.broadcast %mul3A_45 : f32 to vector<1x2048xf32>
    %mul3A_47 = arith.mulf %mul3A_46, %mul3A_26 : vector<1x2048xf32>
    %mul3A_48 = arith.constant 1.09254849 : f32
    %mul3A_49 = vector.broadcast %mul3A_48 : f32 to vector<1x2048xf32>
    %mul3A_50 = arith.mulf %mul3A_49, %mul3A_26 : vector<1x2048xf32>
    %mul3A_51 = arith.mulf %mul3A_50, %mul3A_27 : vector<1x2048xf32>
    %mul3A_52 = arith.constant 1.09254849 : f32
    %mul3A_53 = vector.broadcast %mul3A_52 : f32 to vector<1x2048xf32>
    %mul3A_54 = arith.mulf %mul3A_53, %mul3A_27 : vector<1x2048xf32>
    %mul3A_55 = arith.mulf %mul3A_54, %mul3A_28 : vector<1x2048xf32>
    %mul3A_56 = arith.constant 2.000000e+00 : f32
    %mul3A_57 = vector.broadcast %mul3A_56 : f32 to vector<1x2048xf32>
    %mul3A_58 = arith.mulf %mul3A_57, %mul3A_28 : vector<1x2048xf32>
    %mul3A_59 = arith.mulf %mul3A_58, %mul3A_28 : vector<1x2048xf32>
    %mul3A_60 = arith.mulf %mul3A_26, %mul3A_26 : vector<1x2048xf32>
    %sub3A_61 = arith.subf %mul3A_59, %mul3A_60 : vector<1x2048xf32>
    %mul3A_62 = arith.mulf %mul3A_27, %mul3A_27 : vector<1x2048xf32>
    %sub3A_63 = arith.subf %sub3A_61, %mul3A_62 : vector<1x2048xf32>
    %mul3A_64 = arith.constant 0.31539157 : f32
    %mul3A_65 = vector.broadcast %mul3A_64 : f32 to vector<1x2048xf32>
    %mul3A_66 = arith.mulf %mul3A_65, %sub3A_63 : vector<1x2048xf32>
    %mul3A_67 = arith.constant 1.09254849 : f32
    %mul3A_68 = vector.broadcast %mul3A_67 : f32 to vector<1x2048xf32>
    %mul3A_69 = arith.mulf %mul3A_68, %mul3A_26 : vector<1x2048xf32>
    %mul3A_70 = arith.mulf %mul3A_69, %mul3A_28 : vector<1x2048xf32>
    %mul3A_71 = arith.mulf %mul3A_26, %mul3A_26 : vector<1x2048xf32>
    %mul3A_72 = arith.mulf %mul3A_27, %mul3A_27 : vector<1x2048xf32>
    %sub3A_73 = arith.subf %mul3A_71, %mul3A_72 : vector<1x2048xf32>
    %mul3A_74 = arith.constant 0.546274245 : f32
    %mul3A_75 = vector.broadcast %mul3A_74 : f32 to vector<1x2048xf32>
    %mul3A_76 = arith.mulf %mul3A_75, %sub3A_73 : vector<1x2048xf32>
    %concatenate3A = tpu.concatenate %exp3A, %mul3A_38, %mul3A_41, %mul3A_44, %mul3A_47, %mul3A_51, %mul3A_55, %mul3A_66, %mul3A_70, %mul3A_76 in 0 : vector<16x2048xf32>, vector<1x2048xf32>, vector<1x2048xf32>, vector<1x2048xf32>, vector<1x2048xf32>, vector<1x2048xf32>, vector<1x2048xf32>, vector<1x2048xf32>, vector<1x2048xf32>, vector<1x2048xf32> -> vector<25x2048xf32>
    %convert_element_type3A = arith.truncf %concatenate3A : vector<25x2048xf32> to vector<25x2048xbf16>
    %transpose3A = tpu.transpose %convert_element_type3A, [1, 0] : vector<25x2048xbf16> -> vector<2048x25xbf16>
    %get3A_77 = arith.constant 0 : index
    %get3A_78 = arith.constant 0 : index
    %get3A_79 = vector.load %arg6[%get3A_77, %get3A_78] : memref<64x25xbf16, #tpu.memory_space<vmem>>, vector<64x25xbf16>
    %transpose3A_80 = tpu.transpose %get3A_79, [1, 0] : vector<64x25xbf16> -> vector<25x64xbf16>
    %dot_general3A = arith.constant dense<0.000000e+00> : vector<2048x64xf32>
    %dot_general3A_81 = tpu.matmul %transpose3A, %transpose3A_80, %dot_general3A {dimension_numbers = #tpu.dot_dimension_numbers<[1], [0], [0], [1], [0, 0, 1, 1], [], []>, transpose_lhs_hint = false} : vector<2048x25xbf16>, vector<25x64xbf16>, vector<2048x64xf32> -> vector<2048x64xf32>
    %get3A_82 = arith.constant 0 : index
    %get3A_83 = arith.constant 0 : index
    %get3A_84 = vector.load %arg7[%get3A_82, %get3A_83] : memref<64x1xf32, #tpu.memory_space<vmem>>, vector<64x1xf32>
    %transpose3A_85 = tpu.transpose %get3A_84, [1, 0] : vector<64x1xf32> -> vector<1x64xf32>
    %add3A_86 = vector.broadcast %transpose3A_85 : vector<1x64xf32> to vector<2048x64xf32>
    %add3A_87 = arith.addf %dot_general3A_81, %add3A_86 : vector<2048x64xf32>
    %logistic3A = arith.negf %add3A_87 : vector<2048x64xf32>
    %logistic3A_88 = math.exp %logistic3A : vector<2048x64xf32>
    %logistic3A_89 = arith.constant 1.000000e+00 : f32
    %logistic3A_90 = vector.broadcast %logistic3A_89 : f32 to vector<2048x64xf32>
    %logistic3A_91 = arith.addf %logistic3A_90, %logistic3A_88 : vector<2048x64xf32>
    %logistic3A_92 = arith.divf %logistic3A_90, %logistic3A_91 : vector<2048x64xf32>
    %mul3A_93 = arith.mulf %add3A_87, %logistic3A_92 : vector<2048x64xf32>
    %convert_element_type3A_94 = arith.truncf %mul3A_93 : vector<2048x64xf32> to vector<2048x64xbf16>
    %get3A_95 = arith.constant 0 : index
    %get3A_96 = arith.constant 0 : index
    %get3A_97 = vector.load %arg8[%get3A_95, %get3A_96] : memref<64x64xbf16, #tpu.memory_space<vmem>>, vector<64x64xbf16>
    %dot_general3A_98 = arith.constant dense<0.000000e+00> : vector<2048x64xf32>
    %dot_general3A_99 = tpu.matmul %convert_element_type3A_94, %get3A_97, %dot_general3A_98 {dimension_numbers = #tpu.dot_dimension_numbers<[1], [0], [0], [1], [0, 0, 1, 1], [], []>, transpose_lhs_hint = false} : vector<2048x64xbf16>, vector<64x64xbf16>, vector<2048x64xf32> -> vector<2048x64xf32>
    %get3A_100 = arith.constant 0 : index
    %get3A_101 = arith.constant 0 : index
    %get3A_102 = vector.load %arg9[%get3A_100, %get3A_101] : memref<1x64xf32, #tpu.memory_space<vmem>>, vector<1x64xf32>
    %add3A_103 = vector.broadcast %get3A_102 : vector<1x64xf32> to vector<2048x64xf32>
    %add3A_104 = arith.addf %dot_general3A_99, %add3A_103 : vector<2048x64xf32>
    %slice3A = vector.extract_strided_slice %add3A_104 {offsets = [0, 0], sizes = [512, 32], strides = [1, 1]} : vector<2048x64xf32> to vector<512x32xf32>
    %slice3A_105 = vector.extract_strided_slice %add3A_104 {offsets = [512, 0], sizes = [512, 32], strides = [1, 1]} : vector<2048x64xf32> to vector<512x32xf32>
    %slice3A_106 = vector.extract_strided_slice %add3A_104 {offsets = [1024, 0], sizes = [512, 32], strides = [1, 1]} : vector<2048x64xf32> to vector<512x32xf32>
    %slice3A_107 = vector.extract_strided_slice %add3A_104 {offsets = [1536, 0], sizes = [512, 32], strides = [1, 1]} : vector<2048x64xf32> to vector<512x32xf32>
    %concatenate3A_108 = tpu.concatenate %slice3A, %slice3A_105, %slice3A_106, %slice3A_107 in 1 : vector<512x32xf32>, vector<512x32xf32>, vector<512x32xf32>, vector<512x32xf32> -> vector<512x128xf32>
    %swap3A = arith.constant 0 : index
    %swap3A_109 = arith.constant 0 : index
    %swap3A_110 = arith.constant 0 : index
    %swap3A_111 = vector.load %arg10[%swap3A, %swap3A_109, %swap3A_110] : memref<2x512x128xf32, #tpu.memory_space<vmem>>, vector<1x512x128xf32>
    %swap3A_112 = vector.shape_cast %swap3A_111 : vector<1x512x128xf32> to vector<512x128xf32>
    %swap3A_113 = vector.shape_cast %concatenate3A_108 : vector<512x128xf32> to vector<1x512x128xf32>
    tpu.vector_store %arg10[%swap3A, %swap3A_109, %swap3A_110], %swap3A_113 {strides = array<i32>} : memref<2x512x128xf32, #tpu.memory_space<vmem>>, vector<1x512x128xf32>,
    %slice3A_114 = vector.extract_strided_slice %add3A_104 {offsets = [0, 32], sizes = [512, 32], strides = [1, 1]} : vector<2048x64xf32> to vector<512x32xf32>
    %slice3A_115 = vector.extract_strided_slice %add3A_104 {offsets = [512, 32], sizes = [512, 32], strides = [1, 1]} : vector<2048x64xf32> to vector<512x32xf32>
    %slice3A_116 = vector.extract_strided_slice %add3A_104 {offsets = [1024, 32], sizes = [512, 32], strides = [1, 1]} : vector<2048x64xf32> to vector<512x32xf32>
    %slice3A_117 = vector.extract_strided_slice %add3A_104 {offsets = [1536, 32], sizes = [512, 32], strides = [1, 1]} : vector<2048x64xf32> to vector<512x32xf32>
    %concatenate3A_118 = tpu.concatenate %slice3A_114, %slice3A_115, %slice3A_116, %slice3A_117 in 1 : vector<512x32xf32>, vector<512x32xf32>, vector<512x32xf32>, vector<512x32xf32> -> vector<512x128xf32>
    %swap3A_119 = arith.constant 1 : index
    %swap3A_120 = arith.constant 0 : index
    %swap3A_121 = arith.constant 0 : index
    %swap3A_122 = vector.load %arg10[%swap3A_119, %swap3A_120, %swap3A_121] : memref<2x512x128xf32, #tpu.memory_space<vmem>>, vector<1x512x128xf32>
    %swap3A_123 = vector.shape_cast %swap3A_122 : vector<1x512x128xf32> to vector<512x128xf32>
    %swap3A_124 = vector.shape_cast %concatenate3A_118 : vector<512x128xf32> to vector<1x512x128xf32>
    tpu.vector_store %arg10[%swap3A_119, %swap3A_120, %swap3A_121], %swap3A_124 {strides = array<i32>} : memref<2x512x128xf32, #tpu.memory_space<vmem>>, vector<1x512x128xf32>,
    return
  }
  func.func @transform_0(%arg0: i32) -> (i32, i32, i32) {
    %c0_i32 = arith.constant 0 : i32
    %c0_i32_0 = arith.constant 0 : i32
    %c0_i32_1 = arith.constant 0 : i32
    return %arg0, %c0_i32, %c0_i32_0 : i32, i32, i32
  }
  func.func @transform_1(%arg0: i32) -> (i32, i32, i32) {
    %c0_i32 = arith.constant 0 : i32
    %c0_i32_0 = arith.constant 0 : i32
    %c0_i32_1 = arith.constant 0 : i32
    return %arg0, %c0_i32, %c0_i32_0 : i32, i32, i32
  }
  func.func @transform_2(%arg0: i32) -> (i32, i32, i32) {
    %c0_i32 = arith.constant 0 : i32
    %c0_i32_0 = arith.constant 0 : i32
    %c0_i32_1 = arith.constant 0 : i32
    return %arg0, %c0_i32, %c0_i32_0 : i32, i32, i32
  }
  func.func @transform_3(%arg0: i32) -> (i32, i32) {
    %c0_i32 = arith.constant 0 : i32
    %c0_i32_0 = arith.constant 0 : i32
    %c0_i32_1 = arith.constant 0 : i32
    return %c0_i32, %c0_i32_0 : i32, i32
  }
  func.func @transform_4(%arg0: i32) -> (i32, i32) {
    %c0_i32 = arith.constant 0 : i32
    %c0_i32_0 = arith.constant 0 : i32
    %c0_i32_1 = arith.constant 0 : i32
    return %c0_i32, %c0_i32_0 : i32, i32
  }
  func.func @transform_5(%arg0: i32) -> (i32, i32) {
    %c0_i32 = arith.constant 0 : i32
    %c0_i32_0 = arith.constant 0 : i32
    %c0_i32_1 = arith.constant 0 : i32
    return %c0_i32, %c0_i32_0 : i32, i32
  }
  func.func @transform_6(%arg0: i32) -> (i32, i32) {
    %c0_i32 = arith.constant 0 : i32
    %c0_i32_0 = arith.constant 0 : i32
    %c0_i32_1 = arith.constant 0 : i32
    return %c0_i32, %c0_i32_0 : i32, i32
  }
  func.func @transform_7(%arg0: i32) -> (i32, i32) {
    %c0_i32 = arith.constant 0 : i32
    %c0_i32_0 = arith.constant 0 : i32
    %c0_i32_1 = arith.constant 0 : i32
    return %c0_i32, %c0_i32_0 : i32, i32
  }
  func.func @transform_8(%arg0: i32) -> (i32, i32) {
    %c0_i32 = arith.constant 0 : i32
    %c0_i32_0 = arith.constant 0 : i32
    %c0_i32_1 = arith.constant 0 : i32
    return %c0_i32, %c0_i32_0 : i32, i32
  }
  func.func @transform_9(%arg0: i32) -> (i32, i32, i32) {
    %c0_i32 = arith.constant 0 : i32
    %c0_i32_0 = arith.constant 0 : i32
    %c0_i32_1 = arith.constant 0 : i32
    return %c0_i32, %arg0, %c0_i32_0 : i32, i32, i32
  }
}

module attributes {stable_mosaic.version = 14 : i64} {
  func.func @_tc_node_body(%arg0: i32, %arg1: memref<3x2048xf32, #tpu.memory_space<vmem>>, %arg2: memref<3x1xf32, #tpu.memory_space<vmem>>, %arg3: memref<16x1xf32, #tpu.memory_space<vmem>>, %arg4: memref<16x1xf32, #tpu.memory_space<vmem>>, %arg5: memref<64x25xbf16, #tpu.memory_space<vmem>>, %arg6: memref<64x1xf32, #tpu.memory_space<vmem>>, %arg7: memref<2x512x128xf32, #tpu.memory_space<vmem>>, %arg8: memref<2x512x128xf32, #tpu.memory_space<vmem>>, %arg9: memref<32x128xf32, #tpu.memory_space<vmem>>, %arg10: memref<32x128xf32, #tpu.memory_space<vmem>>, %arg11: memref<64x128xf32, #tpu.memory_space<vmem>>, %arg12: memref<1x128xf32, #tpu.memory_space<vmem>>, %arg13: memref<1x128xf32, #tpu.memory_space<vmem>>, %arg14: memref<1x128xf32, #tpu.memory_space<vmem>>, %arg15: memref<2048x128xf32, #tpu.memory_space<vmem>>) attributes {dimension_semantics = [#tpu.dimension_semantics<arbitrary>], iteration_bounds = array<i64: 25>, scalar_prefetch = 0 : i64, scratch_operands = 0 : i64, tpu.core_type = #tpu.core_type<tc>, window_params = [{transform_indices = @transform_0, window_bounds = array<i64: 3, 2048>}, {pipeline_mode = #tpu.pipeline_mode<synchronous>, transform_indices = @transform_1, window_bounds = array<i64: 3, 1>}, {pipeline_mode = #tpu.pipeline_mode<synchronous>, transform_indices = @transform_2, window_bounds = array<i64: 16, 1>}, {pipeline_mode = #tpu.pipeline_mode<synchronous>, transform_indices = @transform_3, window_bounds = array<i64: 16, 1>}, {pipeline_mode = #tpu.pipeline_mode<synchronous>, transform_indices = @transform_4, window_bounds = array<i64: 64, 25>}, {pipeline_mode = #tpu.pipeline_mode<synchronous>, transform_indices = @transform_5, window_bounds = array<i64: 64, 1>}, {transform_indices = @transform_6, window_bounds = array<i64: 2, 512, 128>}, {transform_indices = @transform_7, window_bounds = array<i64: 2, 512, 128>}, {pipeline_mode = #tpu.pipeline_mode<synchronous>, transform_indices = @transform_8, window_bounds = array<i64: 32, 128>}, {pipeline_mode = #tpu.pipeline_mode<synchronous>, transform_indices = @transform_9, window_bounds = array<i64: 32, 128>}, {pipeline_mode = #tpu.pipeline_mode<synchronous>, transform_indices = @transform_10, window_bounds = array<i64: 64, 128>}, {pipeline_mode = #tpu.pipeline_mode<synchronous>, transform_indices = @transform_11, window_bounds = array<i64: 1, 128>}, {pipeline_mode = #tpu.pipeline_mode<synchronous>, transform_indices = @transform_12, window_bounds = array<i64: 1, 128>}, {pipeline_mode = #tpu.pipeline_mode<synchronous>, transform_indices = @transform_13, window_bounds = array<i64: 1, 128>}, {transform_indices = @transform_14, window_bounds = array<i64: 2048, 128>}]} {
    %get3A = arith.constant 0 : index
    %get3A_0 = arith.constant 0 : index
    %get3A_1 = vector.load %arg1[%get3A, %get3A_0] : memref<3x2048xf32, #tpu.memory_space<vmem>>, vector<3x2048xf32>
    %get3A_2 = arith.constant 0 : index
    %get3A_3 = arith.constant 0 : index
    %get3A_4 = vector.load %arg2[%get3A_2, %get3A_3] : memref<3x1xf32, #tpu.memory_space<vmem>>, vector<3x1xf32>
    %sub3A = vector.broadcast %get3A_4 : vector<3x1xf32> to vector<3x2048xf32>
    %sub3A_5 = arith.subf %get3A_1, %sub3A : vector<3x2048xf32>
    %slice3A = vector.extract_strided_slice %sub3A_5 {offsets = [0, 0], sizes = [1, 2048], strides = [1, 1]} : vector<3x2048xf32> to vector<1x2048xf32>
    %slice3A_6 = vector.extract_strided_slice %sub3A_5 {offsets = [1, 0], sizes = [1, 2048], strides = [1, 1]} : vector<3x2048xf32> to vector<1x2048xf32>
    %slice3A_7 = vector.extract_strided_slice %sub3A_5 {offsets = [2, 0], sizes = [1, 2048], strides = [1, 1]} : vector<3x2048xf32> to vector<1x2048xf32>
    %get3A_8 = arith.constant 0 : index
    %get3A_9 = arith.constant 0 : index
    %get3A_10 = vector.load %arg3[%get3A_8, %get3A_9] : memref<16x1xf32, #tpu.memory_space<vmem>>, vector<16x1xf32>
    %get3A_11 = arith.constant 0 : index
    %get3A_12 = arith.constant 0 : index
    %get3A_13 = vector.load %arg4[%get3A_11, %get3A_12] : memref<16x1xf32, #tpu.memory_space<vmem>>, vector<16x1xf32>
    %get3A_14 = arith.constant 0 : index
    %get3A_15 = arith.constant 0 : index
    %get3A_16 = vector.load %arg5[%get3A_14, %get3A_15] : memref<64x25xbf16, #tpu.memory_space<vmem>>, vector<64x25xbf16>
    %get3A_17 = arith.constant 0 : index
    %get3A_18 = arith.constant 0 : index
    %get3A_19 = vector.load %arg6[%get3A_17, %get3A_18] : memref<64x1xf32, #tpu.memory_space<vmem>>, vector<64x1xf32>
    %mul3A = arith.mulf %slice3A, %slice3A : vector<1x2048xf32>
    %mul3A_20 = arith.mulf %slice3A_6, %slice3A_6 : vector<1x2048xf32>
    %add3A = arith.addf %mul3A, %mul3A_20 : vector<1x2048xf32>
    %mul3A_21 = arith.mulf %slice3A_7, %slice3A_7 : vector<1x2048xf32>
    %add3A_22 = arith.addf %add3A, %mul3A_21 : vector<1x2048xf32>
    %sqrt3A = math.sqrt %add3A_22 : vector<1x2048xf32>
    %max3A = arith.constant 9.99999997E-7 : f32
    %max3A_23 = vector.broadcast %max3A : f32 to vector<1x2048xf32>
    %max3A_24 = arith.maximumf %sqrt3A, %max3A_23 : vector<1x2048xf32>
    %div3A = arith.constant 1.000000e+00 : f32
    %div3A_25 = vector.broadcast %div3A : f32 to vector<1x2048xf32>
    %div3A_26 = arith.divf %div3A_25, %max3A_24 : vector<1x2048xf32>
    %mul3A_27 = arith.mulf %slice3A, %div3A_26 : vector<1x2048xf32>
    %mul3A_28 = arith.mulf %slice3A_6, %div3A_26 : vector<1x2048xf32>
    %mul3A_29 = arith.mulf %slice3A_7, %div3A_26 : vector<1x2048xf32>
    %broadcast_in_dim3A = arith.constant 1.000000e+00 : f32
    %broadcast_in_dim3A_30 = vector.broadcast %broadcast_in_dim3A : f32 to vector<1x2048xf32>
    %abs3A = math.absf %get3A_13 : vector<16x1xf32>
    %neg3A = arith.constant 0.000000e+00 : f32
    %neg3A_31 = vector.broadcast %neg3A : f32 to vector<16x1xf32>
    %neg3A_32 = arith.subf %neg3A_31, %abs3A : vector<16x1xf32>
    %sub3A_33 = vector.broadcast %max3A_24 : vector<1x2048xf32> to vector<16x2048xf32>
    %sub3A_34 = vector.broadcast %get3A_10 : vector<16x1xf32> to vector<16x2048xf32>
    %sub3A_35 = arith.subf %sub3A_33, %sub3A_34 : vector<16x2048xf32>
    %integer_pow3A = arith.mulf %sub3A_35, %sub3A_35 : vector<16x2048xf32>
    %mul3A_36 = vector.broadcast %neg3A_32 : vector<16x1xf32> to vector<16x2048xf32>
    %mul3A_37 = arith.mulf %mul3A_36, %integer_pow3A : vector<16x2048xf32>
    %exp3A = math.exp %mul3A_37 : vector<16x2048xf32>
    %mul3A_38 = arith.constant 0.282094806 : f32
    %mul3A_39 = vector.broadcast %mul3A_38 : f32 to vector<1x2048xf32>
    %mul3A_40 = arith.mulf %mul3A_39, %broadcast_in_dim3A_30 : vector<1x2048xf32>
    %mul3A_41 = arith.constant 0.488602519 : f32
    %mul3A_42 = vector.broadcast %mul3A_41 : f32 to vector<1x2048xf32>
    %mul3A_43 = arith.mulf %mul3A_42, %mul3A_28 : vector<1x2048xf32>
    %mul3A_44 = arith.constant 0.488602519 : f32
    %mul3A_45 = vector.broadcast %mul3A_44 : f32 to vector<1x2048xf32>
    %mul3A_46 = arith.mulf %mul3A_45, %mul3A_29 : vector<1x2048xf32>
    %mul3A_47 = arith.constant 0.488602519 : f32
    %mul3A_48 = vector.broadcast %mul3A_47 : f32 to vector<1x2048xf32>
    %mul3A_49 = arith.mulf %mul3A_48, %mul3A_27 : vector<1x2048xf32>
    %mul3A_50 = arith.constant 1.09254849 : f32
    %mul3A_51 = vector.broadcast %mul3A_50 : f32 to vector<1x2048xf32>
    %mul3A_52 = arith.mulf %mul3A_51, %mul3A_27 : vector<1x2048xf32>
    %mul3A_53 = arith.mulf %mul3A_52, %mul3A_28 : vector<1x2048xf32>
    %mul3A_54 = arith.constant 1.09254849 : f32
    %mul3A_55 = vector.broadcast %mul3A_54 : f32 to vector<1x2048xf32>
    %mul3A_56 = arith.mulf %mul3A_55, %mul3A_28 : vector<1x2048xf32>
    %mul3A_57 = arith.mulf %mul3A_56, %mul3A_29 : vector<1x2048xf32>
    %mul3A_58 = arith.constant 2.000000e+00 : f32
    %mul3A_59 = vector.broadcast %mul3A_58 : f32 to vector<1x2048xf32>
    %mul3A_60 = arith.mulf %mul3A_59, %mul3A_29 : vector<1x2048xf32>
    %mul3A_61 = arith.mulf %mul3A_60, %mul3A_29 : vector<1x2048xf32>
    %mul3A_62 = arith.mulf %mul3A_27, %mul3A_27 : vector<1x2048xf32>
    %sub3A_63 = arith.subf %mul3A_61, %mul3A_62 : vector<1x2048xf32>
    %mul3A_64 = arith.mulf %mul3A_28, %mul3A_28 : vector<1x2048xf32>
    %sub3A_65 = arith.subf %sub3A_63, %mul3A_64 : vector<1x2048xf32>
    %mul3A_66 = arith.constant 0.31539157 : f32
    %mul3A_67 = vector.broadcast %mul3A_66 : f32 to vector<1x2048xf32>
    %mul3A_68 = arith.mulf %mul3A_67, %sub3A_65 : vector<1x2048xf32>
    %mul3A_69 = arith.constant 1.09254849 : f32
    %mul3A_70 = vector.broadcast %mul3A_69 : f32 to vector<1x2048xf32>
    %mul3A_71 = arith.mulf %mul3A_70, %mul3A_27 : vector<1x2048xf32>
    %mul3A_72 = arith.mulf %mul3A_71, %mul3A_29 : vector<1x2048xf32>
    %mul3A_73 = arith.mulf %mul3A_27, %mul3A_27 : vector<1x2048xf32>
    %mul3A_74 = arith.mulf %mul3A_28, %mul3A_28 : vector<1x2048xf32>
    %sub3A_75 = arith.subf %mul3A_73, %mul3A_74 : vector<1x2048xf32>
    %mul3A_76 = arith.constant 0.546274245 : f32
    %mul3A_77 = vector.broadcast %mul3A_76 : f32 to vector<1x2048xf32>
    %mul3A_78 = arith.mulf %mul3A_77, %sub3A_75 : vector<1x2048xf32>
    %concatenate3A = tpu.concatenate %exp3A, %mul3A_40, %mul3A_43, %mul3A_46, %mul3A_49, %mul3A_53, %mul3A_57, %mul3A_68, %mul3A_72, %mul3A_78 in 0 : vector<16x2048xf32>, vector<1x2048xf32>, vector<1x2048xf32>, vector<1x2048xf32>, vector<1x2048xf32>, vector<1x2048xf32>, vector<1x2048xf32>, vector<1x2048xf32>, vector<1x2048xf32>, vector<1x2048xf32> -> vector<25x2048xf32>
    %convert_element_type3A = arith.truncf %concatenate3A : vector<25x2048xf32> to vector<25x2048xbf16>
    %dot_general3A = arith.constant dense<0.000000e+00> : vector<64x2048xf32>
    %dot_general3A_79 = tpu.matmul %get3A_16, %convert_element_type3A, %dot_general3A {dimension_numbers = #tpu.dot_dimension_numbers<[1], [0], [0], [1], [0, 0, 1, 1], [], []>, transpose_lhs_hint = false} : vector<64x25xbf16>, vector<25x2048xbf16>, vector<64x2048xf32> -> vector<64x2048xf32>
    %add3A_80 = vector.broadcast %get3A_19 : vector<64x1xf32> to vector<64x2048xf32>
    %add3A_81 = arith.addf %dot_general3A_79, %add3A_80 : vector<64x2048xf32>
    %logistic3A = arith.negf %add3A_81 : vector<64x2048xf32>
    %logistic3A_82 = math.exp %logistic3A : vector<64x2048xf32>
    %logistic3A_83 = arith.constant 1.000000e+00 : f32
    %logistic3A_84 = vector.broadcast %logistic3A_83 : f32 to vector<64x2048xf32>
    %logistic3A_85 = arith.addf %logistic3A_84, %logistic3A_82 : vector<64x2048xf32>
    %logistic3A_86 = arith.divf %logistic3A_84, %logistic3A_85 : vector<64x2048xf32>
    %mul3A_87 = arith.mulf %add3A_81, %logistic3A_86 : vector<64x2048xf32>
    %get3A_88 = arith.constant 0 : index
    %get3A_89 = arith.constant 0 : index
    %get3A_90 = arith.constant 0 : index
    %get3A_91 = vector.load %arg7[%get3A_88, %get3A_89, %get3A_90] : memref<2x512x128xf32, #tpu.memory_space<vmem>>, vector<1x512x128xf32>
    %get3A_92 = vector.shape_cast %get3A_91 : vector<1x512x128xf32> to vector<512x128xf32>
    %slice3A_93 = vector.extract_strided_slice %get3A_92 {offsets = [0, 0], sizes = [512, 32], strides = [1, 1]} : vector<512x128xf32> to vector<512x32xf32>
    %get3A_94 = arith.constant 0 : index
    %get3A_95 = arith.constant 0 : index
    %get3A_96 = arith.constant 0 : index
    %get3A_97 = vector.load %arg7[%get3A_94, %get3A_95, %get3A_96] : memref<2x512x128xf32, #tpu.memory_space<vmem>>, vector<1x512x128xf32>
    %get3A_98 = vector.shape_cast %get3A_97 : vector<1x512x128xf32> to vector<512x128xf32>
    %slice3A_99 = vector.extract_strided_slice %get3A_98 {offsets = [0, 32], sizes = [512, 32], strides = [1, 1]} : vector<512x128xf32> to vector<512x32xf32>
    %get3A_100 = arith.constant 0 : index
    %get3A_101 = arith.constant 0 : index
    %get3A_102 = arith.constant 0 : index
    %get3A_103 = vector.load %arg7[%get3A_100, %get3A_101, %get3A_102] : memref<2x512x128xf32, #tpu.memory_space<vmem>>, vector<1x512x128xf32>
    %get3A_104 = vector.shape_cast %get3A_103 : vector<1x512x128xf32> to vector<512x128xf32>
    %slice3A_105 = vector.extract_strided_slice %get3A_104 {offsets = [0, 64], sizes = [512, 32], strides = [1, 1]} : vector<512x128xf32> to vector<512x32xf32>
    %get3A_106 = arith.constant 0 : index
    %get3A_107 = arith.constant 0 : index
    %get3A_108 = arith.constant 0 : index
    %get3A_109 = vector.load %arg7[%get3A_106, %get3A_107, %get3A_108] : memref<2x512x128xf32, #tpu.memory_space<vmem>>, vector<1x512x128xf32>
    %get3A_110 = vector.shape_cast %get3A_109 : vector<1x512x128xf32> to vector<512x128xf32>
    %slice3A_111 = vector.extract_strided_slice %get3A_110 {offsets = [0, 96], sizes = [512, 32], strides = [1, 1]} : vector<512x128xf32> to vector<512x32xf32>
    %concatenate3A_112 = tpu.concatenate %slice3A_93, %slice3A_99, %slice3A_105, %slice3A_111 in 0 : vector<512x32xf32>, vector<512x32xf32>, vector<512x32xf32>, vector<512x32xf32> -> vector<2048x32xf32>
    %get3A_113 = arith.constant 0 : index
    %get3A_114 = arith.constant 0 : index
    %get3A_115 = arith.constant 0 : index
    %get3A_116 = vector.load %arg8[%get3A_113, %get3A_114, %get3A_115] : memref<2x512x128xf32, #tpu.memory_space<vmem>>, vector<1x512x128xf32>
    %get3A_117 = vector.shape_cast %get3A_116 : vector<1x512x128xf32> to vector<512x128xf32>
    %slice3A_118 = vector.extract_strided_slice %get3A_117 {offsets = [0, 0], sizes = [512, 32], strides = [1, 1]} : vector<512x128xf32> to vector<512x32xf32>
    %get3A_119 = arith.constant 0 : index
    %get3A_120 = arith.constant 0 : index
    %get3A_121 = arith.constant 0 : index
    %get3A_122 = vector.load %arg8[%get3A_119, %get3A_120, %get3A_121] : memref<2x512x128xf32, #tpu.memory_space<vmem>>, vector<1x512x128xf32>
    %get3A_123 = vector.shape_cast %get3A_122 : vector<1x512x128xf32> to vector<512x128xf32>
    %slice3A_124 = vector.extract_strided_slice %get3A_123 {offsets = [0, 32], sizes = [512, 32], strides = [1, 1]} : vector<512x128xf32> to vector<512x32xf32>
    %get3A_125 = arith.constant 0 : index
    %get3A_126 = arith.constant 0 : index
    %get3A_127 = arith.constant 0 : index
    %get3A_128 = vector.load %arg8[%get3A_125, %get3A_126, %get3A_127] : memref<2x512x128xf32, #tpu.memory_space<vmem>>, vector<1x512x128xf32>
    %get3A_129 = vector.shape_cast %get3A_128 : vector<1x512x128xf32> to vector<512x128xf32>
    %slice3A_130 = vector.extract_strided_slice %get3A_129 {offsets = [0, 64], sizes = [512, 32], strides = [1, 1]} : vector<512x128xf32> to vector<512x32xf32>
    %get3A_131 = arith.constant 0 : index
    %get3A_132 = arith.constant 0 : index
    %get3A_133 = arith.constant 0 : index
    %get3A_134 = vector.load %arg8[%get3A_131, %get3A_132, %get3A_133] : memref<2x512x128xf32, #tpu.memory_space<vmem>>, vector<1x512x128xf32>
    %get3A_135 = vector.shape_cast %get3A_134 : vector<1x512x128xf32> to vector<512x128xf32>
    %slice3A_136 = vector.extract_strided_slice %get3A_135 {offsets = [0, 96], sizes = [512, 32], strides = [1, 1]} : vector<512x128xf32> to vector<512x32xf32>
    %concatenate3A_137 = tpu.concatenate %slice3A_118, %slice3A_124, %slice3A_130, %slice3A_136 in 0 : vector<512x32xf32>, vector<512x32xf32>, vector<512x32xf32>, vector<512x32xf32> -> vector<2048x32xf32>
    %add3A_138 = arith.addf %concatenate3A_112, %concatenate3A_137 : vector<2048x32xf32>
    %get3A_139 = arith.constant 1 : index
    %get3A_140 = arith.constant 0 : index
    %get3A_141 = arith.constant 0 : index
    %get3A_142 = vector.load %arg7[%get3A_139, %get3A_140, %get3A_141] : memref<2x512x128xf32, #tpu.memory_space<vmem>>, vector<1x512x128xf32>
    %get3A_143 = vector.shape_cast %get3A_142 : vector<1x512x128xf32> to vector<512x128xf32>
    %slice3A_144 = vector.extract_strided_slice %get3A_143 {offsets = [0, 0], sizes = [512, 32], strides = [1, 1]} : vector<512x128xf32> to vector<512x32xf32>
    %get3A_145 = arith.constant 1 : index
    %get3A_146 = arith.constant 0 : index
    %get3A_147 = arith.constant 0 : index
    %get3A_148 = vector.load %arg7[%get3A_145, %get3A_146, %get3A_147] : memref<2x512x128xf32, #tpu.memory_space<vmem>>, vector<1x512x128xf32>
    %get3A_149 = vector.shape_cast %get3A_148 : vector<1x512x128xf32> to vector<512x128xf32>
    %slice3A_150 = vector.extract_strided_slice %get3A_149 {offsets = [0, 32], sizes = [512, 32], strides = [1, 1]} : vector<512x128xf32> to vector<512x32xf32>
    %get3A_151 = arith.constant 1 : index
    %get3A_152 = arith.constant 0 : index
    %get3A_153 = arith.constant 0 : index
    %get3A_154 = vector.load %arg7[%get3A_151, %get3A_152, %get3A_153] : memref<2x512x128xf32, #tpu.memory_space<vmem>>, vector<1x512x128xf32>
    %get3A_155 = vector.shape_cast %get3A_154 : vector<1x512x128xf32> to vector<512x128xf32>
    %slice3A_156 = vector.extract_strided_slice %get3A_155 {offsets = [0, 64], sizes = [512, 32], strides = [1, 1]} : vector<512x128xf32> to vector<512x32xf32>
    %get3A_157 = arith.constant 1 : index
    %get3A_158 = arith.constant 0 : index
    %get3A_159 = arith.constant 0 : index
    %get3A_160 = vector.load %arg7[%get3A_157, %get3A_158, %get3A_159] : memref<2x512x128xf32, #tpu.memory_space<vmem>>, vector<1x512x128xf32>
    %get3A_161 = vector.shape_cast %get3A_160 : vector<1x512x128xf32> to vector<512x128xf32>
    %slice3A_162 = vector.extract_strided_slice %get3A_161 {offsets = [0, 96], sizes = [512, 32], strides = [1, 1]} : vector<512x128xf32> to vector<512x32xf32>
    %concatenate3A_163 = tpu.concatenate %slice3A_144, %slice3A_150, %slice3A_156, %slice3A_162 in 0 : vector<512x32xf32>, vector<512x32xf32>, vector<512x32xf32>, vector<512x32xf32> -> vector<2048x32xf32>
    %get3A_164 = arith.constant 1 : index
    %get3A_165 = arith.constant 0 : index
    %get3A_166 = arith.constant 0 : index
    %get3A_167 = vector.load %arg8[%get3A_164, %get3A_165, %get3A_166] : memref<2x512x128xf32, #tpu.memory_space<vmem>>, vector<1x512x128xf32>
    %get3A_168 = vector.shape_cast %get3A_167 : vector<1x512x128xf32> to vector<512x128xf32>
    %slice3A_169 = vector.extract_strided_slice %get3A_168 {offsets = [0, 0], sizes = [512, 32], strides = [1, 1]} : vector<512x128xf32> to vector<512x32xf32>
    %get3A_170 = arith.constant 1 : index
    %get3A_171 = arith.constant 0 : index
    %get3A_172 = arith.constant 0 : index
    %get3A_173 = vector.load %arg8[%get3A_170, %get3A_171, %get3A_172] : memref<2x512x128xf32, #tpu.memory_space<vmem>>, vector<1x512x128xf32>
    %get3A_174 = vector.shape_cast %get3A_173 : vector<1x512x128xf32> to vector<512x128xf32>
    %slice3A_175 = vector.extract_strided_slice %get3A_174 {offsets = [0, 32], sizes = [512, 32], strides = [1, 1]} : vector<512x128xf32> to vector<512x32xf32>
    %get3A_176 = arith.constant 1 : index
    %get3A_177 = arith.constant 0 : index
    %get3A_178 = arith.constant 0 : index
    %get3A_179 = vector.load %arg8[%get3A_176, %get3A_177, %get3A_178] : memref<2x512x128xf32, #tpu.memory_space<vmem>>, vector<1x512x128xf32>
    %get3A_180 = vector.shape_cast %get3A_179 : vector<1x512x128xf32> to vector<512x128xf32>
    %slice3A_181 = vector.extract_strided_slice %get3A_180 {offsets = [0, 64], sizes = [512, 32], strides = [1, 1]} : vector<512x128xf32> to vector<512x32xf32>
    %get3A_182 = arith.constant 1 : index
    %get3A_183 = arith.constant 0 : index
    %get3A_184 = arith.constant 0 : index
    %get3A_185 = vector.load %arg8[%get3A_182, %get3A_183, %get3A_184] : memref<2x512x128xf32, #tpu.memory_space<vmem>>, vector<1x512x128xf32>
    %get3A_186 = vector.shape_cast %get3A_185 : vector<1x512x128xf32> to vector<512x128xf32>
    %slice3A_187 = vector.extract_strided_slice %get3A_186 {offsets = [0, 96], sizes = [512, 32], strides = [1, 1]} : vector<512x128xf32> to vector<512x32xf32>
    %concatenate3A_188 = tpu.concatenate %slice3A_169, %slice3A_175, %slice3A_181, %slice3A_187 in 0 : vector<512x32xf32>, vector<512x32xf32>, vector<512x32xf32>, vector<512x32xf32> -> vector<2048x32xf32>
    %add3A_189 = arith.addf %concatenate3A_163, %concatenate3A_188 : vector<2048x32xf32>
    %get3A_190 = arith.constant 0 : index
    %get3A_191 = arith.constant 0 : index
    %get3A_192 = vector.load %arg9[%get3A_190, %get3A_191] : memref<32x128xf32, #tpu.memory_space<vmem>>, vector<32x128xf32>
    %dot_general3A_193 = arith.constant dense<0.000000e+00> : vector<2048x128xf32>
    %dot_general3A_194 = tpu.matmul %add3A_138, %get3A_192, %dot_general3A_193 {dimension_numbers = #tpu.dot_dimension_numbers<[1], [0], [0], [1], [0, 0, 1, 1], [], []>, transpose_lhs_hint = false} : vector<2048x32xf32>, vector<32x128xf32>, vector<2048x128xf32> -> vector<2048x128xf32>
    %get3A_195 = arith.constant 0 : index
    %get3A_196 = arith.constant 0 : index
    %get3A_197 = vector.load %arg10[%get3A_195, %get3A_196] : memref<32x128xf32, #tpu.memory_space<vmem>>, vector<32x128xf32>
    %dot_general3A_198 = arith.constant dense<0.000000e+00> : vector<2048x128xf32>
    %dot_general3A_199 = tpu.matmul %add3A_189, %get3A_197, %dot_general3A_198 {dimension_numbers = #tpu.dot_dimension_numbers<[1], [0], [0], [1], [0, 0, 1, 1], [], []>, transpose_lhs_hint = false} : vector<2048x32xf32>, vector<32x128xf32>, vector<2048x128xf32> -> vector<2048x128xf32>
    %add3A_200 = arith.addf %dot_general3A_194, %dot_general3A_199 : vector<2048x128xf32>
    %get3A_201 = arith.constant 0 : index
    %get3A_202 = arith.constant 0 : index
    %get3A_203 = vector.load %arg11[%get3A_201, %get3A_202] : memref<64x128xf32, #tpu.memory_space<vmem>>, vector<64x128xf32>
    %dot_general3A_204 = arith.constant dense<0.000000e+00> : vector<2048x128xf32>
    %dot_general3A_205 = tpu.matmul %mul3A_87, %get3A_203, %dot_general3A_204 {dimension_numbers = #tpu.dot_dimension_numbers<[0], [0], [1], [1], [0, 1, 1, 1], [], []>, transpose_lhs_hint = true} : vector<64x2048xf32>, vector<64x128xf32>, vector<2048x128xf32> -> vector<2048x128xf32>
    %add3A_206 = arith.addf %add3A_200, %dot_general3A_205 : vector<2048x128xf32>
    %get3A_207 = arith.constant 0 : index
    %get3A_208 = arith.constant 0 : index
    %get3A_209 = vector.load %arg12[%get3A_207, %get3A_208] : memref<1x128xf32, #tpu.memory_space<vmem>>, vector<1x128xf32>
    %add3A_210 = vector.broadcast %get3A_209 : vector<1x128xf32> to vector<2048x128xf32>
    %add3A_211 = arith.addf %add3A_206, %add3A_210 : vector<2048x128xf32>
    %reduce_sum3A = arith.constant dense<0.000000e+00> : vector<2048xf32>
    %reduce_sum3A_212 = vector.multi_reduction <add>, %add3A_211, %reduce_sum3A [1] : vector<2048x128xf32> to vector<2048xf32>
    %broadcast_in_dim3A_213 = vector.shape_cast %reduce_sum3A_212 : vector<2048xf32> to vector<2048x1xf32>
    %div3A_214 = arith.constant 1.280000e+02 : f32
    %div3A_215 = vector.broadcast %div3A_214 : f32 to vector<2048x1xf32>
    %div3A_216 = arith.divf %broadcast_in_dim3A_213, %div3A_215 : vector<2048x1xf32>
    %sub3A_217 = vector.broadcast %div3A_216 : vector<2048x1xf32> to vector<2048x128xf32>
    %sub3A_218 = arith.subf %add3A_211, %sub3A_217 : vector<2048x128xf32>
    %mul3A_219 = arith.mulf %sub3A_218, %sub3A_218 : vector<2048x128xf32>
    %reduce_sum3A_220 = arith.constant dense<0.000000e+00> : vector<2048xf32>
    %reduce_sum3A_221 = vector.multi_reduction <add>, %mul3A_219, %reduce_sum3A_220 [1] : vector<2048x128xf32> to vector<2048xf32>
    %broadcast_in_dim3A_222 = vector.shape_cast %reduce_sum3A_221 : vector<2048xf32> to vector<2048x1xf32>
    %div3A_223 = arith.constant 1.280000e+02 : f32
    %div3A_224 = vector.broadcast %div3A_223 : f32 to vector<2048x1xf32>
    %div3A_225 = arith.divf %broadcast_in_dim3A_222, %div3A_224 : vector<2048x1xf32>
    %add3A_226 = arith.constant 9.99999974E-6 : f32
    %add3A_227 = vector.broadcast %add3A_226 : f32 to vector<2048x1xf32>
    %add3A_228 = arith.addf %div3A_225, %add3A_227 : vector<2048x1xf32>
    %sqrt3A_229 = math.sqrt %add3A_228 : vector<2048x1xf32>
    %div3A_230 = vector.broadcast %sqrt3A_229 : vector<2048x1xf32> to vector<2048x128xf32>
    %div3A_231 = arith.divf %sub3A_218, %div3A_230 : vector<2048x128xf32>
    %get3A_232 = arith.constant 0 : index
    %get3A_233 = arith.constant 0 : index
    %get3A_234 = vector.load %arg13[%get3A_232, %get3A_233] : memref<1x128xf32, #tpu.memory_space<vmem>>, vector<1x128xf32>
    %mul3A_235 = vector.broadcast %get3A_234 : vector<1x128xf32> to vector<2048x128xf32>
    %mul3A_236 = arith.mulf %div3A_231, %mul3A_235 : vector<2048x128xf32>
    %get3A_237 = arith.constant 0 : index
    %get3A_238 = arith.constant 0 : index
    %get3A_239 = vector.load %arg14[%get3A_237, %get3A_238] : memref<1x128xf32, #tpu.memory_space<vmem>>, vector<1x128xf32>
    %add3A_240 = vector.broadcast %get3A_239 : vector<1x128xf32> to vector<2048x128xf32>
    %add3A_241 = arith.addf %mul3A_236, %add3A_240 : vector<2048x128xf32>
    %logistic3A_242 = arith.negf %add3A_241 : vector<2048x128xf32>
    %logistic3A_243 = math.exp %logistic3A_242 : vector<2048x128xf32>
    %logistic3A_244 = arith.constant 1.000000e+00 : f32
    %logistic3A_245 = vector.broadcast %logistic3A_244 : f32 to vector<2048x128xf32>
    %logistic3A_246 = arith.addf %logistic3A_245, %logistic3A_243 : vector<2048x128xf32>
    %logistic3A_247 = arith.divf %logistic3A_245, %logistic3A_246 : vector<2048x128xf32>
    %mul3A_248 = arith.mulf %add3A_241, %logistic3A_247 : vector<2048x128xf32>
    %swap3A = arith.constant 0 : index
    %swap3A_249 = arith.constant 0 : index
    %swap3A_250 = vector.load %arg15[%swap3A, %swap3A_249] : memref<2048x128xf32, #tpu.memory_space<vmem>>, vector<2048x128xf32>
    tpu.vector_store %arg15[%swap3A, %swap3A_249], %mul3A_248 {strides = array<i32>} : memref<2048x128xf32, #tpu.memory_space<vmem>>, vector<2048x128xf32>,
    return
  }
  func.func @transform_0(%arg0: i32) -> (i32, i32) {
    %c0_i32 = arith.constant 0 : i32
    %c0_i32_0 = arith.constant 0 : i32
    return %c0_i32, %arg0 : i32, i32
  }
  func.func @transform_1(%arg0: i32) -> (i32, i32) {
    %c0_i32 = arith.constant 0 : i32
    %c0_i32_0 = arith.constant 0 : i32
    %c0_i32_1 = arith.constant 0 : i32
    return %c0_i32, %c0_i32_0 : i32, i32
  }
  func.func @transform_2(%arg0: i32) -> (i32, i32) {
    %c0_i32 = arith.constant 0 : i32
    %c0_i32_0 = arith.constant 0 : i32
    %c0_i32_1 = arith.constant 0 : i32
    return %c0_i32, %c0_i32_0 : i32, i32
  }
  func.func @transform_3(%arg0: i32) -> (i32, i32) {
    %c0_i32 = arith.constant 0 : i32
    %c0_i32_0 = arith.constant 0 : i32
    %c0_i32_1 = arith.constant 0 : i32
    return %c0_i32, %c0_i32_0 : i32, i32
  }
  func.func @transform_4(%arg0: i32) -> (i32, i32) {
    %c0_i32 = arith.constant 0 : i32
    %c0_i32_0 = arith.constant 0 : i32
    %c0_i32_1 = arith.constant 0 : i32
    return %c0_i32, %c0_i32_0 : i32, i32
  }
  func.func @transform_5(%arg0: i32) -> (i32, i32) {
    %c0_i32 = arith.constant 0 : i32
    %c0_i32_0 = arith.constant 0 : i32
    %c0_i32_1 = arith.constant 0 : i32
    return %c0_i32, %c0_i32_0 : i32, i32
  }
  func.func @transform_6(%arg0: i32) -> (i32, i32, i32) {
    %c0_i32 = arith.constant 0 : i32
    %c0_i32_0 = arith.constant 0 : i32
    %c0_i32_1 = arith.constant 0 : i32
    return %c0_i32, %arg0, %c0_i32_0 : i32, i32, i32
  }
  func.func @transform_7(%arg0: i32) -> (i32, i32, i32) {
    %c0_i32 = arith.constant 0 : i32
    %c0_i32_0 = arith.constant 0 : i32
    %c0_i32_1 = arith.constant 0 : i32
    return %c0_i32, %arg0, %c0_i32_0 : i32, i32, i32
  }
  func.func @transform_8(%arg0: i32) -> (i32, i32) {
    %c0_i32 = arith.constant 0 : i32
    %c0_i32_0 = arith.constant 0 : i32
    %c0_i32_1 = arith.constant 0 : i32
    return %c0_i32, %c0_i32_0 : i32, i32
  }
  func.func @transform_9(%arg0: i32) -> (i32, i32) {
    %c0_i32 = arith.constant 0 : i32
    %c0_i32_0 = arith.constant 0 : i32
    %c0_i32_1 = arith.constant 0 : i32
    return %c0_i32, %c0_i32_0 : i32, i32
  }
  func.func @transform_10(%arg0: i32) -> (i32, i32) {
    %c0_i32 = arith.constant 0 : i32
    %c0_i32_0 = arith.constant 0 : i32
    %c0_i32_1 = arith.constant 0 : i32
    return %c0_i32, %c0_i32_0 : i32, i32
  }
  func.func @transform_11(%arg0: i32) -> (i32, i32) {
    %c0_i32 = arith.constant 0 : i32
    %c0_i32_0 = arith.constant 0 : i32
    %c0_i32_1 = arith.constant 0 : i32
    return %c0_i32, %c0_i32_0 : i32, i32
  }
  func.func @transform_12(%arg0: i32) -> (i32, i32) {
    %c0_i32 = arith.constant 0 : i32
    %c0_i32_0 = arith.constant 0 : i32
    %c0_i32_1 = arith.constant 0 : i32
    return %c0_i32, %c0_i32_0 : i32, i32
  }
  func.func @transform_13(%arg0: i32) -> (i32, i32) {
    %c0_i32 = arith.constant 0 : i32
    %c0_i32_0 = arith.constant 0 : i32
    %c0_i32_1 = arith.constant 0 : i32
    return %c0_i32, %c0_i32_0 : i32, i32
  }
  func.func @transform_14(%arg0: i32) -> (i32, i32) {
    %c0_i32 = arith.constant 0 : i32
    %c0_i32_0 = arith.constant 0 : i32
    return %arg0, %c0_i32 : i32, i32
  }
}

</mosaic_0001>

<sc_bundles>
// kernel: kernel.12.cloned.1.call-start
scs
__scs_entry_jumppad:
0x0: {  	(pc) =	sbr.rel $0x88, $3  }
0x1: {  	(tag) =	ssettag $0x0;
	lr =	simm.s32 $0x1  }
0x2: {  	[smem:$0x3F90] =	sst lr;
	_ =	strace $0xD0000000  }
0x3: {  	_ = 	snop  }
0x4: {  	_ = 	snop  }
0x5: {  	_ = 	snop  }
0x6: {  	_ = 	snop  }
0x7: {  	_ = 	snop  }
__scs_overlays_trampoline_lowered:
0x8: {  	[smem:$0x3F9F] =	sst s0  }
0x9: {  	[smem:$0x3FA0] =	sst s1  }
0xa: {  	[smem:$0x3FA1] =	sst s2  }
0xb: {  	[smem:$0x3FA2] =	sst s3  }
0xc: {  	[smem:$0x3FA3] =	sst s4  }
0xd: {  	[smem:$0x3FA4] =	sst s5  }
0xe: {  	[smem:$0x3FA5] =	sst s6  }
0xf: {  	[smem:$0x3FA6] =	sst s7  }
0x10: {  	[smem:$0x3FA7] =	sst s8  }
0x11: {  	[smem:$0x3FA8] =	sst s9;
	s0 =	simm.s32 @!p0 $0x0  }
0x12: {  	s1 =	sld [smem:$0x3F8E];
	s0 =	simm.s32 @p0 $0x1  }
0x13: {  	[smem:$0x3FA9] =	sst s0;
	s0 =	simm.s32 @!p1 $0x0  }
0x14: {  	s2 =	sld [smem:$0x3F8D];
	s0 =	simm.s32 @p1 $0x1  }
0x15: {  	[smem:$0x3FAA] =	sst s0;
	s0 =	simm.s32 @!p2 $0x0  }
0x16: {  	s3 =	sld [smem:$0x3FDB];
	s0 =	simm.s32 @p2 $0x1  }
0x17: {  	s4 =	simm.s32 $0x1BF5;
	[smem:$0x3FAC] =	sst s0  }
0x18: {  	s0 =	sld [smem:$0x3F8F];
	_ =	swait.ge [sflag:s4], $0x0  }
0x19: {  	s7 =	sld [smem:$0x3F90]  }
0x1a: {  	s8 =	sadd.s32 $0xFFFFE003, lr  }
0x1b: {  	s9 =	sadd.s32 $0xFFFFFEF7, lr;
	s5 =	simm.s32 $0xFFFFFFFF;
	p2 =	slt.u32 s8, $0xFFFFF086  }
0x1c: {  	p1 =	slt.u32 s9, $0xF7A;
	s5 =	simm.s32 @!p2 $0x0  }
0x1d: {  	s5 =	simm.s32 @p1 $0x1;
	p0 =	seq.s32 s7, s2  }
0x1e: {  	s7 =	smul.u32 @!p0 $0xF7A, s2;
	p2 =	seq.s32 @!p0 s5, $0x0  }
0x1f: {  	s9 =	smul.u32 $0xF7A, s1;
	s8 =	simm.s32 @!p0 $0x1BF5;
	p2 =	por !p2, p0  }
0x20: {  	[sflag:s8] =	ssyncset.s32 @!p0 $0xFFFFF086;
	s6 =	sadd.s32 @!p0 s3, s7;
	s7 =	simm.s32 @!p0 $0x108  }
0x21: {  	s3 =	sadd.s32 s3, s9;
	s6 =	sadd.s32 @!p0 $0x88, s6;
	s7 =	simm.s32 @p2 $0x1082  }
0x22: {  	[simem:s7], [sflag:s8] =	dma.local @!p0 [hbm:s6], $0xF7A  }
0x23: {  	s9 =	sor.u32 $0xD0000000, s2;
	s6 =	simm.s32 $0x108;
	_ =	swait.ge @!p0 [sflag:s8], $0x0  }
0x24: {  	s3 =	sadd.s32 $0x88, s3;
	s6 =	simm.s32 @!p1 $0x1082;
	[sflag:s4] =	ssyncset.s32 $0xFFFFF086  }
0x25: {  	[simem:s6], [sflag:s4] =	dma.local [hbm:s3], $0xF7A  }
0x26: {  	[smem:$0x3F90] =	sst s1;
	(tag) =	ssettag s2;
	_ =	strace s9  }
0x27: {  	s1 =	sld [smem:$0x3FA0]  }
0x28: {  	s2 =	sld [smem:$0x3FA1]  }
0x29: {  	s4 =	sld [smem:$0x3FA3]  }
0x2a: {  	p0 =	seq.s32 s5, $0x0;
	s5 =	sld [smem:$0x3FA4]  }
0x2b: {  	s6 =	sld [smem:$0x3FA5]  }
0x2c: {  	s7 =	sld [smem:$0x3FA6]  }
0x2d: {  	s3 =	simm.s32 $0x108;
	s8 =	sld [smem:$0x3FA7]  }
0x2e: {  	s3 =	simm.s32 @!p0 $0x1082;
	s9 =	sld [smem:$0x3FA8]  }
0x2f: {  	lr =	sadd.s32 s0, s3;
	s0 =	sld [smem:$0x3F9F]  }
0x30: {  	s3 =	sld [smem:$0x3FA2]  }
0x31: {  	[smem:$0x3FAB] =	sst s10  }
0x32: {  	s10 =	sld [smem:$0x3FA9];
	_ =	sdelay $0x3  }
0x33: {  	p0 =	seq.s32 s10, $0x1;
	s10 =	sld [smem:$0x3FAB];
	_ =	sdelay $0x3  }
0x34: {  	[smem:$0x3FAB] =	sst s10  }
0x35: {  	s10 =	sld [smem:$0x3FAA];
	_ =	sdelay $0x3  }
0x36: {  	p1 =	seq.s32 s10, $0x1;
	s10 =	sld [smem:$0x3FAB];
	_ =	sdelay $0x3  }
0x37: {  	[smem:$0x3FAB] =	sst s10  }
0x38: {  	s10 =	sld [smem:$0x3FAC]  }
0x39: {  	_ = 	snop;
	(pc) =	sbr.ind lr, $3  }
0x3a: {  	_ = 	snop  }
0x3b: {  	_ = 	snop  }
0x3c: {  	p2 =	seq.s32 s10, $0x1;
	s10 =	sld [smem:$0x3FAB]  }
0x3d: {  	_ =	shalt  }
0x3e: {  	_ =	shalt  }
0x3f: {  	_ =	shalt  }
0x40: {  	_ =	shalt  }
0x41: {  	_ =	shalt  }
0x42: {  	_ =	shalt  }
0x43: {  	_ =	shalt  }
0x44: {  	_ =	shalt  }
0x45: {  	_ =	shalt  }
0x46: {  	_ =	shalt  }
0x47: {  	_ =	shalt  }
0x48: {  	_ =	shalt  }
0x49: {  	_ =	shalt  }
0x4a: {  	_ =	shalt  }
0x4b: {  	_ =	shalt  }
0x4c: {  	_ =	shalt  }
0x4d: {  	_ =	shalt  }
0x4e: {  	_ =	shalt  }
0x4f: {  	_ =	shalt  }
0x50: {  	_ =	shalt  }
0x51: {  	_ =	shalt  }
0x52: {  	_ =	shalt  }
0x53: {  	_ =	shalt  }
0x54: {  	_ =	shalt  }
0x55: {  	_ =	shalt  }
0x56: {  	_ =	shalt  }
0x57: {  	_ =	shalt  }
0x58: {  	_ =	shalt  }
0x59: {  	_ =	shalt  }
0x5a: {  	_ =	shalt  }
0x5b: {  	_ =	shalt  }
0x5c: {  	_ =	shalt  }
0x5d: {  	_ =	shalt  }
0x5e: {  	_ =	shalt  }
0x5f: {  	_ =	shalt  }
0x60: {  	_ =	shalt  }
0x61: {  	_ =	shalt  }
0x62: {  	_ =	shalt  }
0x63: {  	_ =	shalt  }
0x64: {  	_ =	shalt  }
0x65: {  	_ =	shalt  }
0x66: {  	_ =	shalt  }
0x67: {  	_ =	shalt  }
0x68: {  	_ =	shalt  }
0x69: {  	_ =	shalt  }
0x6a: {  	_ =	shalt  }
0x6b: {  	_ =	shalt  }
0x6c: {  	_ =	shalt  }
0x6d: {  	_ =	shalt  }
0x6e: {  	_ =	shalt  }
0x6f: {  	_ =	shalt  }
0x70: {  	_ =	shalt  }
0x71: {  	_ =	shalt  }
0x72: {  	_ =	shalt  }
0x73: {  	_ =	shalt  }
0x74: {  	_ =	shalt  }
0x75: {  	_ =	shalt  }
0x76: {  	_ =	shalt  }
0x77: {  	_ =	shalt  }
0x78: {  	_ =	shalt  }
0x79: {  	_ =	shalt  }
0x7a: {  	_ =	shalt  }
0x7b: {  	_ =	shalt  }
0x7c: {  	_ =	shalt  }
0x7d: {  	_ =	shalt  }
0x7e: {  	_ =	shalt  }
0x7f: {  	_ =	shalt  }
0x80: {  	_ =	shalt  }
0x81: {  	_ =	shalt  }
0x82: {  	_ =	shalt  }
0x83: {  	_ =	shalt  }
0x84: {  	_ =	shalt  }
0x85: {  	_ =	shalt  }
0x86: {  	_ =	shalt  }
0x87: {  	_ =	shalt  }
.Lfunc_end0:
.L_simem_size_0:
called_computation.1_lowered:
.L_overlay_start_0:
0x88: {  	s2 =	sld [smem:$0x3FD9]  }
0x89: {  	s3 =	sld [smem:$0x3FFE];
	_ =	sdelay $0x1  }
0x8a: {  	s1 =	srdreg.scid  }
0x8b: {  	s0 =	sand.u32 $0x1, s1  }
0x8c: {  	s16 =	sshll.u32 s0, $0xA;
	s2 =	sadd.s32 s3, s2  }
0x8d: {  	s2 =	sadd.s32 s2, s16  }
0x8e: {  	[smem:$0x3FB7] =	sst s2  }
0x8f: {  	_ = 	snop  }
0x90: {  	(tm) =	ssettm $0x1  }
0x91: {  	s17 =	sld [smem:$0x3FFB];
	_ =	sdelay $0x3  }
0x92: {  	_ =	strace s17  }
0x93: {  	s2 =	sld [smem:$0x3FFC];
	_ =	sdelay $0x3  }
0x94: {  	_ =	strace s2  }
0x95: {  	s2 =	sld [smem:$0x3FFD];
	_ =	sdelay $0x3  }
0x96: {  	_ =	strace s2  }
0x97: {  	_ =	strace $0x8FFFFFFF  }
0x98: {  	s18 =	sld [smem:$0x3FDB];
	_ =	sdelay $0x1  }
0x99: {  	s19 =	simm.s32 $_scs_section_size  }
0x9a: {  	s4 =	simm.s32 $_size__tile_overlayer_lowered;
	s5 =	simm.s32 $_tile_overlayer_lowered  }
0x9b: {  	s22 =	simm.s32 $0x1BFF;
	s21 =	sshll.u32 s5, $0x1;
	s2 =	sadd.s32 s19, s18  }
0x9c: {  	s6 =	simm.s32 $0x0;
	s20 =	sshll.u32 s4, $0x1;
	s4 =	sadd.s32 s21, s2  }
0x9d: {  	[timem:s6], [sflag:s22] =	dma.local [hbm:s4], s20  }
0x9e: {  	_ =	swait.ge [sflag:s22], s20  }
0x9f: {  	s3 =	ssub.s32 $0x0, s20;
	[sflag:s22] =	ssyncset.done $0x0  }
0xa0: {  	[sflag:s22] =	ssyncadd.s32 s3;
	_ =	sdelay $0x1  }
0xa1: {  	s23 =	simm.s32 $0x1B8B  }
0xa2: {  	_ =	swait.ge [sflag:s23], $0x1  }
0xa3: {  	[sflag:s23] =	ssyncset.done $0x0  }
0xa4: {  	s25 =	simm.s32 $0x1B8E;
	s24 =	sld [smem:$0x3FFE];
	[sflag:s23] =	ssyncadd.s32 $0xFFFFFFFF  }
0xa5: {  	s26 =	simm.s32 $execute0_lowered;
	[smem:$0x3FD2] =	sst s25  }
0xa6: {  	s4 =	sshll.u32 s26, $0x1;
	_ =	strace $0x80000046;
	[dreg:$0x1] =	wrdreg $0xFFFFFFFF  }
0xa7: {  	s28 =	simm.s32 $_size_execute0_lowered;
	s2 =	sadd.s32 s2, s4;
	[dreg:$0x0] =	wrdreg $0x0  }
0xa8: {  	s4 =	sshll.u32 s28, $0x1;
	[dreg:$0x2] =	wrdreg s2  }
0xa9: {  	[dreg:$0x3] =	wrdreg s4  }
0xaa: {  	[dreg:$0x4] =	wrdreg $0xC0  }
0xab: {  	_ =	task [dreg:s6], $0x5FFFF  }
0xac: {  	[dreg:$0x1] =	wrdreg $0xFFFFFFFF  }
0xad: {  	[dreg:$0x0] =	wrdreg $0x60  }
0xae: {  	[dreg:$0x2] =	wrdreg s24  }
0xaf: {  	[dreg:$0x3] =	wrdreg $0xA  }
0xb0: {  	_ =	task.clear_ibuf [dreg:s6], $0x4FFFF;
	_ =	strace $0x90000046  }
0xb1: {  	s29 =	simm.s32 $0xA;
	_ =	strace $0x80000048  }
0xb2: {  	_ =	swait.ge [sflag:s29], $0x1  }
0xb3: {  	[sflag:s29] =	ssyncadd.s32 $0xFFFFFFFF  }
0xb4: {  	_ =	strace $0x90000048  }
0xb5: {  	_ =	sfence  }
0xb6: {  	s30 =	sld [smem:$0x0];
	_ =	sdelay $0x2  }
0xb7: {  	s31 =	sshll.u32 s1, $0xD;
	s1 =	sshrl.u32 s1, $0x2  }
0xb8: {  	s3 =	sand.u32 $0x4000, s31;
	s1 =	sadd.s32 s1, s30  }
0xb9: {  	s0 =	sor.u32 s3, s0;
	s1 =	sshll.u32 s1, $0x11  }
0xba: {  	s0 =	sor.u32 s1, s0  }
0xbb: {  	s0 =	sadd.s32 $0x8F2B, s0  }
0xbc: {  	[sflag:s0] =	ssyncadd.remote.s32 $0x1  }
0xbd: {  	_ =	sfence.sel $0xFFFF  }
0xbe: {  	[dreg:$0x0] =	wrdreg $0xFFFFFFFF;
	(pc) =	sbr.abs _section_cstart, $3  }
0xbf: {  	[dreg:$0x1] =	wrdreg $0xFFFFFFFF  }
0xc0: {  	_ =	task.clear_ibuf [dreg:s6], $0x2FFFF;
	_ =	strace $0x9FFFFFFF  }
0xc1: {  	(tm) =	ssettm $0x7FFFFFFF  }
tec
execute0_lowered:
.L_overlay_start_1:
0x0: {  	(tag) =	ssettag $0x1  }
0x1: {  	s10 =	rddreg [dreg:$0x0]  }
0x2: {  	s0 =	rddreg [dreg:$0x1];
	s1 =	simm.s32 $0x0  }
0x3: {  	s6 =	srdreg.scid;
	s14 =	simm.s32 $0x186A0;
	s15 =	simm.s32 $0x19FA0  }
0x4: {  	s16 =	simm.s32 $0x1B8A0;
	s17 =	simm.s32 $0xC350;
	s18 =	simm.s32 $0x1D1A0  }
0x5: {  	s19 =	simm.s32 $0x0;
	[smem:$0x7FF] =	sst s1;
	s2 =	sadd.s32 $0x7800, s10  }
0x6: {  	s3 =	sadd.s32 $0x5E00, s10;
	s4 =	sadd.s32 $0x4400, s10;
	s5 =	sadd.s32 $0x15A00, s10  }
.Ltmp0:
0x7: {  	s12 =	sand.u32 $0x1, s6;
	s7 =	sadd.s32 $0x9200, s10;
	(pc) =	sbr.rel .LBB2_1-.Ltmp0, $4  }
0x8: {  	s8 =	sadd.s32 $0x22200, s10;
	s9 =	sadd.s32 $0x2EA00, s10;
	s11 =	ssub.s32 $0x2, s12  }
0x9: {  	s6 =	stileid.u32;
	s10 =	sadd.s32 $0x3B200, s10;
	s13 =	sshrl.u32 s11, $0x1  }
0xa: {  	_ =	strace $0x80000047;
	p0 =	seq.s32 s12, $0x1;
	s13 =	ssub.s32 s11, s13  }
0xb: {  	s11 =	smul.u32 $0x6400, s6;
	s12 =	smax.u32 s13, $0x1;
	s13 =	simm.s32 $0x1  }
.LBB2_10:
0xc: {  	s19 =	sadd.s32 $0x1, s19  }
0xd: {  	p1 =	sne.s32 s19, s12  }
.Ltmp1:
0xe: {  	_ = 	snop;
	(pc) =	sbr.rel @!p1 .LBB2_11-.Ltmp1, $1  }
0xf: {  	_ =	sdelay $0x3  }
.LBB2_1:
.Ltmp2:
0x10: {  	(pc) =	sbr.rel @!p0 .LBB2_2-.Ltmp2, $2  }
0x11: {  	_ =	sdelay $0x2  }
0x12: {  	s20 =	simm.s32 $0x0  }
0x13: {  	[tilespmem:s20], [sflag:$0x1] =	stream.linear.gather [hbm4b:s4+s20], $0xC350, $0x38;
	[tilespmem:$0x1EAA0] =	vst v63  }
0x14: {  	_ =	swait.ge [sflag:s13], $0xC350  }
0x15: {  	[sflag:s13] =	ssyncset.done $0x0  }
0x16: {  	s21 =	simm.s32 $0x0;
	[sflag:s13] =	ssyncadd.s32 $0xFFFF3CB0  }
.LBB2_7:
0x17: {  	s22 =	smul.u32 $0x1900, s21;
	_ =	sdelay $0x1  }
0x18: {  	s22 =	sadd.s32 s11, s22  }
0x19: {  	s22 =	sshrl.u32 s22, $0x3  }
0x1a: {  	s23 =	sadd.s32 s5, s22  }
0x1b: {  	[tilespmem:s14], [sflag:$0x1] =	stream.linear.gather [hbm4b:s23+s20], $0x1900, $0x38;
	[tilespmem:$0x1EAA0] =	vst v63  }
0x1c: {  	_ =	swait.ge [sflag:s13], $0x1900  }
0x1d: {  	[sflag:s13] =	ssyncset.done $0x0  }
0x1e: {  	s31 =	sadd.s32 s7, s22;
	[sflag:s13] =	ssyncadd.s32 $0xFFFFE700  }
0x1f: {  	[tilespmem:s15], [sflag:$0x1] =	stream.linear.gather [hbm4b:s31+s20], $0x1900, $0x38;
	[tilespmem:$0x1EAA0] =	vst v63  }
0x20: {  	_ =	swait.ge [sflag:s13], $0x1900  }
0x21: {  	[sflag:s13] =	ssyncset.done $0x0  }
0x22: {  	s23 =	simm.s32 $0x0;
	[sflag:s13] =	ssyncadd.s32 $0xFFFFE700  }
0x23: {  	v0 =	vld [tilespmem:s23+$0x186A0]  }
0x24: {  	v1 =	vld [tilespmem:s23+$0x19FA0];
	_ =	sdelay $0x6  }
0x25: {  	v0 =	vld.idx.msk [tilespmem:v0+s1+$0x0], $0xffff  }
0x26: {  	s24 =	simm.s32 $0x10;
	v2 =	vld.idx.msk [tilespmem:v1+s1+$0x0], $0xffff  }
0x27: {  	s25 =	simm.s32 $0x80;
	v1 =	vld [tilespmem:s24+$0x186A0]  }
.LBB2_8:
0x28: {  	p1 =	sne.s32 s25, $0x63C0;
	v3 =	vld [tilespmem:s24+$0x19FA0];
	_ =	sdelay $0x3  }
0x29: {  	v0 =	vsub.f32 v2, v0  }
.Ltmp3:
0x2a: {  	(pc) =	sbr.rel @p1 .LBB2_8-.Ltmp3, $4  }
0x2b: {  	[tilespmem:s23+$0x1B8A0] =	vst v0;
	s23 =	smov.u32 s24  }
0x2c: {  	v0 =	vld.idx.msk [tilespmem:v1+s1+$0x0], $0xffff  }
0x2d: {  	s24 =	sshra.s32 s25, $0x2;
	v2 =	vld.idx.msk [tilespmem:v3+s1+$0x0], $0xffff  }
0x2e: {  	s25 =	sadd.s32 $0x40, s25;
	v1 =	vld [tilespmem:s24+$0x186A0]  }
0x2f: {  	_ = 	snop  }
0x30: {  	v3 =	vld [tilespmem:s24+$0x19FA0];
	_ =	sdelay $0x3  }
0x31: {  	v0 =	vsub.f32 v2, v0;
	_ =	sdelay $0x1  }
0x32: {  	[tilespmem:s23+$0x1B8A0] =	vst v0  }
0x33: {  	v0 =	vld.idx.msk [tilespmem:v1+s1+$0x0], $0xffff  }
0x34: {  	v63 =	vld.idx.msk [tilespmem:v3+s1+$0x0], $0xffff;
	_ =	sdelay $0x4  }
0x35: {  	v0 =	vsub.f32 v63, v0  }
0x36: {  	s21 =	sadd.s32 $0x1, s21  }
0x37: {  	s22 =	sadd.s32 s10, s22;
	p1 =	sne.s32 s21, $0x4;
	[tilespmem:s24+$0x1B8A0] =	vst v0  }
0x38: {  	[hbm4b:s22+s1] =	stream.linear.scatter [tilespmem:s16], [sflag:$0x1], $0x1900, $0x38;
	[tilespmem:$0x1EAA0] =	vst v63  }
.Ltmp4:
0x39: {  	_ = 	snop;
	(pc) =	sbr.rel @p1 .LBB2_7-.Ltmp4, $4  }
.Ltmp5:
0x3a: {  	_ = 	snop;
	(pc) =	sbr.rel @!p1 .LBB2_10-.Ltmp5, $4  }
0x3b: {  	_ =	swait.ge [sflag:s13], $0x1900  }
0x3c: {  	[sflag:s13] =	ssyncset.done $0x0  }
0x3d: {  	[sflag:s13] =	ssyncadd.s32 $0xFFFFE700  }
0x3e: {  	_ = 	snop  }
.LBB2_2:
0x3f: {  	[tilespmem:s20], [sflag:$0x1] =	stream.linear.gather [hbm4b:s2+s20], $0xC350, $0x38;
	[tilespmem:$0x1EAA0] =	vst v63  }
0x40: {  	_ =	swait.ge [sflag:s13], $0xC350  }
0x41: {  	[sflag:s13] =	ssyncset.done $0x0  }
0x42: {  	[sflag:s13] =	ssyncadd.s32 $0xFFFF3CB0  }
0x43: {  	[tilespmem:s17], [sflag:$0x1] =	stream.linear.gather [hbm4b:s3+s20], $0xC350, $0x38;
	[tilespmem:$0x1EAA0] =	vst v63  }
0x44: {  	_ =	swait.ge [sflag:s13], $0xC350  }
0x45: {  	[sflag:s13] =	ssyncset.done $0x0  }
0x46: {  	s21 =	simm.s32 $0x0;
	[sflag:s13] =	ssyncadd.s32 $0xFFFF3CB0  }
.LBB2_3:
0x47: {  	s22 =	smul.u32 $0x1900, s21;
	_ =	sdelay $0x1  }
0x48: {  	s22 =	sadd.s32 s11, s22  }
0x49: {  	s22 =	sshrl.u32 s22, $0x3  }
0x4a: {  	s23 =	sadd.s32 s5, s22  }
0x4b: {  	[tilespmem:s14], [sflag:$0x1] =	stream.linear.gather [hbm4b:s23+s20], $0x1900, $0x38;
	[tilespmem:$0x1EAA0] =	vst v63  }
0x4c: {  	_ =	swait.ge [sflag:s13], $0x1900  }
0x4d: {  	[sflag:s13] =	ssyncset.done $0x0  }
0x4e: {  	s31 =	sadd.s32 s7, s22;
	[sflag:s13] =	ssyncadd.s32 $0xFFFFE700  }
0x4f: {  	[tilespmem:s15], [sflag:$0x1] =	stream.linear.gather [hbm4b:s31+s20], $0x1900, $0x38;
	[tilespmem:$0x1EAA0] =	vst v63  }
0x50: {  	_ =	swait.ge [sflag:s13], $0x1900  }
0x51: {  	[sflag:s13] =	ssyncset.done $0x0  }
0x52: {  	s23 =	simm.s32 $0x0;
	[sflag:s13] =	ssyncadd.s32 $0xFFFFE700  }
0x53: {  	v0 =	vld [tilespmem:s23+$0x186A0]  }
0x54: {  	v1 =	vld [tilespmem:s23+$0x19FA0];
	_ =	sdelay $0x6  }
0x55: {  	v2 =	vld.idx.msk [tilespmem:v0+s1+$0x0], $0xffff  }
0x56: {  	v3 =	vld.idx.msk [tilespmem:v1+s1+$0x0], $0xffff;
	_ =	sdelay $0x4  }
0x57: {  	v2 =	vsub.f32 v3, v2;
	_ =	sdelay $0x1  }
0x58: {  	[tilespmem:s23+$0x1B8A0] =	vst v2  }
0x59: {  	v2 =	vld.idx.msk [tilespmem:v1+s17+$0x0], $0xffff  }
0x5a: {  	s25 =	simm.s32 $0x10;
	v3 =	vld.idx.msk [tilespmem:v0+s17+$0x0], $0xffff  }
0x5b: {  	v0 =	vld [tilespmem:s25+$0x186A0]  }
0x5c: {  	s24 =	simm.s32 $0x80;
	v1 =	vld [tilespmem:s25+$0x19FA0]  }
.LBB2_4:
0x5d: {  	_ =	sdelay $0x2  }
0x5e: {  	p1 =	sne.s32 s24, $0x63C0;
	s26 =	smov.u32 s24;
	s24 =	sadd.s32 $0x40, s24;
	v2 =	vsub.f32 v2, v3  }
0x5f: {  	_ = 	snop  }
0x60: {  	[tilespmem:s23+$0x1D1A0] =	vst v2;
	s23 =	smov.u32 s25  }
0x61: {  	v2 =	vld.idx.msk [tilespmem:v0+s1+$0x0], $0xffff  }
0x62: {  	v3 =	vld.idx.msk [tilespmem:v1+s1+$0x0], $0xffff;
	_ =	sdelay $0x5  }
0x63: {  	v2 =	vsub.f32 v3, v2;
	_ =	sdelay $0x1  }
.Ltmp6:
0x64: {  	[tilespmem:s23+$0x1B8A0] =	vst v2;
	(pc) =	sbr.rel @p1 .LBB2_4-.Ltmp6, $4  }
0x65: {  	v2 =	vld.idx.msk [tilespmem:v1+s17+$0x0], $0xffff  }
0x66: {  	s25 =	sshra.s32 s26, $0x2;
	v3 =	vld.idx.msk [tilespmem:v0+s17+$0x0], $0xffff  }
0x67: {  	v0 =	vld [tilespmem:s25+$0x186A0]  }
0x68: {  	v1 =	vld [tilespmem:s25+$0x19FA0]  }
0x69: {  	_ =	sdelay $0x3  }
0x6a: {  	v2 =	vsub.f32 v2, v3;
	_ =	sdelay $0x1  }
0x6b: {  	[tilespmem:s23+$0x1D1A0] =	vst v2  }
0x6c: {  	v2 =	vld.idx.msk [tilespmem:v0+s1+$0x0], $0xffff  }
0x6d: {  	v61 =	vld.idx.msk [tilespmem:v1+s1+$0x0], $0xffff;
	_ =	sdelay $0x4  }
0x6e: {  	v2 =	vsub.f32 v61, v2;
	_ =	sdelay $0x1  }
0x6f: {  	[tilespmem:s25+$0x1B8A0] =	vst v2  }
0x70: {  	v62 =	vld.idx.msk [tilespmem:v1+s17+$0x0], $0xffff  }
0x71: {  	v63 =	vld.idx.msk [tilespmem:v0+s17+$0x0], $0xffff;
	_ =	sdelay $0x4  }
0x72: {  	v0 =	vsub.f32 v62, v63;
	_ =	sdelay $0x1  }
0x73: {  	s30 =	sadd.s32 s8, s22;
	[tilespmem:s25+$0x1D1A0] =	vst v0  }
0x74: {  	[hbm4b:s30+s1] =	stream.linear.scatter [tilespmem:s16], [sflag:$0x1], $0x1900, $0x38;
	[tilespmem:$0x1EAA0] =	vst v63  }
0x75: {  	_ =	swait.ge [sflag:s13], $0x1900  }
0x76: {  	s21 =	sadd.s32 $0x1, s21;
	[sflag:s13] =	ssyncset.done $0x0  }
0x77: {  	s31 =	sadd.s32 s9, s22;
	p1 =	seq.s32 s21, $0x4;
	[sflag:s13] =	ssyncadd.s32 $0xFFFFE700  }
0x78: {  	[hbm4b:s31+s1] =	stream.linear.scatter [tilespmem:s18], [sflag:$0x1], $0x1900, $0x38;
	[tilespmem:$0x1EAA0] =	vst v63  }
.Ltmp7:
0x79: {  	_ = 	snop;
	(pc) =	sbr.rel @!p1 .LBB2_3-.Ltmp7, $4  }
.Ltmp8:
0x7a: {  	_ = 	snop;
	(pc) =	sbr.rel @p1 .LBB2_10-.Ltmp8, $4  }
0x7b: {  	_ =	swait.ge [sflag:s13], $0x1900  }
0x7c: {  	[sflag:s13] =	ssyncset.done $0x0  }
0x7d: {  	[sflag:s13] =	ssyncadd.s32 $0xFFFFE700  }
0x7e: {  	_ = 	snop  }
.LBB2_11:
0x7f: {  	_ =	sfence.sel $0x180000  }
0x80: {  	[bflag:$0x0] =	sbarrier.arrive $0xFFFF  }
0x81: {  	p0 =	sne.s32 s6, $0x0;
	_ =	strace $0x90000047  }
0x82: {  	s0 =	sadd.s32 @!p0 $0x100000, s0;
	[bflag:$0x2] =	sbarrier.arrive $0xFFFF  }
0x83: {  	[sflag:s0] =	ssyncadd.tile.s32 @!p0 $0x1;
	_ =	shalt  }
.Lfunc_end2:
_tile_overlayer_lowered:
.L_overlay_start_2:
0x84: {  	(tag) =	ssettag $0x2  }
0x85: {  	s0 =	rddreg [dreg:$0x0];
	s2 =	stileid.u32  }
0x86: {  	s1 =	rddreg [dreg:$0x1];
	p0 =	sne.s32 s2, $0x0  }
0x87: {  	s3 =	rddreg [dreg:$0x2];
	[bflag:$0x3] =	sbarrier.arrive $0xFFFF;
	s2 =	simm.s32 @!p0 $0x1C01  }
0x88: {  	[timem:s3], [sflag:s2] =	dma.local @!p0 [hbm:s0], s1  }
0x89: {  	s0 =	simm.s32 @!p0 $0x1  }
0x8a: {  	_ =	swait.ge @!p0 [sflag:s0], s1  }
0x8b: {  	s1 =	ssub.s32 @!p0 $0x0, s1;
	[sflag:s0] =	ssyncset.done @!p0 $0x0  }
0x8c: {  	[sflag:s0] =	ssyncadd.s32 @!p0 s1  }
0x8d: {  	[bflag:$0x3] =	sbarrier.arrive $0xFFFF  }
0x8e: {  	_ =	shalt  }

// kernel: kernel.15.cloned.1.call-start
scs
__scs_entry_jumppad:
0x0: {  	(pc) =	sbr.rel $0x88, $3  }
0x1: {  	(tag) =	ssettag $0x0;
	lr =	simm.s32 $0x1  }
0x2: {  	[smem:$0x3F90] =	sst lr;
	_ =	strace $0xD0000000  }
0x3: {  	_ = 	snop  }
0x4: {  	_ = 	snop  }
0x5: {  	_ = 	snop  }
0x6: {  	_ = 	snop  }
0x7: {  	_ = 	snop  }
__scs_overlays_trampoline_lowered:
0x8: {  	[smem:$0x3F9F] =	sst s0  }
0x9: {  	[smem:$0x3FA0] =	sst s1  }
0xa: {  	[smem:$0x3FA1] =	sst s2  }
0xb: {  	[smem:$0x3FA2] =	sst s3  }
0xc: {  	[smem:$0x3FA3] =	sst s4  }
0xd: {  	[smem:$0x3FA4] =	sst s5  }
0xe: {  	[smem:$0x3FA5] =	sst s6  }
0xf: {  	[smem:$0x3FA6] =	sst s7  }
0x10: {  	[smem:$0x3FA7] =	sst s8  }
0x11: {  	[smem:$0x3FA8] =	sst s9;
	s0 =	simm.s32 @!p0 $0x0  }
0x12: {  	s1 =	sld [smem:$0x3F8E];
	s0 =	simm.s32 @p0 $0x1  }
0x13: {  	[smem:$0x3FA9] =	sst s0;
	s0 =	simm.s32 @!p1 $0x0  }
0x14: {  	s2 =	sld [smem:$0x3F8D];
	s0 =	simm.s32 @p1 $0x1  }
0x15: {  	[smem:$0x3FAA] =	sst s0;
	s0 =	simm.s32 @!p2 $0x0  }
0x16: {  	s3 =	sld [smem:$0x3FDB];
	s0 =	simm.s32 @p2 $0x1  }
0x17: {  	s4 =	simm.s32 $0x1BF5;
	[smem:$0x3FAC] =	sst s0  }
0x18: {  	s0 =	sld [smem:$0x3F8F];
	_ =	swait.ge [sflag:s4], $0x0  }
0x19: {  	s7 =	sld [smem:$0x3F90]  }
0x1a: {  	s8 =	sadd.s32 $0xFFFFE003, lr  }
0x1b: {  	s9 =	sadd.s32 $0xFFFFFEF7, lr;
	s5 =	simm.s32 $0xFFFFFFFF;
	p2 =	slt.u32 s8, $0xFFFFF086  }
0x1c: {  	p1 =	slt.u32 s9, $0xF7A;
	s5 =	simm.s32 @!p2 $0x0  }
0x1d: {  	s5 =	simm.s32 @p1 $0x1;
	p0 =	seq.s32 s7, s2  }
0x1e: {  	s7 =	smul.u32 @!p0 $0xF7A, s2;
	p2 =	seq.s32 @!p0 s5, $0x0  }
0x1f: {  	s9 =	smul.u32 $0xF7A, s1;
	s8 =	simm.s32 @!p0 $0x1BF5;
	p2 =	por !p2, p0  }
0x20: {  	[sflag:s8] =	ssyncset.s32 @!p0 $0xFFFFF086;
	s6 =	sadd.s32 @!p0 s3, s7;
	s7 =	simm.s32 @!p0 $0x108  }
0x21: {  	s3 =	sadd.s32 s3, s9;
	s6 =	sadd.s32 @!p0 $0x88, s6;
	s7 =	simm.s32 @p2 $0x1082  }
0x22: {  	[simem:s7], [sflag:s8] =	dma.local @!p0 [hbm:s6], $0xF7A  }
0x23: {  	s9 =	sor.u32 $0xD0000000, s2;
	s6 =	simm.s32 $0x108;
	_ =	swait.ge @!p0 [sflag:s8], $0x0  }
0x24: {  	s3 =	sadd.s32 $0x88, s3;
	s6 =	simm.s32 @!p1 $0x1082;
	[sflag:s4] =	ssyncset.s32 $0xFFFFF086  }
0x25: {  	[simem:s6], [sflag:s4] =	dma.local [hbm:s3], $0xF7A  }
0x26: {  	[smem:$0x3F90] =	sst s1;
	(tag) =	ssettag s2;
	_ =	strace s9  }
0x27: {  	s1 =	sld [smem:$0x3FA0]  }
0x28: {  	s2 =	sld [smem:$0x3FA1]  }
0x29: {  	s4 =	sld [smem:$0x3FA3]  }
0x2a: {  	p0 =	seq.s32 s5, $0x0;
	s5 =	sld [smem:$0x3FA4]  }
0x2b: {  	s6 =	sld [smem:$0x3FA5]  }
0x2c: {  	s7 =	sld [smem:$0x3FA6]  }
0x2d: {  	s3 =	simm.s32 $0x108;
	s8 =	sld [smem:$0x3FA7]  }
0x2e: {  	s3 =	simm.s32 @!p0 $0x1082;
	s9 =	sld [smem:$0x3FA8]  }
0x2f: {  	lr =	sadd.s32 s0, s3;
	s0 =	sld [smem:$0x3F9F]  }
0x30: {  	s3 =	sld [smem:$0x3FA2]  }
0x31: {  	[smem:$0x3FAB] =	sst s10  }
0x32: {  	s10 =	sld [smem:$0x3FA9];
	_ =	sdelay $0x3  }
0x33: {  	p0 =	seq.s32 s10, $0x1;
	s10 =	sld [smem:$0x3FAB];
	_ =	sdelay $0x3  }
0x34: {  	[smem:$0x3FAB] =	sst s10  }
0x35: {  	s10 =	sld [smem:$0x3FAA];
	_ =	sdelay $0x3  }
0x36: {  	p1 =	seq.s32 s10, $0x1;
	s10 =	sld [smem:$0x3FAB];
	_ =	sdelay $0x3  }
0x37: {  	[smem:$0x3FAB] =	sst s10  }
0x38: {  	s10 =	sld [smem:$0x3FAC]  }
0x39: {  	_ = 	snop;
	(pc) =	sbr.ind lr, $3  }
0x3a: {  	_ = 	snop  }
0x3b: {  	_ = 	snop  }
0x3c: {  	p2 =	seq.s32 s10, $0x1;
	s10 =	sld [smem:$0x3FAB]  }
0x3d: {  	_ =	shalt  }
0x3e: {  	_ =	shalt  }
0x3f: {  	_ =	shalt  }
0x40: {  	_ =	shalt  }
0x41: {  	_ =	shalt  }
0x42: {  	_ =	shalt  }
0x43: {  	_ =	shalt  }
0x44: {  	_ =	shalt  }
0x45: {  	_ =	shalt  }
0x46: {  	_ =	shalt  }
0x47: {  	_ =	shalt  }
0x48: {  	_ =	shalt  }
0x49: {  	_ =	shalt  }
0x4a: {  	_ =	shalt  }
0x4b: {  	_ =	shalt  }
0x4c: {  	_ =	shalt  }
0x4d: {  	_ =	shalt  }
0x4e: {  	_ =	shalt  }
0x4f: {  	_ =	shalt  }
0x50: {  	_ =	shalt  }
0x51: {  	_ =	shalt  }
0x52: {  	_ =	shalt  }
0x53: {  	_ =	shalt  }
0x54: {  	_ =	shalt  }
0x55: {  	_ =	shalt  }
0x56: {  	_ =	shalt  }
0x57: {  	_ =	shalt  }
0x58: {  	_ =	shalt  }
0x59: {  	_ =	shalt  }
0x5a: {  	_ =	shalt  }
0x5b: {  	_ =	shalt  }
0x5c: {  	_ =	shalt  }
0x5d: {  	_ =	shalt  }
0x5e: {  	_ =	shalt  }
0x5f: {  	_ =	shalt  }
0x60: {  	_ =	shalt  }
0x61: {  	_ =	shalt  }
0x62: {  	_ =	shalt  }
0x63: {  	_ =	shalt  }
0x64: {  	_ =	shalt  }
0x65: {  	_ =	shalt  }
0x66: {  	_ =	shalt  }
0x67: {  	_ =	shalt  }
0x68: {  	_ =	shalt  }
0x69: {  	_ =	shalt  }
0x6a: {  	_ =	shalt  }
0x6b: {  	_ =	shalt  }
0x6c: {  	_ =	shalt  }
0x6d: {  	_ =	shalt  }
0x6e: {  	_ =	shalt  }
0x6f: {  	_ =	shalt  }
0x70: {  	_ =	shalt  }
0x71: {  	_ =	shalt  }
0x72: {  	_ =	shalt  }
0x73: {  	_ =	shalt  }
0x74: {  	_ =	shalt  }
0x75: {  	_ =	shalt  }
0x76: {  	_ =	shalt  }
0x77: {  	_ =	shalt  }
0x78: {  	_ =	shalt  }
0x79: {  	_ =	shalt  }
0x7a: {  	_ =	shalt  }
0x7b: {  	_ =	shalt  }
0x7c: {  	_ =	shalt  }
0x7d: {  	_ =	shalt  }
0x7e: {  	_ =	shalt  }
0x7f: {  	_ =	shalt  }
0x80: {  	_ =	shalt  }
0x81: {  	_ =	shalt  }
0x82: {  	_ =	shalt  }
0x83: {  	_ =	shalt  }
0x84: {  	_ =	shalt  }
0x85: {  	_ =	shalt  }
0x86: {  	_ =	shalt  }
0x87: {  	_ =	shalt  }
.Lfunc_end0:
.L_simem_size_0:
called_computation.2_lowered:
.L_overlay_start_0:
0x88: {  	s2 =	sld [smem:$0x3FD9]  }
0x89: {  	s3 =	sld [smem:$0x3FFE];
	_ =	sdelay $0x1  }
0x8a: {  	s1 =	srdreg.scid  }
0x8b: {  	s0 =	sand.u32 $0x1, s1  }
0x8c: {  	s17 =	sshll.u32 s0, $0xA;
	s2 =	sadd.s32 s3, s2  }
0x8d: {  	s2 =	sadd.s32 s2, s17  }
0x8e: {  	[smem:$0x3FB7] =	sst s2  }
0x8f: {  	_ = 	snop  }
0x90: {  	s18 =	sld [smem:$0x3FD0];
	(tm) =	ssettm $0x1  }
0x91: {  	s19 =	sld [smem:$0x3FFB];
	_ =	sdelay $0x3  }
0x92: {  	_ =	strace s19  }
0x93: {  	s2 =	sld [smem:$0x3FFC];
	_ =	sdelay $0x3  }
0x94: {  	_ =	strace s2  }
0x95: {  	s2 =	sld [smem:$0x3FFD];
	_ =	sdelay $0x3  }
0x96: {  	_ =	strace s2  }
0x97: {  	_ =	strace $0x8FFFFFFF  }
0x98: {  	s20 =	sld [smem:$0x3FDB];
	_ =	sdelay $0x1  }
0x99: {  	s4 =	simm.s32 $_scs_section_size  }
0x9a: {  	s5 =	simm.s32 $_size__tile_overlayer_lowered;
	s6 =	simm.s32 $_tile_overlayer_lowered  }
0x9b: {  	s7 =	simm.s32 $0x1BFF;
	s21 =	sshll.u32 s6, $0x1;
	s4 =	sadd.s32 s4, s20  }
0x9c: {  	s22 =	simm.s32 $0x0;
	s5 =	sshll.u32 s5, $0x1;
	s6 =	sadd.s32 s21, s4  }
0x9d: {  	[timem:s22], [sflag:s7] =	dma.local [hbm:s6], s5  }
0x9e: {  	_ =	swait.ge [sflag:s7], s5  }
0x9f: {  	s5 =	ssub.s32 $0x0, s5;
	[sflag:s7] =	ssyncset.done $0x0  }
0xa0: {  	[sflag:s7] =	ssyncadd.s32 s5;
	_ =	sdelay $0x1  }
0xa1: {  	s23 =	simm.s32 $0x1B8B  }
0xa2: {  	_ =	swait.ge [sflag:s23], $0x1  }
0xa3: {  	[sflag:s23] =	ssyncset.done $0x0  }
0xa4: {  	[sflag:s23] =	ssyncadd.s32 $0xFFFFFFFF  }
0xa5: {  	s5 =	sld [smem:$0x0]  }
0xa6: {  	s6 =	sand.u32 $0xFFFFFFFE, s1  }
0xa7: {  	p0 =	sne.s32 s1, s6  }
0xa8: {  	s6 =	sshll.u32 @p0 s6, $0xE  }
0xa9: {  	s6 =	sadd.s32 @p0 $0x11B8D, s6;
	s7 =	sshll.u32 @p0 s5, $0x11  }
0xaa: {  	s6 =	sor.u32 @p0 s7, s6  }
0xab: {  	[sflag:s6] =	ssyncadd.remote.s32 @p0 $0x1;
	_ =	sdelay $0x1  }
0xac: {  	s6 =	simm.s32 @p0 $0x1B8D  }
0xad: {  	_ =	swait.eq @p0 [sflag:s6], $0x1  }
0xae: {  	[sflag:s6] =	ssyncadd.s32 @p0 $0xFFFFFFFF  }
0xaf: {  	s7 =	sshll.u32 @!p0 s1, $0xE  }
0xb0: {  	s7 =	sor.u32 @!p0 $0x4000, s7;
	s6 =	simm.s32 @!p0 $0x1B8D  }
0xb1: {  	s5 =	sshll.u32 @!p0 s5, $0x11;
	s7 =	sadd.s32 @!p0 $0x11B8D, s7;
	_ =	swait.eq @!p0 [sflag:s6], $0x1  }
0xb2: {  	s5 =	sor.u32 @!p0 s5, s7;
	[sflag:s6] =	ssyncadd.s32 @!p0 $0xFFFFFFFF  }
0xb3: {  	s25 =	simm.s32 $0x1B8E;
	s24 =	sld [smem:$0x3FFE];
	[sflag:s5] =	ssyncadd.remote.s32 @!p0 $0x1  }
0xb4: {  	s26 =	simm.s32 $execute0_lowered;
	[smem:$0x3FD2] =	sst s25  }
0xb5: {  	s6 =	sshll.u32 s26, $0x1;
	_ =	strace $0x8000004F;
	[dreg:$0x1] =	wrdreg $0xFFFFFFFF  }
0xb6: {  	s28 =	simm.s32 $_size_execute0_lowered;
	s4 =	sadd.s32 s4, s6;
	[dreg:$0x0] =	wrdreg $0x0  }
0xb7: {  	s6 =	sshll.u32 s28, $0x1;
	[dreg:$0x2] =	wrdreg s4  }
0xb8: {  	[dreg:$0x3] =	wrdreg s6  }
0xb9: {  	[dreg:$0x4] =	wrdreg $0xC0  }
0xba: {  	_ =	task [dreg:s22], $0x5FFFF  }
0xbb: {  	[dreg:$0x1] =	wrdreg $0xFFFFFFFF  }
0xbc: {  	[dreg:$0x0] =	wrdreg $0x60  }
0xbd: {  	[dreg:$0x2] =	wrdreg s24  }
0xbe: {  	[dreg:$0x3] =	wrdreg s18  }
0xbf: {  	[dreg:$0x4] =	wrdreg $0x0  }
0xc0: {  	[dreg:$0x5] =	wrdreg $0x9  }
0xc1: {  	_ =	task.clear_ibuf [dreg:s22], $0x6FFFF;
	_ =	strace $0x9000004F  }
0xc2: {  	s29 =	simm.s32 $0x9;
	_ =	strace $0x80000051  }
0xc3: {  	_ =	swait.ge [sflag:s29], $0x1  }
0xc4: {  	[sflag:s29] =	ssyncadd.s32 $0xFFFFFFFF  }
0xc5: {  	_ =	strace $0x90000051  }
0xc6: {  	_ =	sfence  }
0xc7: {  	s30 =	sld [smem:$0x0];
	_ =	sdelay $0x2  }
0xc8: {  	s31 =	sshll.u32 s1, $0xD;
	s1 =	sshrl.u32 s1, $0x2  }
0xc9: {  	s4 =	sand.u32 $0x4000, s31;
	s1 =	sadd.s32 s1, s30  }
0xca: {  	s0 =	sor.u32 s4, s0;
	s1 =	sshll.u32 s1, $0x11  }
0xcb: {  	s0 =	sor.u32 s1, s0  }
0xcc: {  	s0 =	sadd.s32 $0x8F2B, s0  }
0xcd: {  	[sflag:s0] =	ssyncadd.remote.s32 $0x1  }
0xce: {  	_ =	sfence.sel $0xFFFF  }
0xcf: {  	[dreg:$0x0] =	wrdreg $0xFFFFFFFF;
	(pc) =	sbr.abs _section_cstart, $3  }
0xd0: {  	[dreg:$0x1] =	wrdreg $0xFFFFFFFF  }
0xd1: {  	_ =	task.clear_ibuf [dreg:s22], $0x2FFFF;
	_ =	strace $0x9FFFFFFF  }
0xd2: {  	(tm) =	ssettm $0x7FFFFFFF  }
0xd3: {  	_ =	shalt  }
tec
execute0_lowered:
.L_overlay_start_1:
0x0: {  	(tag) =	ssettag $0x1  }
0x1: {  	s0 =	rddreg [dreg:$0x0]  }
0x2: {  	s3 =	rddreg [dreg:$0x1]  }
0x3: {  	s1 =	rddreg [dreg:$0x2];
	s2 =	simm.s32 $0x0  }
0x4: {  	s4 =	srdreg.scid;
	s13 =	stileid.u32;
	s14 =	simm.s32 $0x19200  }
0x5: {  	s16 =	simm.s32 $0x19100;
	s17 =	simm.s32 $0x1B200;
	s18 =	simm.s32 $0x1  }
0x6: {  	s19 =	simm.s32 $0x2;
	s20 =	simm.s32 $0x80;
	s28 =	simm.s32 $0x19180  }
0x7: {  	s29 =	simm.s32 $0x1C200;
	s30 =	simm.s32 $0x0;
	s15 =	smul.u32 $0x19000, s13  }
0x8: {  	[smem:$0x7FF] =	sst s2;
	s7 =	sand.u32 $0x1, s4;
	s10 =	smul.u32 $0x6400, s13  }
0x9: {  	s9 =	sadd.s32 $0x3B200, s0;
	s22 =	sshll.u32 s13, $0x6;
	s13 =	smul.u32 $0xC80, s13  }
0xa: {  	s4 =	smul.u32 $0x190000, s7;
	_ =	strace $0x80000050;
	s21 =	ssub.s32 $0x2, s7  }
0xb: {  	s25 =	smul.u32 $0x32000, s7;
	s24 =	sshrl.u32 s15, $0x3;
	s5 =	sshrl.u32 s21, $0x1  }
0xc: {  	s12 =	sadd.s32 s15, s1;
	s6 =	sshrl.u32 s10, $0x3;
	s10 =	sadd.s32 $0x6300, s10  }
0xd: {  	s8 =	sadd.s32 s4, s0;
	s0 =	sadd.s32 s24, s0;
	s11 =	ssub.s32 s21, s5  }
0xe: {  	s5 =	sor.u32 $0x1C05, s22;
	s23 =	sadd.s32 s9, s6;
	s26 =	sshrl.u32 s10, $0x3  }
0xf: {  	s31 =	sshll.u32 s10, $0x2;
	s10 =	sshrl.u32 s12, $0x3;
	s12 =	simm.s32 $0x19000  }
0x10: {  	s21 =	simm.s32 $0x19080;
	s0 =	sadd.s32 $0x9200, s0;
	[dreg:$0x5] =	wrdreg s23  }
0x11: {  	s22 =	sadd.s32 $0x416A00, s8;
	s7 =	smax.u32 s11, $0x1;
	s8 =	sadd.s32 s9, s26  }
0x12: {  	s9 =	sadd.s32 s13, s9;
	s11 =	simm.s32 $0x5;
	s23 =	simm.s32 $0x1A200  }
0x13: {  	s26 =	simm.s32 $0x4;
	[dreg:$0x4] =	wrdreg s0;
	s0 =	sadd.s32 s3, s25  }
0x14: {  	s9 =	sadd.s32 $0x20, s9;
	s13 =	sadd.s32 s15, s22;
	s15 =	sadd.s32 s22, s15  }
0x15: {  	s22 =	sadd.s32 s22, s31;
	s25 =	simm.s32 $0x3;
	s24 =	sadd.s32 s24, s0  }
.LBB2_1:
0x16: {  	s0 =	rddreg [dreg:$0x4]  }
0x17: {  	[spmem:s10], [sflag:s5] =	dma.local [hbm:s0], $0x3200  }
0x18: {  	_ =	swait.ge [sflag:s11], $0x3200  }
0x19: {  	[sflag:s11] =	ssyncset.done $0x0  }
0x1a: {  	[sflag:s11] =	ssyncadd.s32 $0xFFFFCE00  }
0x1b: {  	[bflag:$0x0] =	sbarrier.arrive $0xFFFF  }
0x1c: {  	s3 =	rddreg [dreg:$0x5]  }
0x1d: {  	[tilespmem:s12], [sflag:$0x1] =	stream.linear.gather [hbm4b:s3+s2], $0x100, $0x38;
	[tilespmem:$0x1D200] =	vst v63  }
0x1e: {  	_ = 	snop  }
0x1f: {  	[tilespmem:s14], [sflag:$0x2] =	stream.linear.gather [hbm4b:s13+s2], $0x2000, $0x38;
	[tilespmem:$0x1D200] =	vst v63  }
0x20: {  	s4 =	sadd.s32 $0x0, s15  }
0x21: {  	[tilespmem:s16], [sflag:$0x3] =	stream.linear.gather [hbm4b:s9+s2], $0x100, $0x38;
	[tilespmem:$0x1D200] =	vst v63  }
0x22: {  	s3 =	sadd.s32 $0x400, s4  }
0x23: {  	[tilespmem:s17], [sflag:$0x4] =	stream.linear.gather [hbm4b:s3+s2], $0x2000, $0x38;
	[tilespmem:$0x1D200] =	vst v63  }
0x24: {  	_ =	swait.ge [sflag:s18], $0x100  }
0x25: {  	[sflag:s18] =	ssyncset.done $0x0  }
0x26: {  	[sflag:s18] =	ssyncadd.s32 $0xFFFFFF00  }
0x27: {  	_ =	swait.ge [sflag:s19], $0x2000  }
0x28: {  	[sflag:s19] =	ssyncset.done $0x0  }
0x29: {  	[sflag:s19] =	ssyncadd.s32 $0xFFFFE000  }
0x2a: {  	[spmem:s1] =	stream.indirect.scatter.add.f32 [tilespmem:s14], [sflag:$0x5], $0x20, s12, s20, $0xb8;
	[tilespmem:$0x1D200] =	vst v63  }
0x2b: {  	_ =	swait.ge [sflag:s11], $0x1000  }
0x2c: {  	[sflag:s11] =	ssyncset.done $0x0  }
0x2d: {  	[sflag:s11] =	ssyncadd.s32 $0xFFFFF000  }
0x2e: {  	[spmem:s1] =	stream.indirect.scatter.add.f32 [tilespmem:s23], [sflag:$0x5], $0x20, s21, s20, $0xb8;
	[tilespmem:$0x1D200] =	vst v63  }
0x2f: {  	_ =	swait.ge [sflag:s11], $0x1000  }
0x30: {  	[sflag:s11] =	ssyncset.done $0x0  }
0x31: {  	s6 =	sadd.s32 $0x20, s9;
	[sflag:s11] =	ssyncadd.s32 $0xFFFFF000  }
0x32: {  	[tilespmem:s12], [sflag:$0x1] =	stream.linear.gather [hbm4b:s6+s2], $0x100, $0x38;
	[tilespmem:$0x1D200] =	vst v63  }
0x33: {  	s0 =	sadd.s32 $0x800, s4  }
0x34: {  	[tilespmem:s14], [sflag:$0x2] =	stream.linear.gather [hbm4b:s0+s2], $0x2000, $0x38;
	[tilespmem:$0x1D200] =	vst v63  }
0x35: {  	_ =	swait.ge [sflag:s25], $0x100  }
0x36: {  	[sflag:s25] =	ssyncset.done $0x0  }
0x37: {  	[sflag:s25] =	ssyncadd.s32 $0xFFFFFF00  }
0x38: {  	_ =	swait.ge [sflag:s26], $0x2000  }
0x39: {  	[sflag:s26] =	ssyncset.done $0x0  }
0x3a: {  	[sflag:s26] =	ssyncadd.s32 $0xFFFFE000  }
0x3b: {  	[spmem:s1] =	stream.indirect.scatter.add.f32 [tilespmem:s17], [sflag:$0x5], $0x20, s16, s20, $0xb8;
	[tilespmem:$0x1D200] =	vst v63  }
0x3c: {  	_ =	swait.ge [sflag:s11], $0x1000  }
0x3d: {  	[sflag:s11] =	ssyncset.done $0x0  }
0x3e: {  	[sflag:s11] =	ssyncadd.s32 $0xFFFFF000  }
0x3f: {  	[spmem:s1] =	stream.indirect.scatter.add.f32 [tilespmem:s29], [sflag:$0x5], $0x20, s28, s20, $0xb8;
	[tilespmem:$0x1D200] =	vst v63  }
0x40: {  	_ =	swait.ge [sflag:s11], $0x1000  }
0x41: {  	s31 =	sadd.s32 $0x40, s9;
	s0 =	simm.s32 $0x800;
	[sflag:s11] =	ssyncset.done $0x0  }
.LBB2_2:
0x42: {  	s3 =	smov.u32 s0  }
0x43: {  	s4 =	sadd.s32 s0, s15;
	[sflag:s11] =	ssyncadd.s32 $0xFFFFF000;
	s3 =	sadd.s32 $0x800, s0  }
0x44: {  	[tilespmem:s16], [sflag:$0x3] =	stream.linear.gather [hbm4b:s31+s2], $0x100, $0x38;
	[tilespmem:$0x1D200] =	vst v63  }
0x45: {  	p0 =	sne.s32 s0, $0x18000;
	s6 =	sadd.s32 $0x400, s4  }
0x46: {  	[tilespmem:s17], [sflag:$0x4] =	stream.linear.gather [hbm4b:s6+s2], $0x2000, $0x38;
	[tilespmem:$0x1D200] =	vst v63  }
0x47: {  	_ =	swait.ge [sflag:s18], $0x100  }
0x48: {  	[sflag:s18] =	ssyncset.done $0x0  }
0x49: {  	[sflag:s18] =	ssyncadd.s32 $0xFFFFFF00  }
0x4a: {  	_ =	swait.ge [sflag:s19], $0x2000  }
0x4b: {  	[sflag:s19] =	ssyncset.done $0x0  }
0x4c: {  	[sflag:s19] =	ssyncadd.s32 $0xFFFFE000  }
0x4d: {  	[spmem:s1] =	stream.indirect.scatter.add.f32 [tilespmem:s14], [sflag:$0x5], $0x20, s12, s20, $0xb8;
	[tilespmem:$0x1D200] =	vst v63  }
0x4e: {  	_ =	swait.ge [sflag:s11], $0x1000  }
0x4f: {  	[sflag:s11] =	ssyncset.done $0x0  }
0x50: {  	[sflag:s11] =	ssyncadd.s32 $0xFFFFF000  }
0x51: {  	[spmem:s1] =	stream.indirect.scatter.add.f32 [tilespmem:s23], [sflag:$0x5], $0x20, s21, s20, $0xb8;
	[tilespmem:$0x1D200] =	vst v63  }
0x52: {  	_ =	swait.ge [sflag:s11], $0x1000  }
0x53: {  	[sflag:s11] =	ssyncset.done $0x0  }
0x54: {  	s0 =	sadd.s32 $0x20, s31;
	[sflag:s11] =	ssyncadd.s32 $0xFFFFF000  }
0x55: {  	[tilespmem:s12], [sflag:$0x1] =	stream.linear.gather [hbm4b:s0+s2], $0x100, $0x38;
	[tilespmem:$0x1D200] =	vst v63  }
0x56: {  	s0 =	sadd.s32 $0x800, s4  }
0x57: {  	[tilespmem:s14], [sflag:$0x2] =	stream.linear.gather [hbm4b:s0+s2], $0x2000, $0x38;
	[tilespmem:$0x1D200] =	vst v63  }
0x58: {  	_ =	swait.ge [sflag:s25], $0x100  }
0x59: {  	[sflag:s25] =	ssyncset.done $0x0  }
0x5a: {  	[sflag:s25] =	ssyncadd.s32 $0xFFFFFF00  }
0x5b: {  	_ =	swait.ge [sflag:s26], $0x2000  }
0x5c: {  	[sflag:s26] =	ssyncset.done $0x0  }
0x5d: {  	[sflag:s26] =	ssyncadd.s32 $0xFFFFE000  }
0x5e: {  	[spmem:s1] =	stream.indirect.scatter.add.f32 [tilespmem:s17], [sflag:$0x5], $0x20, s16, s20, $0xb8;
	[tilespmem:$0x1D200] =	vst v63  }
0x5f: {  	_ =	swait.ge [sflag:s11], $0x1000  }
.Ltmp0:
0x60: {  	[sflag:s11] =	ssyncset.done $0x0;
	(pc) =	sbr.rel @p0 .LBB2_2-.Ltmp0, $4  }
0x61: {  	[sflag:s11] =	ssyncadd.s32 $0xFFFFF000  }
0x62: {  	[spmem:s1] =	stream.indirect.scatter.add.f32 [tilespmem:s29], [sflag:$0x5], $0x20, s28, s20, $0xb8;
	[tilespmem:$0x1D200] =	vst v63  }
0x63: {  	_ =	swait.ge [sflag:s11], $0x1000  }
0x64: {  	s31 =	sadd.s32 $0x40, s31;
	s0 =	smov.u32 s3;
	[sflag:s11] =	ssyncset.done $0x0  }
0x65: {  	[sflag:s11] =	ssyncadd.s32 $0xFFFFF000  }
0x66: {  	[tilespmem:s16], [sflag:$0x3] =	stream.linear.gather [hbm4b:s8+s2], $0x100, $0x38;
	[tilespmem:$0x1D200] =	vst v63  }
0x67: {  	_ = 	snop  }
0x68: {  	[tilespmem:s17], [sflag:$0x4] =	stream.linear.gather [hbm4b:s22+s2], $0x2000, $0x38;
	[tilespmem:$0x1D200] =	vst v63  }
0x69: {  	_ =	swait.ge [sflag:s18], $0x100  }
0x6a: {  	[sflag:s18] =	ssyncset.done $0x0  }
0x6b: {  	[sflag:s18] =	ssyncadd.s32 $0xFFFFFF00  }
0x6c: {  	_ =	swait.ge [sflag:s19], $0x2000  }
0x6d: {  	[sflag:s19] =	ssyncset.done $0x0  }
0x6e: {  	[sflag:s19] =	ssyncadd.s32 $0xFFFFE000  }
0x6f: {  	[spmem:s1] =	stream.indirect.scatter.add.f32 [tilespmem:s14], [sflag:$0x5], $0x20, s12, s20, $0xb8;
	[tilespmem:$0x1D200] =	vst v63  }
0x70: {  	_ =	swait.ge [sflag:s11], $0x1000  }
0x71: {  	[sflag:s11] =	ssyncset.done $0x0  }
0x72: {  	[sflag:s11] =	ssyncadd.s32 $0xFFFFF000  }
0x73: {  	[spmem:s1] =	stream.indirect.scatter.add.f32 [tilespmem:s23], [sflag:$0x5], $0x20, s21, s20, $0xb8;
	[tilespmem:$0x1D200] =	vst v63  }
0x74: {  	_ =	swait.ge [sflag:s11], $0x1000  }
0x75: {  	[sflag:s11] =	ssyncset.done $0x0  }
0x76: {  	[sflag:s11] =	ssyncadd.s32 $0xFFFFF000  }
0x77: {  	_ =	swait.ge [sflag:s25], $0x100  }
0x78: {  	[sflag:s25] =	ssyncset.done $0x0  }
0x79: {  	[sflag:s25] =	ssyncadd.s32 $0xFFFFFF00  }
0x7a: {  	_ =	swait.ge [sflag:s26], $0x2000  }
0x7b: {  	[sflag:s26] =	ssyncset.done $0x0  }
0x7c: {  	[sflag:s26] =	ssyncadd.s32 $0xFFFFE000  }
0x7d: {  	[spmem:s1] =	stream.indirect.scatter.add.f32 [tilespmem:s17], [sflag:$0x5], $0x20, s16, s20, $0xb8;
	[tilespmem:$0x1D200] =	vst v63  }
0x7e: {  	_ =	swait.ge [sflag:s11], $0x1000  }
0x7f: {  	[sflag:s11] =	ssyncset.done $0x0  }
0x80: {  	[sflag:s11] =	ssyncadd.s32 $0xFFFFF000  }
0x81: {  	[spmem:s1] =	stream.indirect.scatter.add.f32 [tilespmem:s29], [sflag:$0x5], $0x20, s28, s20, $0xb8;
	[tilespmem:$0x1D200] =	vst v63  }
0x82: {  	_ =	swait.ge [sflag:s11], $0x1000  }
0x83: {  	s30 =	sadd.s32 $0x1, s30;
	[sflag:s11] =	ssyncset.done $0x0  }
0x84: {  	p0 =	sne.s32 s30, s7;
	[sflag:s11] =	ssyncadd.s32 $0xFFFFF000  }
.Ltmp1:
0x85: {  	[bflag:$0x0] =	sbarrier.arrive $0xFFFF;
	(pc) =	sbr.rel @p0 .LBB2_1-.Ltmp1, $4  }
0x86: {  	[hbm:s24], [sflag:s5] =	dma.local [spmem:s10], $0x3200  }
0x87: {  	_ =	swait.ge [sflag:s11], $0x3200  }
0x88: {  	[sflag:s11] =	ssyncset.done $0x0  }
0x89: {  	[sflag:s11] =	ssyncadd.s32 $0xFFFFCE00  }
0x8a: {  	_ =	sfence.sel $0x180000  }
0x8b: {  	[bflag:$0x0] =	sbarrier.arrive $0xFFFF  }
0x8c: {  	_ =	strace $0x90000050  }
0x8d: {  	s0 =	stileid.u32;
	[bflag:$0x2] =	sbarrier.arrive $0xFFFF  }
0x8e: {  	p0 =	sne.s32 s0, $0x0;
	s0 =	rddreg [dreg:$0x3]  }
0x8f: {  	s0 =	sadd.s32 @!p0 $0x100000, s0  }
0x90: {  	[sflag:s0] =	ssyncadd.tile.s32 @!p0 $0x1;
	_ =	shalt  }
.Lfunc_end2:
_tile_overlayer_lowered:
.L_overlay_start_2:
0x91: {  	(tag) =	ssettag $0x2  }
0x92: {  	s0 =	rddreg [dreg:$0x0];
	s2 =	stileid.u32  }
0x93: {  	s1 =	rddreg [dreg:$0x1];
	p0 =	sne.s32 s2, $0x0  }
0x94: {  	s3 =	rddreg [dreg:$0x2];
	[bflag:$0x3] =	sbarrier.arrive $0xFFFF;
	s2 =	simm.s32 @!p0 $0x1C05  }
0x95: {  	[timem:s3], [sflag:s2] =	dma.local @!p0 [hbm:s0], s1  }
0x96: {  	s0 =	simm.s32 @!p0 $0x5  }
0x97: {  	_ =	swait.ge @!p0 [sflag:s0], s1  }
0x98: {  	s1 =	ssub.s32 @!p0 $0x0, s1;
	[sflag:s0] =	ssyncset.done @!p0 $0x0  }
0x99: {  	[sflag:s0] =	ssyncadd.s32 @!p0 s1  }
0x9a: {  	[bflag:$0x3] =	sbarrier.arrive $0xFFFF  }
0x9b: {  	_ =	shalt  }

// kernel: kernel.18.cloned.1.call-start
scs
__scs_entry_jumppad:
0x0: {  	(pc) =	sbr.rel $0x88, $3  }
0x1: {  	(tag) =	ssettag $0x0;
	lr =	simm.s32 $0x1  }
0x2: {  	[smem:$0x3F90] =	sst lr;
	_ =	strace $0xD0000000  }
0x3: {  	_ = 	snop  }
0x4: {  	_ = 	snop  }
0x5: {  	_ = 	snop  }
0x6: {  	_ = 	snop  }
0x7: {  	_ = 	snop  }
__scs_overlays_trampoline_lowered:
0x8: {  	[smem:$0x3F9F] =	sst s0  }
0x9: {  	[smem:$0x3FA0] =	sst s1  }
0xa: {  	[smem:$0x3FA1] =	sst s2  }
0xb: {  	[smem:$0x3FA2] =	sst s3  }
0xc: {  	[smem:$0x3FA3] =	sst s4  }
0xd: {  	[smem:$0x3FA4] =	sst s5  }
0xe: {  	[smem:$0x3FA5] =	sst s6  }
0xf: {  	[smem:$0x3FA6] =	sst s7  }
0x10: {  	[smem:$0x3FA7] =	sst s8  }
0x11: {  	[smem:$0x3FA8] =	sst s9;
	s0 =	simm.s32 @!p0 $0x0  }
0x12: {  	s1 =	sld [smem:$0x3F8E];
	s0 =	simm.s32 @p0 $0x1  }
0x13: {  	[smem:$0x3FA9] =	sst s0;
	s0 =	simm.s32 @!p1 $0x0  }
0x14: {  	s2 =	sld [smem:$0x3F8D];
	s0 =	simm.s32 @p1 $0x1  }
0x15: {  	[smem:$0x3FAA] =	sst s0;
	s0 =	simm.s32 @!p2 $0x0  }
0x16: {  	s3 =	sld [smem:$0x3FDB];
	s0 =	simm.s32 @p2 $0x1  }
0x17: {  	s4 =	simm.s32 $0x1BF5;
	[smem:$0x3FAC] =	sst s0  }
0x18: {  	s0 =	sld [smem:$0x3F8F];
	_ =	swait.ge [sflag:s4], $0x0  }
0x19: {  	s7 =	sld [smem:$0x3F90]  }
0x1a: {  	s8 =	sadd.s32 $0xFFFFE003, lr  }
0x1b: {  	s9 =	sadd.s32 $0xFFFFFEF7, lr;
	s5 =	simm.s32 $0xFFFFFFFF;
	p2 =	slt.u32 s8, $0xFFFFF086  }
0x1c: {  	p1 =	slt.u32 s9, $0xF7A;
	s5 =	simm.s32 @!p2 $0x0  }
0x1d: {  	s5 =	simm.s32 @p1 $0x1;
	p0 =	seq.s32 s7, s2  }
0x1e: {  	s7 =	smul.u32 @!p0 $0xF7A, s2;
	p2 =	seq.s32 @!p0 s5, $0x0  }
0x1f: {  	s9 =	smul.u32 $0xF7A, s1;
	s8 =	simm.s32 @!p0 $0x1BF5;
	p2 =	por !p2, p0  }
0x20: {  	[sflag:s8] =	ssyncset.s32 @!p0 $0xFFFFF086;
	s6 =	sadd.s32 @!p0 s3, s7;
	s7 =	simm.s32 @!p0 $0x108  }
0x21: {  	s3 =	sadd.s32 s3, s9;
	s6 =	sadd.s32 @!p0 $0x88, s6;
	s7 =	simm.s32 @p2 $0x1082  }
0x22: {  	[simem:s7], [sflag:s8] =	dma.local @!p0 [hbm:s6], $0xF7A  }
0x23: {  	s9 =	sor.u32 $0xD0000000, s2;
	s6 =	simm.s32 $0x108;
	_ =	swait.ge @!p0 [sflag:s8], $0x0  }
0x24: {  	s3 =	sadd.s32 $0x88, s3;
	s6 =	simm.s32 @!p1 $0x1082;
	[sflag:s4] =	ssyncset.s32 $0xFFFFF086  }
0x25: {  	[simem:s6], [sflag:s4] =	dma.local [hbm:s3], $0xF7A  }
0x26: {  	[smem:$0x3F90] =	sst s1;
	(tag) =	ssettag s2;
	_ =	strace s9  }
0x27: {  	s1 =	sld [smem:$0x3FA0]  }
0x28: {  	s2 =	sld [smem:$0x3FA1]  }
0x29: {  	s4 =	sld [smem:$0x3FA3]  }
0x2a: {  	p0 =	seq.s32 s5, $0x0;
	s5 =	sld [smem:$0x3FA4]  }
0x2b: {  	s6 =	sld [smem:$0x3FA5]  }
0x2c: {  	s7 =	sld [smem:$0x3FA6]  }
0x2d: {  	s3 =	simm.s32 $0x108;
	s8 =	sld [smem:$0x3FA7]  }
0x2e: {  	s3 =	simm.s32 @!p0 $0x1082;
	s9 =	sld [smem:$0x3FA8]  }
0x2f: {  	lr =	sadd.s32 s0, s3;
	s0 =	sld [smem:$0x3F9F]  }
0x30: {  	s3 =	sld [smem:$0x3FA2]  }
0x31: {  	[smem:$0x3FAB] =	sst s10  }
0x32: {  	s10 =	sld [smem:$0x3FA9];
	_ =	sdelay $0x3  }
0x33: {  	p0 =	seq.s32 s10, $0x1;
	s10 =	sld [smem:$0x3FAB];
	_ =	sdelay $0x3  }
0x34: {  	[smem:$0x3FAB] =	sst s10  }
0x35: {  	s10 =	sld [smem:$0x3FAA];
	_ =	sdelay $0x3  }
0x36: {  	p1 =	seq.s32 s10, $0x1;
	s10 =	sld [smem:$0x3FAB];
	_ =	sdelay $0x3  }
0x37: {  	[smem:$0x3FAB] =	sst s10  }
0x38: {  	s10 =	sld [smem:$0x3FAC]  }
0x39: {  	_ = 	snop;
	(pc) =	sbr.ind lr, $3  }
0x3a: {  	_ = 	snop  }
0x3b: {  	_ = 	snop  }
0x3c: {  	p2 =	seq.s32 s10, $0x1;
	s10 =	sld [smem:$0x3FAB]  }
0x3d: {  	_ =	shalt  }
0x3e: {  	_ =	shalt  }
0x3f: {  	_ =	shalt  }
0x40: {  	_ =	shalt  }
0x41: {  	_ =	shalt  }
0x42: {  	_ =	shalt  }
0x43: {  	_ =	shalt  }
0x44: {  	_ =	shalt  }
0x45: {  	_ =	shalt  }
0x46: {  	_ =	shalt  }
0x47: {  	_ =	shalt  }
0x48: {  	_ =	shalt  }
0x49: {  	_ =	shalt  }
0x4a: {  	_ =	shalt  }
0x4b: {  	_ =	shalt  }
0x4c: {  	_ =	shalt  }
0x4d: {  	_ =	shalt  }
0x4e: {  	_ =	shalt  }
0x4f: {  	_ =	shalt  }
0x50: {  	_ =	shalt  }
0x51: {  	_ =	shalt  }
0x52: {  	_ =	shalt  }
0x53: {  	_ =	shalt  }
0x54: {  	_ =	shalt  }
0x55: {  	_ =	shalt  }
0x56: {  	_ =	shalt  }
0x57: {  	_ =	shalt  }
0x58: {  	_ =	shalt  }
0x59: {  	_ =	shalt  }
0x5a: {  	_ =	shalt  }
0x5b: {  	_ =	shalt  }
0x5c: {  	_ =	shalt  }
0x5d: {  	_ =	shalt  }
0x5e: {  	_ =	shalt  }
0x5f: {  	_ =	shalt  }
0x60: {  	_ =	shalt  }
0x61: {  	_ =	shalt  }
0x62: {  	_ =	shalt  }
0x63: {  	_ =	shalt  }
0x64: {  	_ =	shalt  }
0x65: {  	_ =	shalt  }
0x66: {  	_ =	shalt  }
0x67: {  	_ =	shalt  }
0x68: {  	_ =	shalt  }
0x69: {  	_ =	shalt  }
0x6a: {  	_ =	shalt  }
0x6b: {  	_ =	shalt  }
0x6c: {  	_ =	shalt  }
0x6d: {  	_ =	shalt  }
0x6e: {  	_ =	shalt  }
0x6f: {  	_ =	shalt  }
0x70: {  	_ =	shalt  }
0x71: {  	_ =	shalt  }
0x72: {  	_ =	shalt  }
0x73: {  	_ =	shalt  }
0x74: {  	_ =	shalt  }
0x75: {  	_ =	shalt  }
0x76: {  	_ =	shalt  }
0x77: {  	_ =	shalt  }
0x78: {  	_ =	shalt  }
0x79: {  	_ =	shalt  }
0x7a: {  	_ =	shalt  }
0x7b: {  	_ =	shalt  }
0x7c: {  	_ =	shalt  }
0x7d: {  	_ =	shalt  }
0x7e: {  	_ =	shalt  }
0x7f: {  	_ =	shalt  }
0x80: {  	_ =	shalt  }
0x81: {  	_ =	shalt  }
0x82: {  	_ =	shalt  }
0x83: {  	_ =	shalt  }
0x84: {  	_ =	shalt  }
0x85: {  	_ =	shalt  }
0x86: {  	_ =	shalt  }
0x87: {  	_ =	shalt  }
.Lfunc_end0:
.L_simem_size_0:
called_computation.3_lowered:
.L_overlay_start_0:
0x88: {  	s2 =	sld [smem:$0x3FD9]  }
0x89: {  	s3 =	sld [smem:$0x3FFE];
	_ =	sdelay $0x1  }
0x8a: {  	s1 =	srdreg.scid  }
0x8b: {  	s0 =	sand.u32 $0x1, s1  }
0x8c: {  	s17 =	sshll.u32 s0, $0xA;
	s2 =	sadd.s32 s3, s2  }
0x8d: {  	s2 =	sadd.s32 s2, s17  }
0x8e: {  	[smem:$0x3FB7] =	sst s2  }
0x8f: {  	_ = 	snop  }
0x90: {  	(tm) =	ssettm $0x1  }
0x91: {  	s18 =	sld [smem:$0x3FFB];
	_ =	sdelay $0x3  }
0x92: {  	_ =	strace s18  }
0x93: {  	s2 =	sld [smem:$0x3FFC];
	_ =	sdelay $0x3  }
0x94: {  	_ =	strace s2  }
0x95: {  	s2 =	sld [smem:$0x3FFD];
	_ =	sdelay $0x3  }
0x96: {  	_ =	strace s2  }
0x97: {  	_ =	strace $0x8FFFFFFF  }
0x98: {  	s19 =	sld [smem:$0x3FDB];
	_ =	sdelay $0x1  }
0x99: {  	s20 =	simm.s32 $_scs_section_size  }
0x9a: {  	s4 =	simm.s32 $_size__tile_overlayer_lowered;
	s5 =	simm.s32 $_tile_overlayer_lowered  }
0x9b: {  	s6 =	simm.s32 $0x1BFF;
	s21 =	sshll.u32 s5, $0x1;
	s3 =	sadd.s32 s20, s19  }
0x9c: {  	s22 =	simm.s32 $0x0;
	s4 =	sshll.u32 s4, $0x1;
	s5 =	sadd.s32 s21, s3  }
0x9d: {  	[timem:s22], [sflag:s6] =	dma.local [hbm:s5], s4  }
0x9e: {  	_ =	swait.ge [sflag:s6], s4  }
0x9f: {  	s4 =	ssub.s32 $0x0, s4;
	[sflag:s6] =	ssyncset.done $0x0  }
0xa0: {  	[sflag:s6] =	ssyncadd.s32 s4;
	_ =	sdelay $0x1  }
0xa1: {  	s23 =	simm.s32 $0x1B8B  }
0xa2: {  	_ =	swait.ge [sflag:s23], $0x1  }
0xa3: {  	[sflag:s23] =	ssyncset.done $0x0  }
0xa4: {  	[sflag:s23] =	ssyncadd.s32 $0xFFFFFFFF  }
0xa5: {  	s4 =	sld [smem:$0x0]  }
0xa6: {  	s5 =	sand.u32 $0xFFFFFFFE, s1  }
0xa7: {  	p0 =	sne.s32 s1, s5  }
0xa8: {  	s5 =	sshll.u32 @p0 s5, $0xE  }
0xa9: {  	s5 =	sadd.s32 @p0 $0x11B8D, s5;
	s6 =	sshll.u32 @p0 s4, $0x11  }
0xaa: {  	s5 =	sor.u32 @p0 s6, s5  }
0xab: {  	[sflag:s5] =	ssyncadd.remote.s32 @p0 $0x1;
	_ =	sdelay $0x1  }
0xac: {  	s5 =	simm.s32 @p0 $0x1B8D  }
0xad: {  	_ =	swait.eq @p0 [sflag:s5], $0x1  }
0xae: {  	[sflag:s5] =	ssyncadd.s32 @p0 $0xFFFFFFFF  }
0xaf: {  	s6 =	sshll.u32 @!p0 s1, $0xE  }
0xb0: {  	s6 =	sor.u32 @!p0 $0x4000, s6;
	s5 =	simm.s32 @!p0 $0x1B8D  }
0xb1: {  	s4 =	sshll.u32 @!p0 s4, $0x11;
	s6 =	sadd.s32 @!p0 $0x11B8D, s6;
	_ =	swait.eq @!p0 [sflag:s5], $0x1  }
0xb2: {  	s4 =	sor.u32 @!p0 s4, s6;
	[sflag:s5] =	ssyncadd.s32 @!p0 $0xFFFFFFFF  }
0xb3: {  	s25 =	simm.s32 $0x1B8E;
	s24 =	sld [smem:$0x3FFE];
	[sflag:s4] =	ssyncadd.remote.s32 @!p0 $0x1  }
0xb4: {  	s26 =	simm.s32 $execute0_lowered;
	[smem:$0x3FD2] =	sst s25  }
0xb5: {  	s5 =	sshll.u32 s26, $0x1;
	_ =	strace $0x8000004C;
	[dreg:$0x1] =	wrdreg $0xFFFFFFFF  }
0xb6: {  	s28 =	simm.s32 $_size_execute0_lowered;
	s3 =	sadd.s32 s3, s5;
	[dreg:$0x0] =	wrdreg $0x0  }
0xb7: {  	s5 =	sshll.u32 s28, $0x1;
	[dreg:$0x2] =	wrdreg s3  }
0xb8: {  	[dreg:$0x3] =	wrdreg s5  }
0xb9: {  	[dreg:$0x4] =	wrdreg $0xC0  }
0xba: {  	_ =	task [dreg:s22], $0x5FFFF  }
0xbb: {  	[dreg:$0x1] =	wrdreg $0xFFFFFFFF  }
0xbc: {  	[dreg:$0x0] =	wrdreg $0x60  }
0xbd: {  	[dreg:$0x2] =	wrdreg s24  }
0xbe: {  	[dreg:$0x3] =	wrdreg $0x0  }
0xbf: {  	[dreg:$0x4] =	wrdreg $0xA  }
0xc0: {  	_ =	task.clear_ibuf [dreg:s22], $0x5FFFF;
	_ =	strace $0x9000004C  }
0xc1: {  	s29 =	simm.s32 $0xA;
	_ =	strace $0x8000004E  }
0xc2: {  	_ =	swait.ge [sflag:s29], $0x1  }
0xc3: {  	[sflag:s29] =	ssyncadd.s32 $0xFFFFFFFF  }
0xc4: {  	_ =	strace $0x9000004E  }
0xc5: {  	_ =	sfence  }
0xc6: {  	s30 =	sld [smem:$0x0];
	_ =	sdelay $0x2  }
0xc7: {  	s31 =	sshll.u32 s1, $0xD;
	s1 =	sshrl.u32 s1, $0x2  }
0xc8: {  	s4 =	sand.u32 $0x4000, s31;
	s1 =	sadd.s32 s1, s30  }
0xc9: {  	s0 =	sor.u32 s4, s0;
	s1 =	sshll.u32 s1, $0x11  }
0xca: {  	s0 =	sor.u32 s1, s0  }
0xcb: {  	s0 =	sadd.s32 $0x8F2B, s0  }
0xcc: {  	[sflag:s0] =	ssyncadd.remote.s32 $0x1  }
0xcd: {  	_ =	sfence.sel $0xFFFF  }
0xce: {  	[dreg:$0x0] =	wrdreg $0xFFFFFFFF;
	(pc) =	sbr.abs _section_cstart, $3  }
0xcf: {  	[dreg:$0x1] =	wrdreg $0xFFFFFFFF  }
0xd0: {  	_ =	task.clear_ibuf [dreg:s22], $0x2FFFF;
	_ =	strace $0x9FFFFFFF  }
0xd1: {  	(tm) =	ssettm $0x7FFFFFFF  }
tec
execute0_lowered:
.L_overlay_start_1:
0x0: {  	(tag) =	ssettag $0x1  }
0x1: {  	s0 =	rddreg [dreg:$0x0]  }
0x2: {  	s2 =	srdreg.scid;
	s1 =	rddreg [dreg:$0x1];
	s3 =	simm.s32 $0x0  }
0x3: {  	s12 =	stileid.u32;
	s14 =	simm.s32 $0x19200;
	s16 =	simm.s32 $0x19100  }
0x4: {  	s17 =	simm.s32 $0x1B200;
	s18 =	simm.s32 $0x1;
	s19 =	simm.s32 $0x2  }
0x5: {  	s28 =	simm.s32 $0x19180;
	s29 =	simm.s32 $0x1C200;
	s15 =	smul.u32 $0x19000, s12  }
0x6: {  	s30 =	simm.s32 $0x0;
	s2 =	sand.u32 $0x1, s2;
	s8 =	smul.u32 $0x6400, s12  }
0x7: {  	[smem:$0x7FF] =	sst s3;
	s21 =	sshll.u32 s12, $0x6;
	s12 =	smul.u32 $0xC80, s12  }
0x8: {  	s9 =	sadd.s32 $0x86200, s0;
	s4 =	smul.u32 $0x190000, s2;
	_ =	strace $0x8000004D  }
0x9: {  	s20 =	smul.u32 $0x32000, s2;
	s2 =	ssub.s32 $0x2, s2;
	s24 =	sshrl.u32 s15, $0x3  }
0xa: {  	s5 =	sshrl.u32 s2, $0x1;
	s10 =	sadd.s32 s15, s1;
	s11 =	sshrl.u32 s8, $0x3  }
0xb: {  	s25 =	sadd.s32 $0x6300, s8;
	s7 =	sadd.s32 s4, s0;
	s6 =	sadd.s32 s24, s0  }
0xc: {  	s0 =	sadd.s32 s20, s0;
	s2 =	ssub.s32 s2, s5;
	s5 =	sor.u32 $0x1C05, s21  }
0xd: {  	s23 =	sadd.s32 s9, s11;
	s26 =	sshrl.u32 s25, $0x3;
	s31 =	sshll.u32 s25, $0x2  }
0xe: {  	s10 =	sshrl.u32 s10, $0x3;
	s11 =	simm.s32 $0x5;
	s20 =	simm.s32 $0x80  }
0xf: {  	s21 =	simm.s32 $0x19080;
	s25 =	simm.s32 $0x3;
	s22 =	sadd.s32 $0x9200, s6  }
0x10: {  	[dreg:$0x4] =	wrdreg s23;
	s0 =	sadd.s32 $0x3B2A00, s0;
	s8 =	sadd.s32 s9, s26  }
0x11: {  	s9 =	sadd.s32 s12, s9;
	s12 =	simm.s32 $0x19000;
	s23 =	simm.s32 $0x1A200  }
0x12: {  	s26 =	simm.s32 $0x4;
	[dreg:$0x3] =	wrdreg s22;
	s22 =	sadd.s32 $0x92A00, s7  }
0x13: {  	s7 =	smax.u32 s2, $0x1;
	s9 =	sadd.s32 $0x20, s9;
	s24 =	sadd.s32 s24, s0  }
0x14: {  	s13 =	sadd.s32 s15, s22;
	s15 =	sadd.s32 s22, s15;
	s22 =	sadd.s32 s22, s31  }
.LBB2_1:
0x15: {  	s0 =	rddreg [dreg:$0x3]  }
0x16: {  	[spmem:s10], [sflag:s5] =	dma.local [hbm:s0], $0x3200  }
0x17: {  	_ =	swait.ge [sflag:s11], $0x3200  }
0x18: {  	[sflag:s11] =	ssyncset.done $0x0  }
0x19: {  	[sflag:s11] =	ssyncadd.s32 $0xFFFFCE00  }
0x1a: {  	[bflag:$0x0] =	sbarrier.arrive $0xFFFF  }
0x1b: {  	s2 =	rddreg [dreg:$0x4]  }
0x1c: {  	[tilespmem:s12], [sflag:$0x1] =	stream.linear.gather [hbm4b:s2+s3], $0x100, $0x38;
	[tilespmem:$0x1D200] =	vst v63  }
0x1d: {  	_ = 	snop  }
0x1e: {  	[tilespmem:s14], [sflag:$0x2] =	stream.linear.gather [hbm4b:s13+s3], $0x2000, $0x38;
	[tilespmem:$0x1D200] =	vst v63  }
0x1f: {  	s4 =	sadd.s32 $0x0, s15  }
0x20: {  	[tilespmem:s16], [sflag:$0x3] =	stream.linear.gather [hbm4b:s9+s3], $0x100, $0x38;
	[tilespmem:$0x1D200] =	vst v63  }
0x21: {  	s2 =	sadd.s32 $0x400, s4  }
0x22: {  	[tilespmem:s17], [sflag:$0x4] =	stream.linear.gather [hbm4b:s2+s3], $0x2000, $0x38;
	[tilespmem:$0x1D200] =	vst v63  }
0x23: {  	_ =	swait.ge [sflag:s18], $0x100  }
0x24: {  	[sflag:s18] =	ssyncset.done $0x0  }
0x25: {  	[sflag:s18] =	ssyncadd.s32 $0xFFFFFF00  }
0x26: {  	_ =	swait.ge [sflag:s19], $0x2000  }
0x27: {  	[sflag:s19] =	ssyncset.done $0x0  }
0x28: {  	[sflag:s19] =	ssyncadd.s32 $0xFFFFE000  }
0x29: {  	[spmem:s1] =	stream.indirect.scatter.add.f32 [tilespmem:s14], [sflag:$0x5], $0x20, s12, s20, $0xb8;
	[tilespmem:$0x1D200] =	vst v63  }
0x2a: {  	_ =	swait.ge [sflag:s11], $0x1000  }
0x2b: {  	[sflag:s11] =	ssyncset.done $0x0  }
0x2c: {  	[sflag:s11] =	ssyncadd.s32 $0xFFFFF000  }
0x2d: {  	[spmem:s1] =	stream.indirect.scatter.add.f32 [tilespmem:s23], [sflag:$0x5], $0x20, s21, s20, $0xb8;
	[tilespmem:$0x1D200] =	vst v63  }
0x2e: {  	_ =	swait.ge [sflag:s11], $0x1000  }
0x2f: {  	[sflag:s11] =	ssyncset.done $0x0  }
0x30: {  	s6 =	sadd.s32 $0x20, s9;
	[sflag:s11] =	ssyncadd.s32 $0xFFFFF000  }
0x31: {  	[tilespmem:s12], [sflag:$0x1] =	stream.linear.gather [hbm4b:s6+s3], $0x100, $0x38;
	[tilespmem:$0x1D200] =	vst v63  }
0x32: {  	s0 =	sadd.s32 $0x800, s4  }
0x33: {  	[tilespmem:s14], [sflag:$0x2] =	stream.linear.gather [hbm4b:s0+s3], $0x2000, $0x38;
	[tilespmem:$0x1D200] =	vst v63  }
0x34: {  	_ =	swait.ge [sflag:s25], $0x100  }
0x35: {  	[sflag:s25] =	ssyncset.done $0x0  }
0x36: {  	[sflag:s25] =	ssyncadd.s32 $0xFFFFFF00  }
0x37: {  	_ =	swait.ge [sflag:s26], $0x2000  }
0x38: {  	[sflag:s26] =	ssyncset.done $0x0  }
0x39: {  	[sflag:s26] =	ssyncadd.s32 $0xFFFFE000  }
0x3a: {  	[spmem:s1] =	stream.indirect.scatter.add.f32 [tilespmem:s17], [sflag:$0x5], $0x20, s16, s20, $0xb8;
	[tilespmem:$0x1D200] =	vst v63  }
0x3b: {  	_ =	swait.ge [sflag:s11], $0x1000  }
0x3c: {  	[sflag:s11] =	ssyncset.done $0x0  }
0x3d: {  	[sflag:s11] =	ssyncadd.s32 $0xFFFFF000  }
0x3e: {  	[spmem:s1] =	stream.indirect.scatter.add.f32 [tilespmem:s29], [sflag:$0x5], $0x20, s28, s20, $0xb8;
	[tilespmem:$0x1D200] =	vst v63  }
0x3f: {  	_ =	swait.ge [sflag:s11], $0x1000  }
0x40: {  	s31 =	sadd.s32 $0x40, s9;
	s0 =	simm.s32 $0x800;
	[sflag:s11] =	ssyncset.done $0x0  }
.LBB2_2:
0x41: {  	s2 =	smov.u32 s0  }
0x42: {  	s4 =	sadd.s32 s0, s15;
	[sflag:s11] =	ssyncadd.s32 $0xFFFFF000;
	s2 =	sadd.s32 $0x800, s0  }
0x43: {  	[tilespmem:s16], [sflag:$0x3] =	stream.linear.gather [hbm4b:s31+s3], $0x100, $0x38;
	[tilespmem:$0x1D200] =	vst v63  }
0x44: {  	p0 =	sne.s32 s0, $0x18000;
	s6 =	sadd.s32 $0x400, s4  }
0x45: {  	[tilespmem:s17], [sflag:$0x4] =	stream.linear.gather [hbm4b:s6+s3], $0x2000, $0x38;
	[tilespmem:$0x1D200] =	vst v63  }
0x46: {  	_ =	swait.ge [sflag:s18], $0x100  }
0x47: {  	[sflag:s18] =	ssyncset.done $0x0  }
0x48: {  	[sflag:s18] =	ssyncadd.s32 $0xFFFFFF00  }
0x49: {  	_ =	swait.ge [sflag:s19], $0x2000  }
0x4a: {  	[sflag:s19] =	ssyncset.done $0x0  }
0x4b: {  	[sflag:s19] =	ssyncadd.s32 $0xFFFFE000  }
0x4c: {  	[spmem:s1] =	stream.indirect.scatter.add.f32 [tilespmem:s14], [sflag:$0x5], $0x20, s12, s20, $0xb8;
	[tilespmem:$0x1D200] =	vst v63  }
0x4d: {  	_ =	swait.ge [sflag:s11], $0x1000  }
0x4e: {  	[sflag:s11] =	ssyncset.done $0x0  }
0x4f: {  	[sflag:s11] =	ssyncadd.s32 $0xFFFFF000  }
0x50: {  	[spmem:s1] =	stream.indirect.scatter.add.f32 [tilespmem:s23], [sflag:$0x5], $0x20, s21, s20, $0xb8;
	[tilespmem:$0x1D200] =	vst v63  }
0x51: {  	_ =	swait.ge [sflag:s11], $0x1000  }
0x52: {  	[sflag:s11] =	ssyncset.done $0x0  }
0x53: {  	s0 =	sadd.s32 $0x20, s31;
	[sflag:s11] =	ssyncadd.s32 $0xFFFFF000  }
0x54: {  	[tilespmem:s12], [sflag:$0x1] =	stream.linear.gather [hbm4b:s0+s3], $0x100, $0x38;
	[tilespmem:$0x1D200] =	vst v63  }
0x55: {  	s0 =	sadd.s32 $0x800, s4  }
0x56: {  	[tilespmem:s14], [sflag:$0x2] =	stream.linear.gather [hbm4b:s0+s3], $0x2000, $0x38;
	[tilespmem:$0x1D200] =	vst v63  }
0x57: {  	_ =	swait.ge [sflag:s25], $0x100  }
0x58: {  	[sflag:s25] =	ssyncset.done $0x0  }
0x59: {  	[sflag:s25] =	ssyncadd.s32 $0xFFFFFF00  }
0x5a: {  	_ =	swait.ge [sflag:s26], $0x2000  }
0x5b: {  	[sflag:s26] =	ssyncset.done $0x0  }
0x5c: {  	[sflag:s26] =	ssyncadd.s32 $0xFFFFE000  }
0x5d: {  	[spmem:s1] =	stream.indirect.scatter.add.f32 [tilespmem:s17], [sflag:$0x5], $0x20, s16, s20, $0xb8;
	[tilespmem:$0x1D200] =	vst v63  }
0x5e: {  	_ =	swait.ge [sflag:s11], $0x1000  }
.Ltmp0:
0x5f: {  	[sflag:s11] =	ssyncset.done $0x0;
	(pc) =	sbr.rel @p0 .LBB2_2-.Ltmp0, $4  }
0x60: {  	[sflag:s11] =	ssyncadd.s32 $0xFFFFF000  }
0x61: {  	[spmem:s1] =	stream.indirect.scatter.add.f32 [tilespmem:s29], [sflag:$0x5], $0x20, s28, s20, $0xb8;
	[tilespmem:$0x1D200] =	vst v63  }
0x62: {  	_ =	swait.ge [sflag:s11], $0x1000  }
0x63: {  	s31 =	sadd.s32 $0x40, s31;
	s0 =	smov.u32 s2;
	[sflag:s11] =	ssyncset.done $0x0  }
0x64: {  	[sflag:s11] =	ssyncadd.s32 $0xFFFFF000  }
0x65: {  	[tilespmem:s16], [sflag:$0x3] =	stream.linear.gather [hbm4b:s8+s3], $0x100, $0x38;
	[tilespmem:$0x1D200] =	vst v63  }
0x66: {  	_ = 	snop  }
0x67: {  	[tilespmem:s17], [sflag:$0x4] =	stream.linear.gather [hbm4b:s22+s3], $0x2000, $0x38;
	[tilespmem:$0x1D200] =	vst v63  }
0x68: {  	_ =	swait.ge [sflag:s18], $0x100  }
0x69: {  	[sflag:s18] =	ssyncset.done $0x0  }
0x6a: {  	[sflag:s18] =	ssyncadd.s32 $0xFFFFFF00  }
0x6b: {  	_ =	swait.ge [sflag:s19], $0x2000  }
0x6c: {  	[sflag:s19] =	ssyncset.done $0x0  }
0x6d: {  	[sflag:s19] =	ssyncadd.s32 $0xFFFFE000  }
0x6e: {  	[spmem:s1] =	stream.indirect.scatter.add.f32 [tilespmem:s14], [sflag:$0x5], $0x20, s12, s20, $0xb8;
	[tilespmem:$0x1D200] =	vst v63  }
0x6f: {  	_ =	swait.ge [sflag:s11], $0x1000  }
0x70: {  	[sflag:s11] =	ssyncset.done $0x0  }
0x71: {  	[sflag:s11] =	ssyncadd.s32 $0xFFFFF000  }
0x72: {  	[spmem:s1] =	stream.indirect.scatter.add.f32 [tilespmem:s23], [sflag:$0x5], $0x20, s21, s20, $0xb8;
	[tilespmem:$0x1D200] =	vst v63  }
0x73: {  	_ =	swait.ge [sflag:s11], $0x1000  }
0x74: {  	[sflag:s11] =	ssyncset.done $0x0  }
0x75: {  	[sflag:s11] =	ssyncadd.s32 $0xFFFFF000  }
0x76: {  	_ =	swait.ge [sflag:s25], $0x100  }
0x77: {  	[sflag:s25] =	ssyncset.done $0x0  }
0x78: {  	[sflag:s25] =	ssyncadd.s32 $0xFFFFFF00  }
0x79: {  	_ =	swait.ge [sflag:s26], $0x2000  }
0x7a: {  	[sflag:s26] =	ssyncset.done $0x0  }
0x7b: {  	[sflag:s26] =	ssyncadd.s32 $0xFFFFE000  }
0x7c: {  	[spmem:s1] =	stream.indirect.scatter.add.f32 [tilespmem:s17], [sflag:$0x5], $0x20, s16, s20, $0xb8;
	[tilespmem:$0x1D200] =	vst v63  }
0x7d: {  	_ =	swait.ge [sflag:s11], $0x1000  }
0x7e: {  	[sflag:s11] =	ssyncset.done $0x0  }
0x7f: {  	[sflag:s11] =	ssyncadd.s32 $0xFFFFF000  }
0x80: {  	[spmem:s1] =	stream.indirect.scatter.add.f32 [tilespmem:s29], [sflag:$0x5], $0x20, s28, s20, $0xb8;
	[tilespmem:$0x1D200] =	vst v63  }
0x81: {  	_ =	swait.ge [sflag:s11], $0x1000  }
0x82: {  	s30 =	sadd.s32 $0x1, s30;
	[sflag:s11] =	ssyncset.done $0x0  }
0x83: {  	p0 =	sne.s32 s30, s7;
	[sflag:s11] =	ssyncadd.s32 $0xFFFFF000  }
.Ltmp1:
0x84: {  	[bflag:$0x0] =	sbarrier.arrive $0xFFFF;
	(pc) =	sbr.rel @p0 .LBB2_1-.Ltmp1, $4  }
0x85: {  	[hbm:s24], [sflag:s5] =	dma.local [spmem:s10], $0x3200  }
0x86: {  	_ =	swait.ge [sflag:s11], $0x3200  }
0x87: {  	[sflag:s11] =	ssyncset.done $0x0  }
0x88: {  	[sflag:s11] =	ssyncadd.s32 $0xFFFFCE00  }
0x89: {  	_ =	sfence.sel $0x180000  }
0x8a: {  	[bflag:$0x0] =	sbarrier.arrive $0xFFFF  }
0x8b: {  	_ =	strace $0x9000004D  }
0x8c: {  	s0 =	stileid.u32;
	[bflag:$0x2] =	sbarrier.arrive $0xFFFF  }
0x8d: {  	p0 =	sne.s32 s0, $0x0;
	s0 =	rddreg [dreg:$0x2]  }
0x8e: {  	s0 =	sadd.s32 @!p0 $0x100000, s0  }
0x8f: {  	[sflag:s0] =	ssyncadd.tile.s32 @!p0 $0x1;
	_ =	shalt  }
.Lfunc_end2:
_tile_overlayer_lowered:
.L_overlay_start_2:
0x90: {  	(tag) =	ssettag $0x2  }
0x91: {  	s0 =	rddreg [dreg:$0x0];
	s2 =	stileid.u32  }
0x92: {  	s1 =	rddreg [dreg:$0x1];
	p0 =	sne.s32 s2, $0x0  }
0x93: {  	s3 =	rddreg [dreg:$0x2];
	[bflag:$0x3] =	sbarrier.arrive $0xFFFF;
	s2 =	simm.s32 @!p0 $0x1C05  }
0x94: {  	[timem:s3], [sflag:s2] =	dma.local @!p0 [hbm:s0], s1  }
0x95: {  	s0 =	simm.s32 @!p0 $0x5  }
0x96: {  	_ =	swait.ge @!p0 [sflag:s0], s1  }
0x97: {  	s1 =	ssub.s32 @!p0 $0x0, s1;
	[sflag:s0] =	ssyncset.done @!p0 $0x0  }
0x98: {  	[sflag:s0] =	ssyncadd.s32 @!p0 s1  }
0x99: {  	[bflag:$0x3] =	sbarrier.arrive $0xFFFF  }
0x9a: {  	_ =	shalt  }

// kernel: kernel.9.cloned.1.call-start
scs
__scs_entry_jumppad:
0x0: {  	(pc) =	sbr.rel $0x88, $3  }
0x1: {  	(tag) =	ssettag $0x0;
	lr =	simm.s32 $0x1  }
0x2: {  	[smem:$0x3F90] =	sst lr;
	_ =	strace $0xD0000000  }
0x3: {  	_ = 	snop  }
0x4: {  	_ = 	snop  }
0x5: {  	_ = 	snop  }
0x6: {  	_ = 	snop  }
0x7: {  	_ = 	snop  }
__scs_overlays_trampoline_lowered:
0x8: {  	[smem:$0x3F9F] =	sst s0  }
0x9: {  	[smem:$0x3FA0] =	sst s1  }
0xa: {  	[smem:$0x3FA1] =	sst s2  }
0xb: {  	[smem:$0x3FA2] =	sst s3  }
0xc: {  	[smem:$0x3FA3] =	sst s4  }
0xd: {  	[smem:$0x3FA4] =	sst s5  }
0xe: {  	[smem:$0x3FA5] =	sst s6  }
0xf: {  	[smem:$0x3FA6] =	sst s7  }
0x10: {  	[smem:$0x3FA7] =	sst s8  }
0x11: {  	[smem:$0x3FA8] =	sst s9;
	s0 =	simm.s32 @!p0 $0x0  }
0x12: {  	s1 =	sld [smem:$0x3F8E];
	s0 =	simm.s32 @p0 $0x1  }
0x13: {  	[smem:$0x3FA9] =	sst s0;
	s0 =	simm.s32 @!p1 $0x0  }
0x14: {  	s2 =	sld [smem:$0x3F8D];
	s0 =	simm.s32 @p1 $0x1  }
0x15: {  	[smem:$0x3FAA] =	sst s0;
	s0 =	simm.s32 @!p2 $0x0  }
0x16: {  	s3 =	sld [smem:$0x3FDB];
	s0 =	simm.s32 @p2 $0x1  }
0x17: {  	s4 =	simm.s32 $0x1BF5;
	[smem:$0x3FAC] =	sst s0  }
0x18: {  	s0 =	sld [smem:$0x3F8F];
	_ =	swait.ge [sflag:s4], $0x0  }
0x19: {  	s7 =	sld [smem:$0x3F90]  }
0x1a: {  	s8 =	sadd.s32 $0xFFFFE003, lr  }
0x1b: {  	s9 =	sadd.s32 $0xFFFFFEF7, lr;
	s5 =	simm.s32 $0xFFFFFFFF;
	p2 =	slt.u32 s8, $0xFFFFF086  }
0x1c: {  	p1 =	slt.u32 s9, $0xF7A;
	s5 =	simm.s32 @!p2 $0x0  }
0x1d: {  	s5 =	simm.s32 @p1 $0x1;
	p0 =	seq.s32 s7, s2  }
0x1e: {  	s7 =	smul.u32 @!p0 $0xF7A, s2;
	p2 =	seq.s32 @!p0 s5, $0x0  }
0x1f: {  	s9 =	smul.u32 $0xF7A, s1;
	s8 =	simm.s32 @!p0 $0x1BF5;
	p2 =	por !p2, p0  }
0x20: {  	[sflag:s8] =	ssyncset.s32 @!p0 $0xFFFFF086;
	s6 =	sadd.s32 @!p0 s3, s7;
	s7 =	simm.s32 @!p0 $0x108  }
0x21: {  	s3 =	sadd.s32 s3, s9;
	s6 =	sadd.s32 @!p0 $0x88, s6;
	s7 =	simm.s32 @p2 $0x1082  }
0x22: {  	[simem:s7], [sflag:s8] =	dma.local @!p0 [hbm:s6], $0xF7A  }
0x23: {  	s9 =	sor.u32 $0xD0000000, s2;
	s6 =	simm.s32 $0x108;
	_ =	swait.ge @!p0 [sflag:s8], $0x0  }
0x24: {  	s3 =	sadd.s32 $0x88, s3;
	s6 =	simm.s32 @!p1 $0x1082;
	[sflag:s4] =	ssyncset.s32 $0xFFFFF086  }
0x25: {  	[simem:s6], [sflag:s4] =	dma.local [hbm:s3], $0xF7A  }
0x26: {  	[smem:$0x3F90] =	sst s1;
	(tag) =	ssettag s2;
	_ =	strace s9  }
0x27: {  	s1 =	sld [smem:$0x3FA0]  }
0x28: {  	s2 =	sld [smem:$0x3FA1]  }
0x29: {  	s4 =	sld [smem:$0x3FA3]  }
0x2a: {  	p0 =	seq.s32 s5, $0x0;
	s5 =	sld [smem:$0x3FA4]  }
0x2b: {  	s6 =	sld [smem:$0x3FA5]  }
0x2c: {  	s7 =	sld [smem:$0x3FA6]  }
0x2d: {  	s3 =	simm.s32 $0x108;
	s8 =	sld [smem:$0x3FA7]  }
0x2e: {  	s3 =	simm.s32 @!p0 $0x1082;
	s9 =	sld [smem:$0x3FA8]  }
0x2f: {  	lr =	sadd.s32 s0, s3;
	s0 =	sld [smem:$0x3F9F]  }
0x30: {  	s3 =	sld [smem:$0x3FA2]  }
0x31: {  	[smem:$0x3FAB] =	sst s10  }
0x32: {  	s10 =	sld [smem:$0x3FA9];
	_ =	sdelay $0x3  }
0x33: {  	p0 =	seq.s32 s10, $0x1;
	s10 =	sld [smem:$0x3FAB];
	_ =	sdelay $0x3  }
0x34: {  	[smem:$0x3FAB] =	sst s10  }
0x35: {  	s10 =	sld [smem:$0x3FAA];
	_ =	sdelay $0x3  }
0x36: {  	p1 =	seq.s32 s10, $0x1;
	s10 =	sld [smem:$0x3FAB];
	_ =	sdelay $0x3  }
0x37: {  	[smem:$0x3FAB] =	sst s10  }
0x38: {  	s10 =	sld [smem:$0x3FAC]  }
0x39: {  	_ = 	snop;
	(pc) =	sbr.ind lr, $3  }
0x3a: {  	_ = 	snop  }
0x3b: {  	_ = 	snop  }
0x3c: {  	p2 =	seq.s32 s10, $0x1;
	s10 =	sld [smem:$0x3FAB]  }
0x3d: {  	_ =	shalt  }
0x3e: {  	_ =	shalt  }
0x3f: {  	_ =	shalt  }
0x40: {  	_ =	shalt  }
0x41: {  	_ =	shalt  }
0x42: {  	_ =	shalt  }
0x43: {  	_ =	shalt  }
0x44: {  	_ =	shalt  }
0x45: {  	_ =	shalt  }
0x46: {  	_ =	shalt  }
0x47: {  	_ =	shalt  }
0x48: {  	_ =	shalt  }
0x49: {  	_ =	shalt  }
0x4a: {  	_ =	shalt  }
0x4b: {  	_ =	shalt  }
0x4c: {  	_ =	shalt  }
0x4d: {  	_ =	shalt  }
0x4e: {  	_ =	shalt  }
0x4f: {  	_ =	shalt  }
0x50: {  	_ =	shalt  }
0x51: {  	_ =	shalt  }
0x52: {  	_ =	shalt  }
0x53: {  	_ =	shalt  }
0x54: {  	_ =	shalt  }
0x55: {  	_ =	shalt  }
0x56: {  	_ =	shalt  }
0x57: {  	_ =	shalt  }
0x58: {  	_ =	shalt  }
0x59: {  	_ =	shalt  }
0x5a: {  	_ =	shalt  }
0x5b: {  	_ =	shalt  }
0x5c: {  	_ =	shalt  }
0x5d: {  	_ =	shalt  }
0x5e: {  	_ =	shalt  }
0x5f: {  	_ =	shalt  }
0x60: {  	_ =	shalt  }
0x61: {  	_ =	shalt  }
0x62: {  	_ =	shalt  }
0x63: {  	_ =	shalt  }
0x64: {  	_ =	shalt  }
0x65: {  	_ =	shalt  }
0x66: {  	_ =	shalt  }
0x67: {  	_ =	shalt  }
0x68: {  	_ =	shalt  }
0x69: {  	_ =	shalt  }
0x6a: {  	_ =	shalt  }
0x6b: {  	_ =	shalt  }
0x6c: {  	_ =	shalt  }
0x6d: {  	_ =	shalt  }
0x6e: {  	_ =	shalt  }
0x6f: {  	_ =	shalt  }
0x70: {  	_ =	shalt  }
0x71: {  	_ =	shalt  }
0x72: {  	_ =	shalt  }
0x73: {  	_ =	shalt  }
0x74: {  	_ =	shalt  }
0x75: {  	_ =	shalt  }
0x76: {  	_ =	shalt  }
0x77: {  	_ =	shalt  }
0x78: {  	_ =	shalt  }
0x79: {  	_ =	shalt  }
0x7a: {  	_ =	shalt  }
0x7b: {  	_ =	shalt  }
0x7c: {  	_ =	shalt  }
0x7d: {  	_ =	shalt  }
0x7e: {  	_ =	shalt  }
0x7f: {  	_ =	shalt  }
0x80: {  	_ =	shalt  }
0x81: {  	_ =	shalt  }
0x82: {  	_ =	shalt  }
0x83: {  	_ =	shalt  }
0x84: {  	_ =	shalt  }
0x85: {  	_ =	shalt  }
0x86: {  	_ =	shalt  }
0x87: {  	_ =	shalt  }
.Lfunc_end0:
.L_simem_size_0:
called_computation_lowered:
.L_overlay_start_0:
0x88: {  	s2 =	sld [smem:$0x3FD9]  }
0x89: {  	s3 =	sld [smem:$0x3FFE];
	_ =	sdelay $0x1  }
0x8a: {  	s1 =	srdreg.scid  }
0x8b: {  	s0 =	sand.u32 $0x1, s1  }
0x8c: {  	s17 =	sshll.u32 s0, $0xA;
	s2 =	sadd.s32 s3, s2  }
0x8d: {  	s2 =	sadd.s32 s2, s17  }
0x8e: {  	[smem:$0x3FB7] =	sst s2  }
0x8f: {  	_ = 	snop  }
0x90: {  	(tm) =	ssettm $0x1  }
0x91: {  	s18 =	sld [smem:$0x3FFB];
	_ =	sdelay $0x3  }
0x92: {  	_ =	strace s18  }
0x93: {  	s2 =	sld [smem:$0x3FFC];
	_ =	sdelay $0x3  }
0x94: {  	_ =	strace s2  }
0x95: {  	s2 =	sld [smem:$0x3FFD];
	_ =	sdelay $0x3  }
0x96: {  	_ =	strace s2  }
0x97: {  	_ =	strace $0x8FFFFFFF  }
0x98: {  	s19 =	sld [smem:$0x3FDB];
	_ =	sdelay $0x1  }
0x99: {  	s20 =	simm.s32 $_scs_section_size  }
0x9a: {  	s4 =	simm.s32 $_size__tile_overlayer_lowered;
	s5 =	simm.s32 $_tile_overlayer_lowered  }
0x9b: {  	s6 =	simm.s32 $0x1BFF;
	s21 =	sshll.u32 s5, $0x1;
	s3 =	sadd.s32 s20, s19  }
0x9c: {  	s22 =	simm.s32 $0x0;
	s4 =	sshll.u32 s4, $0x1;
	s5 =	sadd.s32 s21, s3  }
0x9d: {  	[timem:s22], [sflag:s6] =	dma.local [hbm:s5], s4  }
0x9e: {  	_ =	swait.ge [sflag:s6], s4  }
0x9f: {  	s4 =	ssub.s32 $0x0, s4;
	[sflag:s6] =	ssyncset.done $0x0  }
0xa0: {  	[sflag:s6] =	ssyncadd.s32 s4;
	_ =	sdelay $0x1  }
0xa1: {  	s23 =	simm.s32 $0x1B8B  }
0xa2: {  	_ =	swait.ge [sflag:s23], $0x1  }
0xa3: {  	[sflag:s23] =	ssyncset.done $0x0  }
0xa4: {  	[sflag:s23] =	ssyncadd.s32 $0xFFFFFFFF  }
0xa5: {  	s4 =	sld [smem:$0x0]  }
0xa6: {  	s5 =	sand.u32 $0xFFFFFFFE, s1  }
0xa7: {  	p0 =	sne.s32 s1, s5  }
0xa8: {  	s5 =	sshll.u32 @p0 s5, $0xE  }
0xa9: {  	s5 =	sadd.s32 @p0 $0x11B8D, s5;
	s6 =	sshll.u32 @p0 s4, $0x11  }
0xaa: {  	s5 =	sor.u32 @p0 s6, s5  }
0xab: {  	[sflag:s5] =	ssyncadd.remote.s32 @p0 $0x1;
	_ =	sdelay $0x1  }
0xac: {  	s5 =	simm.s32 @p0 $0x1B8D  }
0xad: {  	_ =	swait.eq @p0 [sflag:s5], $0x1  }
0xae: {  	[sflag:s5] =	ssyncadd.s32 @p0 $0xFFFFFFFF  }
0xaf: {  	s6 =	sshll.u32 @!p0 s1, $0xE  }
0xb0: {  	s6 =	sor.u32 @!p0 $0x4000, s6;
	s5 =	simm.s32 @!p0 $0x1B8D  }
0xb1: {  	s4 =	sshll.u32 @!p0 s4, $0x11;
	s6 =	sadd.s32 @!p0 $0x11B8D, s6;
	_ =	swait.eq @!p0 [sflag:s5], $0x1  }
0xb2: {  	s4 =	sor.u32 @!p0 s4, s6;
	[sflag:s5] =	ssyncadd.s32 @!p0 $0xFFFFFFFF  }
0xb3: {  	s25 =	simm.s32 $0x1B8E;
	s24 =	sld [smem:$0x3FFE];
	[sflag:s4] =	ssyncadd.remote.s32 @!p0 $0x1  }
0xb4: {  	s26 =	simm.s32 $execute0_lowered;
	[smem:$0x3FD2] =	sst s25  }
0xb5: {  	s5 =	sshll.u32 s26, $0x1;
	_ =	strace $0x80000049;
	[dreg:$0x1] =	wrdreg $0xFFFFFFFF  }
0xb6: {  	s28 =	simm.s32 $_size_execute0_lowered;
	s3 =	sadd.s32 s3, s5;
	[dreg:$0x0] =	wrdreg $0x0  }
0xb7: {  	s5 =	sshll.u32 s28, $0x1;
	[dreg:$0x2] =	wrdreg s3  }
0xb8: {  	[dreg:$0x3] =	wrdreg s5  }
0xb9: {  	[dreg:$0x4] =	wrdreg $0xC0  }
0xba: {  	_ =	task [dreg:s22], $0x5FFFF  }
0xbb: {  	[dreg:$0x1] =	wrdreg $0xFFFFFFFF  }
0xbc: {  	[dreg:$0x0] =	wrdreg $0x60  }
0xbd: {  	[dreg:$0x2] =	wrdreg s24  }
0xbe: {  	[dreg:$0x3] =	wrdreg $0x9  }
0xbf: {  	_ =	task.clear_ibuf [dreg:s22], $0x4FFFF;
	_ =	strace $0x90000049  }
0xc0: {  	s29 =	simm.s32 $0x9;
	_ =	strace $0x8000004B  }
0xc1: {  	_ =	swait.ge [sflag:s29], $0x1  }
0xc2: {  	[sflag:s29] =	ssyncadd.s32 $0xFFFFFFFF  }
0xc3: {  	_ =	strace $0x9000004B  }
0xc4: {  	_ =	sfence  }
0xc5: {  	s30 =	sld [smem:$0x0];
	_ =	sdelay $0x2  }
0xc6: {  	s31 =	sshll.u32 s1, $0xD;
	s1 =	sshrl.u32 s1, $0x2  }
0xc7: {  	s4 =	sand.u32 $0x4000, s31;
	s1 =	sadd.s32 s1, s30  }
0xc8: {  	s0 =	sor.u32 s4, s0;
	s1 =	sshll.u32 s1, $0x11  }
0xc9: {  	s0 =	sor.u32 s1, s0  }
0xca: {  	s0 =	sadd.s32 $0x8F2B, s0  }
0xcb: {  	[sflag:s0] =	ssyncadd.remote.s32 $0x1  }
0xcc: {  	_ =	sfence.sel $0xFFFF  }
0xcd: {  	[dreg:$0x0] =	wrdreg $0xFFFFFFFF;
	(pc) =	sbr.abs _section_cstart, $3  }
0xce: {  	[dreg:$0x1] =	wrdreg $0xFFFFFFFF  }
0xcf: {  	_ =	task.clear_ibuf [dreg:s22], $0x2FFFF;
	_ =	strace $0x9FFFFFFF  }
0xd0: {  	(tm) =	ssettm $0x7FFFFFFF  }
0xd1: {  	_ =	shalt  }
tec
execute0_lowered:
.L_overlay_start_1:
0x0: {  	(tag) =	ssettag $0x1  }
0x1: {  	s10 =	rddreg [dreg:$0x0]  }
0x2: {  	s0 =	rddreg [dreg:$0x1];
	s1 =	simm.s32 $0x0  }
0x3: {  	s6 =	srdreg.scid;
	s14 =	simm.s32 $0x186A0;
	s15 =	simm.s32 $0x19FA0  }
0x4: {  	s16 =	simm.s32 $0x1B8A0;
	s17 =	simm.s32 $0xC350;
	s18 =	simm.s32 $0x1D1A0  }
0x5: {  	s19 =	simm.s32 $0x0;
	[smem:$0x7FF] =	sst s1;
	s2 =	sadd.s32 $0x7800, s10  }
0x6: {  	s3 =	sadd.s32 $0x5E00, s10;
	s4 =	sadd.s32 $0x4400, s10;
	s5 =	sadd.s32 $0x54200, s10  }
.Ltmp0:
0x7: {  	s12 =	sand.u32 $0x1, s6;
	s7 =	sadd.s32 $0x47A00, s10;
	(pc) =	sbr.rel .LBB2_1-.Ltmp0, $4  }
0x8: {  	s8 =	sadd.s32 $0x60A00, s10;
	s9 =	sadd.s32 $0x6D200, s10;
	s11 =	ssub.s32 $0x2, s12  }
0x9: {  	s6 =	stileid.u32;
	s10 =	sadd.s32 $0x79A00, s10;
	s13 =	sshrl.u32 s11, $0x1  }
0xa: {  	_ =	strace $0x8000004A;
	p0 =	seq.s32 s12, $0x1;
	s13 =	ssub.s32 s11, s13  }
0xb: {  	s11 =	smul.u32 $0x6400, s6;
	s12 =	smax.u32 s13, $0x1;
	s13 =	simm.s32 $0x1  }
.LBB2_10:
0xc: {  	s19 =	sadd.s32 $0x1, s19  }
0xd: {  	p1 =	sne.s32 s19, s12  }
.Ltmp1:
0xe: {  	_ = 	snop;
	(pc) =	sbr.rel @!p1 .LBB2_11-.Ltmp1, $1  }
0xf: {  	_ =	sdelay $0x3  }
.LBB2_1:
.Ltmp2:
0x10: {  	(pc) =	sbr.rel @!p0 .LBB2_2-.Ltmp2, $2  }
0x11: {  	_ =	sdelay $0x2  }
0x12: {  	s20 =	simm.s32 $0x0  }
0x13: {  	[tilespmem:s20], [sflag:$0x1] =	stream.linear.gather [hbm4b:s4+s20], $0xC350, $0x38;
	[tilespmem:$0x1EAA0] =	vst v63  }
0x14: {  	_ =	swait.ge [sflag:s13], $0xC350  }
0x15: {  	[sflag:s13] =	ssyncset.done $0x0  }
0x16: {  	s21 =	simm.s32 $0x0;
	[sflag:s13] =	ssyncadd.s32 $0xFFFF3CB0  }
.LBB2_7:
0x17: {  	s22 =	smul.u32 $0x1900, s21;
	_ =	sdelay $0x1  }
0x18: {  	s22 =	sadd.s32 s11, s22  }
0x19: {  	s22 =	sshrl.u32 s22, $0x3  }
0x1a: {  	s23 =	sadd.s32 s5, s22  }
0x1b: {  	[tilespmem:s14], [sflag:$0x1] =	stream.linear.gather [hbm4b:s23+s20], $0x1900, $0x38;
	[tilespmem:$0x1EAA0] =	vst v63  }
0x1c: {  	_ =	swait.ge [sflag:s13], $0x1900  }
0x1d: {  	[sflag:s13] =	ssyncset.done $0x0  }
0x1e: {  	s31 =	sadd.s32 s7, s22;
	[sflag:s13] =	ssyncadd.s32 $0xFFFFE700  }
0x1f: {  	[tilespmem:s15], [sflag:$0x1] =	stream.linear.gather [hbm4b:s31+s20], $0x1900, $0x38;
	[tilespmem:$0x1EAA0] =	vst v63  }
0x20: {  	_ =	swait.ge [sflag:s13], $0x1900  }
0x21: {  	[sflag:s13] =	ssyncset.done $0x0  }
0x22: {  	s23 =	simm.s32 $0x0;
	[sflag:s13] =	ssyncadd.s32 $0xFFFFE700  }
0x23: {  	v0 =	vld [tilespmem:s23+$0x186A0]  }
0x24: {  	v1 =	vld [tilespmem:s23+$0x19FA0];
	_ =	sdelay $0x6  }
0x25: {  	v0 =	vld.idx.msk [tilespmem:v0+s1+$0x0], $0xffff  }
0x26: {  	s24 =	simm.s32 $0x10;
	v2 =	vld.idx.msk [tilespmem:v1+s1+$0x0], $0xffff  }
0x27: {  	s25 =	simm.s32 $0x80;
	v1 =	vld [tilespmem:s24+$0x186A0]  }
.LBB2_8:
0x28: {  	p1 =	sne.s32 s25, $0x63C0;
	v3 =	vld [tilespmem:s24+$0x19FA0];
	_ =	sdelay $0x3  }
0x29: {  	v0 =	vsub.f32 v2, v0  }
.Ltmp3:
0x2a: {  	(pc) =	sbr.rel @p1 .LBB2_8-.Ltmp3, $4  }
0x2b: {  	[tilespmem:s23+$0x1B8A0] =	vst v0;
	s23 =	smov.u32 s24  }
0x2c: {  	v0 =	vld.idx.msk [tilespmem:v1+s1+$0x0], $0xffff  }
0x2d: {  	s24 =	sshra.s32 s25, $0x2;
	v2 =	vld.idx.msk [tilespmem:v3+s1+$0x0], $0xffff  }
0x2e: {  	s25 =	sadd.s32 $0x40, s25;
	v1 =	vld [tilespmem:s24+$0x186A0]  }
0x2f: {  	_ = 	snop  }
0x30: {  	v3 =	vld [tilespmem:s24+$0x19FA0];
	_ =	sdelay $0x3  }
0x31: {  	v0 =	vsub.f32 v2, v0;
	_ =	sdelay $0x1  }
0x32: {  	[tilespmem:s23+$0x1B8A0] =	vst v0  }
0x33: {  	v0 =	vld.idx.msk [tilespmem:v1+s1+$0x0], $0xffff  }
0x34: {  	v63 =	vld.idx.msk [tilespmem:v3+s1+$0x0], $0xffff;
	_ =	sdelay $0x4  }
0x35: {  	v0 =	vsub.f32 v63, v0  }
0x36: {  	s21 =	sadd.s32 $0x1, s21  }
0x37: {  	s22 =	sadd.s32 s10, s22;
	p1 =	sne.s32 s21, $0x4;
	[tilespmem:s24+$0x1B8A0] =	vst v0  }
0x38: {  	[hbm4b:s22+s1] =	stream.linear.scatter [tilespmem:s16], [sflag:$0x1], $0x1900, $0x38;
	[tilespmem:$0x1EAA0] =	vst v63  }
.Ltmp4:
0x39: {  	_ = 	snop;
	(pc) =	sbr.rel @p1 .LBB2_7-.Ltmp4, $4  }
.Ltmp5:
0x3a: {  	_ = 	snop;
	(pc) =	sbr.rel @!p1 .LBB2_10-.Ltmp5, $4  }
0x3b: {  	_ =	swait.ge [sflag:s13], $0x1900  }
0x3c: {  	[sflag:s13] =	ssyncset.done $0x0  }
0x3d: {  	[sflag:s13] =	ssyncadd.s32 $0xFFFFE700  }
0x3e: {  	_ = 	snop  }
.LBB2_2:
0x3f: {  	[tilespmem:s20], [sflag:$0x1] =	stream.linear.gather [hbm4b:s2+s20], $0xC350, $0x38;
	[tilespmem:$0x1EAA0] =	vst v63  }
0x40: {  	_ =	swait.ge [sflag:s13], $0xC350  }
0x41: {  	[sflag:s13] =	ssyncset.done $0x0  }
0x42: {  	[sflag:s13] =	ssyncadd.s32 $0xFFFF3CB0  }
0x43: {  	[tilespmem:s17], [sflag:$0x1] =	stream.linear.gather [hbm4b:s3+s20], $0xC350, $0x38;
	[tilespmem:$0x1EAA0] =	vst v63  }
0x44: {  	_ =	swait.ge [sflag:s13], $0xC350  }
0x45: {  	[sflag:s13] =	ssyncset.done $0x0  }
0x46: {  	s21 =	simm.s32 $0x0;
	[sflag:s13] =	ssyncadd.s32 $0xFFFF3CB0  }
.LBB2_3:
0x47: {  	s22 =	smul.u32 $0x1900, s21;
	_ =	sdelay $0x1  }
0x48: {  	s22 =	sadd.s32 s11, s22  }
0x49: {  	s22 =	sshrl.u32 s22, $0x3  }
0x4a: {  	s23 =	sadd.s32 s5, s22  }
0x4b: {  	[tilespmem:s14], [sflag:$0x1] =	stream.linear.gather [hbm4b:s23+s20], $0x1900, $0x38;
	[tilespmem:$0x1EAA0] =	vst v63  }
0x4c: {  	_ =	swait.ge [sflag:s13], $0x1900  }
0x4d: {  	[sflag:s13] =	ssyncset.done $0x0  }
0x4e: {  	s31 =	sadd.s32 s7, s22;
	[sflag:s13] =	ssyncadd.s32 $0xFFFFE700  }
0x4f: {  	[tilespmem:s15], [sflag:$0x1] =	stream.linear.gather [hbm4b:s31+s20], $0x1900, $0x38;
	[tilespmem:$0x1EAA0] =	vst v63  }
0x50: {  	_ =	swait.ge [sflag:s13], $0x1900  }
0x51: {  	[sflag:s13] =	ssyncset.done $0x0  }
0x52: {  	s23 =	simm.s32 $0x0;
	[sflag:s13] =	ssyncadd.s32 $0xFFFFE700  }
0x53: {  	v0 =	vld [tilespmem:s23+$0x186A0]  }
0x54: {  	v1 =	vld [tilespmem:s23+$0x19FA0];
	_ =	sdelay $0x6  }
0x55: {  	v2 =	vld.idx.msk [tilespmem:v0+s1+$0x0], $0xffff  }
0x56: {  	v3 =	vld.idx.msk [tilespmem:v1+s1+$0x0], $0xffff;
	_ =	sdelay $0x4  }
0x57: {  	v2 =	vsub.f32 v3, v2;
	_ =	sdelay $0x1  }
0x58: {  	[tilespmem:s23+$0x1B8A0] =	vst v2  }
0x59: {  	v2 =	vld.idx.msk [tilespmem:v1+s17+$0x0], $0xffff  }
0x5a: {  	s25 =	simm.s32 $0x10;
	v3 =	vld.idx.msk [tilespmem:v0+s17+$0x0], $0xffff  }
0x5b: {  	v0 =	vld [tilespmem:s25+$0x186A0]  }
0x5c: {  	s24 =	simm.s32 $0x80;
	v1 =	vld [tilespmem:s25+$0x19FA0]  }
.LBB2_4:
0x5d: {  	_ =	sdelay $0x2  }
0x5e: {  	p1 =	sne.s32 s24, $0x63C0;
	s26 =	smov.u32 s24;
	s24 =	sadd.s32 $0x40, s24;
	v2 =	vsub.f32 v2, v3  }
0x5f: {  	_ = 	snop  }
0x60: {  	[tilespmem:s23+$0x1D1A0] =	vst v2;
	s23 =	smov.u32 s25  }
0x61: {  	v2 =	vld.idx.msk [tilespmem:v0+s1+$0x0], $0xffff  }
0x62: {  	v3 =	vld.idx.msk [tilespmem:v1+s1+$0x0], $0xffff;
	_ =	sdelay $0x5  }
0x63: {  	v2 =	vsub.f32 v3, v2;
	_ =	sdelay $0x1  }
.Ltmp6:
0x64: {  	[tilespmem:s23+$0x1B8A0] =	vst v2;
	(pc) =	sbr.rel @p1 .LBB2_4-.Ltmp6, $4  }
0x65: {  	v2 =	vld.idx.msk [tilespmem:v1+s17+$0x0], $0xffff  }
0x66: {  	s25 =	sshra.s32 s26, $0x2;
	v3 =	vld.idx.msk [tilespmem:v0+s17+$0x0], $0xffff  }
0x67: {  	v0 =	vld [tilespmem:s25+$0x186A0]  }
0x68: {  	v1 =	vld [tilespmem:s25+$0x19FA0]  }
0x69: {  	_ =	sdelay $0x3  }
0x6a: {  	v2 =	vsub.f32 v2, v3;
	_ =	sdelay $0x1  }
0x6b: {  	[tilespmem:s23+$0x1D1A0] =	vst v2  }
0x6c: {  	v2 =	vld.idx.msk [tilespmem:v0+s1+$0x0], $0xffff  }
0x6d: {  	v61 =	vld.idx.msk [tilespmem:v1+s1+$0x0], $0xffff;
	_ =	sdelay $0x4  }
0x6e: {  	v2 =	vsub.f32 v61, v2;
	_ =	sdelay $0x1  }
0x6f: {  	[tilespmem:s25+$0x1B8A0] =	vst v2  }
0x70: {  	v62 =	vld.idx.msk [tilespmem:v1+s17+$0x0], $0xffff  }
0x71: {  	v63 =	vld.idx.msk [tilespmem:v0+s17+$0x0], $0xffff;
	_ =	sdelay $0x4  }
0x72: {  	v0 =	vsub.f32 v62, v63;
	_ =	sdelay $0x1  }
0x73: {  	s30 =	sadd.s32 s8, s22;
	[tilespmem:s25+$0x1D1A0] =	vst v0  }
0x74: {  	[hbm4b:s30+s1] =	stream.linear.scatter [tilespmem:s16], [sflag:$0x1], $0x1900, $0x38;
	[tilespmem:$0x1EAA0] =	vst v63  }
0x75: {  	_ =	swait.ge [sflag:s13], $0x1900  }
0x76: {  	s21 =	sadd.s32 $0x1, s21;
	[sflag:s13] =	ssyncset.done $0x0  }
0x77: {  	s31 =	sadd.s32 s9, s22;
	p1 =	seq.s32 s21, $0x4;
	[sflag:s13] =	ssyncadd.s32 $0xFFFFE700  }
0x78: {  	[hbm4b:s31+s1] =	stream.linear.scatter [tilespmem:s18], [sflag:$0x1], $0x1900, $0x38;
	[tilespmem:$0x1EAA0] =	vst v63  }
.Ltmp7:
0x79: {  	_ = 	snop;
	(pc) =	sbr.rel @!p1 .LBB2_3-.Ltmp7, $4  }
.Ltmp8:
0x7a: {  	_ = 	snop;
	(pc) =	sbr.rel @p1 .LBB2_10-.Ltmp8, $4  }
0x7b: {  	_ =	swait.ge [sflag:s13], $0x1900  }
0x7c: {  	[sflag:s13] =	ssyncset.done $0x0  }
0x7d: {  	[sflag:s13] =	ssyncadd.s32 $0xFFFFE700  }
0x7e: {  	_ = 	snop  }
.LBB2_11:
0x7f: {  	_ =	sfence.sel $0x180000  }
0x80: {  	[bflag:$0x0] =	sbarrier.arrive $0xFFFF  }
0x81: {  	p0 =	sne.s32 s6, $0x0;
	_ =	strace $0x9000004A  }
0x82: {  	s0 =	sadd.s32 @!p0 $0x100000, s0;
	[bflag:$0x2] =	sbarrier.arrive $0xFFFF  }
0x83: {  	[sflag:s0] =	ssyncadd.tile.s32 @!p0 $0x1;
	_ =	shalt  }
.Lfunc_end2:
_tile_overlayer_lowered:
.L_overlay_start_2:
0x84: {  	(tag) =	ssettag $0x2  }
0x85: {  	s0 =	rddreg [dreg:$0x0];
	s2 =	stileid.u32  }
0x86: {  	s1 =	rddreg [dreg:$0x1];
	p0 =	sne.s32 s2, $0x0  }
0x87: {  	s3 =	rddreg [dreg:$0x2];
	[bflag:$0x3] =	sbarrier.arrive $0xFFFF;
	s2 =	simm.s32 @!p0 $0x1C01  }
0x88: {  	[timem:s3], [sflag:s2] =	dma.local @!p0 [hbm:s0], s1  }
0x89: {  	s0 =	simm.s32 @!p0 $0x1  }
0x8a: {  	_ =	swait.ge @!p0 [sflag:s0], s1  }
0x8b: {  	s1 =	ssub.s32 @!p0 $0x0, s1;
	[sflag:s0] =	ssyncset.done @!p0 $0x0  }
0x8c: {  	[sflag:s0] =	ssyncadd.s32 @!p0 s1  }
0x8d: {  	[bflag:$0x3] =	sbarrier.arrive $0xFFFF  }
0x8e: {  	_ =	shalt  }

</sc_bundles>
